<compile_context>
chip_gen: v7x
topology: tpu7x:2x2x1
jax: 0.10.2.dev20260603
libtpu: 0.0.44.dev20260713+nightly
codegen_flags: <defaults>
</compile_context>

<pallas_src>
import dataclasses
import functools

import jax
import jax.numpy as jnp
from jax import lax
from jax.experimental import pallas as pl
from jax.experimental.pallas import tpu as pltpu
from jax.experimental.pallas import tpu_sc as plsc

B, M, C, H, W = 8, 2048, 192, 224, 224
HW = H * W
CP = 256

NC, NS, L = 2, 16, 16
NW = NC * NS
KPW = (B * M) // NW
CK = 128
NCH = KPW // CK
NBUF = 2

HB = 32

_mesh = plsc.VectorSubcoreMesh(core_axis_name="c", subcore_axis_name="s")

_cp = pltpu.CompilerParams()
if "needs_layout_passes" in pltpu.CompilerParams.__dataclass_fields__:
    _cp = dataclasses.replace(_cp, needs_layout_passes=False)


def _transpose_kernel(seg_ref, out_ref):
    x = seg_ref[0]
    for h in range(HB):
        out_ref[0, h, :, :C] = x[:, h, :].T


_transpose = pl.pallas_call(
    _transpose_kernel,
    grid=(B, H // HB),
    in_specs=[pl.BlockSpec((1, C, HB, W), lambda b, t: (b, 0, t, 0))],
    out_specs=pl.BlockSpec((1, HB, W, CP), lambda b, t: (b, t, 0, 0)),
    out_shape=jax.ShapeDtypeStruct((B, H, W, CP), jnp.float32),
)


@functools.partial(
    pl.kernel,
    mesh=_mesh,
    compiler_params=_cp,
    out_type=jax.ShapeDtypeStruct((B * M, CP), jnp.float32),
    scratch_types=[
        pltpu.VMEM((KPW * 2,), jnp.float32),
        pltpu.VMEM((KPW,), jnp.int32),
        pltpu.VMEM((NBUF, CK, CP), jnp.float32),
        pltpu.SemaphoreType.DMA,
    ],
)
def _gather_rows(kpts_hbm, table_hbm, out_hbm, kv, iv, rv, sem):
    wid = lax.axis_index("s") * NC + lax.axis_index("c")
    kp0 = wid * KPW
    b = kp0 // M
    rbase = b * HW

    lanes = lax.iota(jnp.int32, L)

    pltpu.sync_copy(kpts_hbm.at[pl.ds(kp0 * 2, KPW * 2)], kv)

    for j in range(KPW // L):
        ev = lanes * 2 + (j * 2 * L)
        xf = plsc.load_gather(kv, [ev]) * float(H)
        yf = plsc.load_gather(kv, [ev + 1]) * float(W)
        xi = xf.astype(jnp.int32)
        xi = jnp.where(xi.astype(jnp.float32) > xf, xi - 1, xi)
        yi = yf.astype(jnp.int32)
        yi = jnp.where(yi.astype(jnp.float32) > yf, yi - 1, yi)
        p = jnp.minimum(jnp.maximum(xi * W + yi, 0), HW - 1)
        iv[pl.ds(j * L, L)] = p + rbase

    def _fire(t):
        return pltpu.async_copy(
            table_hbm.at[iv.at[pl.ds(t * CK, CK)]],
            rv.at[t % NBUF],
            sem,
        )

    cps = [_fire(t) for t in range(NBUF)]
    for t in range(NCH):
        cps[t % NBUF].wait()
        pltpu.sync_copy(rv.at[t % NBUF], out_hbm.at[pl.ds(kp0 + t * CK, CK)])
        if t + NBUF < NCH:
            cps[t % NBUF] = _fire(t + NBUF)


def kernel(original_kpts, segment):
    table = _transpose(segment).reshape(B * HW, CP)
    out = _gather_rows(original_kpts.reshape(-1), table)
    return out[:, :C].reshape(B, M, C)

# --- scband reference (transcript-rebuilt; emitter-appended) ---
"""Pipeline reference for scband-get-si-16939351016310 (READ-ONLY COPY).

The authoritative reference and input builder live on the scoring server;
editing this copy changes nothing except your own understanding.
"""

import jax, jax.numpy as jnp
import numpy as np


def setup_inputs(seed: int = 0) -> dict:
    key = jax.random.key(seed)
    k1, k2 = jax.random.split(key)
    # normalized keypoints in [0,1): [batch, m, 2]
    original_kpts = jax.random.uniform(k1, (8, 2048, 2), dtype=jnp.float32)
    # segmentation feature map: [batch, c, h, w]
    segment = jax.random.normal(k2, (8, 192, 224, 224), dtype=jnp.float32)
    return {"original_kpts": original_kpts, "segment": segment}


def _expand_dimension(wx, c):
    # torch: unsqueeze(dim=2) then repeat(1,1,c)
    wx = wx[:, :, None]
    wx = jnp.repeat(wx, c, axis=2)
    return wx


def reference(original_kpts, segment):
    batchsize, c, h, w = segment.shape
    m = original_kpts.shape[1]
    x = jnp.transpose(original_kpts[:, :, 0], (1, 0))  # [m, batch]
    y = jnp.transpose(original_kpts[:, :, 1], (1, 0))  # [m, batch]
    x = x * h
    y = y * w
    x = jnp.floor(x).astype(jnp.int32)
    y = jnp.floor(y).astype(jnp.int32)
    x = jnp.transpose(_expand_dimension(x, c), (0, 2, 1))  # [m, c, batch]
    y = jnp.transpose(_expand_dimension(y, c), (0, 2, 1))  # [m, c, batch]
    indices = x * w + y
    indices = jnp.clip(indices, 0, h * w)
    # torch: segment.permute(2,3,1,0).view(-1, c, batchsize)
    fsegment = jnp.transpose(segment, (2, 3, 1, 0)).reshape(-1, c, batchsize)  # [h*w, c, batch]
    # torch.gather(fsegment, 0, indices)
    result = jnp.take_along_axis(fsegment, indices, axis=0, mode="clip")  # [m, c, batch]
    result = jnp.transpose(result, (2, 0, 1))  # [batch, m, c]
    return result

if __name__ == "__main__":
    import jax
    _d = setup_inputs()
    print(jax.jit(kernel)(*tuple(_d.values())))

</pallas_src>

<mosaic_0001>
#map = affine_map<(d0, d1) -> (0)>
#map1 = affine_map<(d0, d1) -> (0, 0)>
module attributes {stable_mosaic.version = 14 : i64} {
  func.func @_gather_rows(%arg0: i32, %arg1: i32, %arg2: memref<32768xf32, #tpu.memory_space<hbm>>, %arg3: memref<401408x256xf32, #tpu.memory_space<hbm>>, %arg4: memref<16384x256xf32, #tpu.memory_space<hbm>>, %arg5: memref<1024xf32, #tpu.memory_space<vmem>>, %arg6: memref<512xi32, #tpu.memory_space<vmem>>, %arg7: memref<2x128x256xf32, #tpu.memory_space<vmem>>, %arg8: memref<!tpu.dma_semaphore, #tpu.memory_space<semaphore_mem>>) attributes {dimension_semantics = [#tpu.dimension_semantics<core_parallel>, #tpu.dimension_semantics<subcore_parallel>], iteration_bounds = array<i64: 2, 16>, scalar_prefetch = 0 : i64, scratch_operands = 4 : i64, tpu.core_type = #tpu.core_type<sc_vector_subcore>, window_params = [{transform_indices = #map}, {transform_indices = #map1}, {transform_indices = #map1}]} {
    %mul3A = arith.constant 2 : i32
    %mul3A_0 = arith.muli %arg1, %mul3A : i32
    %add3A = arith.addi %mul3A_0, %arg0 : i32
    %mul3A_1 = arith.constant 512 : i32
    %mul3A_2 = arith.muli %add3A, %mul3A_1 : i32
    %jit3A = arith.constant 2048 : i32
    %div3A = arith.divsi %mul3A_2, %jit3A : i32
    %sign3A = arith.constant 0 : i32
    %sign3A_3 = arith.cmpi sgt, %mul3A_2, %sign3A : i32
    %sign3A_4 = arith.extui %sign3A_3 : i1 to i32
    %sign3A_5 = arith.constant 0 : i32
    %sign3A_6 = arith.cmpi slt, %mul3A_2, %sign3A_5 : i32
    %sign3A_7 = arith.extui %sign3A_6 : i1 to i32
    %sign3A_8 = arith.subi %sign3A_4, %sign3A_7 : i32
    %sign3A_9 = arith.constant 0 : i32
    %sign3A_10 = arith.cmpi sgt, %jit3A, %sign3A_9 : i32
    %sign3A_11 = arith.extui %sign3A_10 : i1 to i32
    %sign3A_12 = arith.constant 0 : i32
    %sign3A_13 = arith.cmpi slt, %jit3A, %sign3A_12 : i32
    %sign3A_14 = arith.extui %sign3A_13 : i1 to i32
    %sign3A_15 = arith.subi %sign3A_11, %sign3A_14 : i32
    %ne3A = arith.cmpi ne, %sign3A_8, %sign3A_15 : i32
    %rem3A = arith.remsi %mul3A_2, %jit3A : i32
    %ne3A_16 = arith.constant 0 : i32
    %ne3A_17 = arith.cmpi ne, %rem3A, %ne3A_16 : i32
    %and3A = arith.andi %ne3A, %ne3A_17 : i1
    %sub3A = arith.constant 1 : i32
    %sub3A_18 = arith.subi %div3A, %sub3A : i32
    %select_n3A = arith.select %and3A, %sub3A_18, %div3A : i32
    %mul3A_19 = arith.constant 50176 : i32
    %mul3A_20 = arith.muli %select_n3A, %mul3A_19 : i32
    %iota3A = tpu.iota {dimensions = array<i32: 0>} : vector<16xi32>
    %mul3A_21 = arith.constant 2 : i32
    %mul3A_22 = arith.muli %mul3A_2, %mul3A_21 : i32
    "tpu.region"() ({
      %run_scoped3A_1546 = tpu.sem_alloc : memref<!tpu.dma_semaphore, #tpu.memory_space<semaphore_mem>>
      %dma_start3A_1547 = tpu.memref_slice %arg2[%mul3A_22] : memref<32768xf32, #tpu.memory_space<hbm>> -> memref<1024xf32, #tpu.memory_space<hbm>>
      %dma_start3A_1548 = tpu.memref_slice %arg2[%mul3A_22] : memref<32768xf32, #tpu.memory_space<hbm>> -> memref<1024xf32, #tpu.memory_space<hbm>>
      tpu.enqueue_dma source(%dma_start3A_1548 : memref<1024xf32, #tpu.memory_space<hbm>>) target(%arg5 : memref<1024xf32, #tpu.memory_space<vmem>>) target_semaphore(%run_scoped3A_1546 : memref<!tpu.dma_semaphore, #tpu.memory_space<semaphore_mem>>)
      %dma_wait3A_1549 = tpu.memref_slice %arg2[%mul3A_22] : memref<32768xf32, #tpu.memory_space<hbm>> -> memref<1024xf32, #tpu.memory_space<hbm>>
      %dma_wait3A_1550 = tpu.memref_slice %arg2[%mul3A_22] : memref<32768xf32, #tpu.memory_space<hbm>> -> memref<1024xf32, #tpu.memory_space<hbm>>
      tpu.wait_dma2 semaphore(%run_scoped3A_1546 : memref<!tpu.dma_semaphore, #tpu.memory_space<semaphore_mem>>) src(%dma_wait3A_1550 : memref<1024xf32, #tpu.memory_space<hbm>>) dst(%arg5 : memref<1024xf32, #tpu.memory_space<vmem>>)
      tpu.yield
    }) : () -> ()
    %mul3A_23 = arith.constant 2 : i32
    %mul3A_24 = vector.broadcast %mul3A_23 : i32 to vector<16xi32>
    %mul3A_25 = arith.muli %iota3A, %mul3A_24 : vector<16xi32>
    %add3A_26 = arith.constant 0 : i32
    %add3A_27 = vector.broadcast %add3A_26 : i32 to vector<16xi32>
    %add3A_28 = arith.addi %mul3A_25, %add3A_27 : vector<16xi32>
    %gather3A = tpu.vector_load_idx %arg5[%add3A_28] : memref<1024xf32, #tpu.memory_space<vmem>>[vector<16xi32>], vector<16xf32>,
    %mul3A_29 = arith.constant 2.240000e+02 : f32
    %mul3A_30 = vector.broadcast %mul3A_29 : f32 to vector<16xf32>
    %mul3A_31 = arith.mulf %gather3A, %mul3A_30 : vector<16xf32>
    %add3A_32 = arith.constant 1 : i32
    %add3A_33 = vector.broadcast %add3A_32 : i32 to vector<16xi32>
    %add3A_34 = arith.addi %add3A_28, %add3A_33 : vector<16xi32>
    %gather3A_35 = tpu.vector_load_idx %arg5[%add3A_34] : memref<1024xf32, #tpu.memory_space<vmem>>[vector<16xi32>], vector<16xf32>,
    %mul3A_36 = arith.constant 2.240000e+02 : f32
    %mul3A_37 = vector.broadcast %mul3A_36 : f32 to vector<16xf32>
    %mul3A_38 = arith.mulf %gather3A_35, %mul3A_37 : vector<16xf32>
    %convert_element_type3A = arith.fptosi %mul3A_31 : vector<16xf32> to vector<16xi32>
    %convert_element_type3A_39 = arith.sitofp %convert_element_type3A : vector<16xi32> to vector<16xf32>
    %gt3A = arith.cmpf ogt, %convert_element_type3A_39, %mul3A_31 : vector<16xf32>
    %sub3A_40 = arith.constant 1 : i32
    %sub3A_41 = vector.broadcast %sub3A_40 : i32 to vector<16xi32>
    %sub3A_42 = arith.subi %convert_element_type3A, %sub3A_41 : vector<16xi32>
    %select_n3A_43 = arith.select %gt3A, %sub3A_42, %convert_element_type3A : vector<16xi1>, vector<16xi32>
    %convert_element_type3A_44 = arith.fptosi %mul3A_38 : vector<16xf32> to vector<16xi32>
    %convert_element_type3A_45 = arith.sitofp %convert_element_type3A_44 : vector<16xi32> to vector<16xf32>
    %gt3A_46 = arith.cmpf ogt, %convert_element_type3A_45, %mul3A_38 : vector<16xf32>
    %sub3A_47 = arith.constant 1 : i32
    %sub3A_48 = vector.broadcast %sub3A_47 : i32 to vector<16xi32>
    %sub3A_49 = arith.subi %convert_element_type3A_44, %sub3A_48 : vector<16xi32>
    %select_n3A_50 = arith.select %gt3A_46, %sub3A_49, %convert_element_type3A_44 : vector<16xi1>, vector<16xi32>
    %mul3A_51 = arith.constant 224 : i32
    %mul3A_52 = vector.broadcast %mul3A_51 : i32 to vector<16xi32>
    %mul3A_53 = arith.muli %select_n3A_43, %mul3A_52 : vector<16xi32>
    %add3A_54 = arith.addi %mul3A_53, %select_n3A_50 : vector<16xi32>
    %max3A = arith.constant 0 : i32
    %max3A_55 = vector.broadcast %max3A : i32 to vector<16xi32>
    %max3A_56 = arith.maxsi %add3A_54, %max3A_55 : vector<16xi32>
    %min3A = arith.constant 50175 : i32
    %min3A_57 = vector.broadcast %min3A : i32 to vector<16xi32>
    %min3A_58 = arith.minsi %max3A_56, %min3A_57 : vector<16xi32>
    %add3A_59 = vector.broadcast %mul3A_20 : i32 to vector<16xi32>
    %add3A_60 = arith.addi %min3A_58, %add3A_59 : vector<16xi32>
    %swap3A = arith.constant 0 : index
    %swap3A_61 = tpu.vector_load %arg6[%swap3A] {strides = array<i32>} : memref<512xi32, #tpu.memory_space<vmem>>, vector<16xi32>,
    tpu.vector_store %arg6[%swap3A], %add3A_60 {strides = array<i32>} : memref<512xi32, #tpu.memory_space<vmem>>, vector<16xi32>,
    %mul3A_62 = arith.constant 2 : i32
    %mul3A_63 = vector.broadcast %mul3A_62 : i32 to vector<16xi32>
    %mul3A_64 = arith.muli %iota3A, %mul3A_63 : vector<16xi32>
    %add3A_65 = arith.constant 32 : i32
    %add3A_66 = vector.broadcast %add3A_65 : i32 to vector<16xi32>
    %add3A_67 = arith.addi %mul3A_64, %add3A_66 : vector<16xi32>
    %gather3A_68 = tpu.vector_load_idx %arg5[%add3A_67] : memref<1024xf32, #tpu.memory_space<vmem>>[vector<16xi32>], vector<16xf32>,
    %mul3A_69 = arith.constant 2.240000e+02 : f32
    %mul3A_70 = vector.broadcast %mul3A_69 : f32 to vector<16xf32>
    %mul3A_71 = arith.mulf %gather3A_68, %mul3A_70 : vector<16xf32>
    %add3A_72 = arith.constant 1 : i32
    %add3A_73 = vector.broadcast %add3A_72 : i32 to vector<16xi32>
    %add3A_74 = arith.addi %add3A_67, %add3A_73 : vector<16xi32>
    %gather3A_75 = tpu.vector_load_idx %arg5[%add3A_74] : memref<1024xf32, #tpu.memory_space<vmem>>[vector<16xi32>], vector<16xf32>,
    %mul3A_76 = arith.constant 2.240000e+02 : f32
    %mul3A_77 = vector.broadcast %mul3A_76 : f32 to vector<16xf32>
    %mul3A_78 = arith.mulf %gather3A_75, %mul3A_77 : vector<16xf32>
    %convert_element_type3A_79 = arith.fptosi %mul3A_71 : vector<16xf32> to vector<16xi32>
    %convert_element_type3A_80 = arith.sitofp %convert_element_type3A_79 : vector<16xi32> to vector<16xf32>
    %gt3A_81 = arith.cmpf ogt, %convert_element_type3A_80, %mul3A_71 : vector<16xf32>
    %sub3A_82 = arith.constant 1 : i32
    %sub3A_83 = vector.broadcast %sub3A_82 : i32 to vector<16xi32>
    %sub3A_84 = arith.subi %convert_element_type3A_79, %sub3A_83 : vector<16xi32>
    %select_n3A_85 = arith.select %gt3A_81, %sub3A_84, %convert_element_type3A_79 : vector<16xi1>, vector<16xi32>
    %convert_element_type3A_86 = arith.fptosi %mul3A_78 : vector<16xf32> to vector<16xi32>
    %convert_element_type3A_87 = arith.sitofp %convert_element_type3A_86 : vector<16xi32> to vector<16xf32>
    %gt3A_88 = arith.cmpf ogt, %convert_element_type3A_87, %mul3A_78 : vector<16xf32>
    %sub3A_89 = arith.constant 1 : i32
    %sub3A_90 = vector.broadcast %sub3A_89 : i32 to vector<16xi32>
    %sub3A_91 = arith.subi %convert_element_type3A_86, %sub3A_90 : vector<16xi32>
    %select_n3A_92 = arith.select %gt3A_88, %sub3A_91, %convert_element_type3A_86 : vector<16xi1>, vector<16xi32>
    %mul3A_93 = arith.constant 224 : i32
    %mul3A_94 = vector.broadcast %mul3A_93 : i32 to vector<16xi32>
    %mul3A_95 = arith.muli %select_n3A_85, %mul3A_94 : vector<16xi32>
    %add3A_96 = arith.addi %mul3A_95, %select_n3A_92 : vector<16xi32>
    %max3A_97 = arith.constant 0 : i32
    %max3A_98 = vector.broadcast %max3A_97 : i32 to vector<16xi32>
    %max3A_99 = arith.maxsi %add3A_96, %max3A_98 : vector<16xi32>
    %min3A_100 = arith.constant 50175 : i32
    %min3A_101 = vector.broadcast %min3A_100 : i32 to vector<16xi32>
    %min3A_102 = arith.minsi %max3A_99, %min3A_101 : vector<16xi32>
    %add3A_103 = vector.broadcast %mul3A_20 : i32 to vector<16xi32>
    %add3A_104 = arith.addi %min3A_102, %add3A_103 : vector<16xi32>
    %swap3A_105 = arith.constant 16 : index
    %swap3A_106 = tpu.vector_load %arg6[%swap3A_105] {strides = array<i32>} : memref<512xi32, #tpu.memory_space<vmem>>, vector<16xi32>,
    tpu.vector_store %arg6[%swap3A_105], %add3A_104 {strides = array<i32>} : memref<512xi32, #tpu.memory_space<vmem>>, vector<16xi32>,
    %mul3A_107 = arith.constant 2 : i32
    %mul3A_108 = vector.broadcast %mul3A_107 : i32 to vector<16xi32>
    %mul3A_109 = arith.muli %iota3A, %mul3A_108 : vector<16xi32>
    %add3A_110 = arith.constant 64 : i32
    %add3A_111 = vector.broadcast %add3A_110 : i32 to vector<16xi32>
    %add3A_112 = arith.addi %mul3A_109, %add3A_111 : vector<16xi32>
    %gather3A_113 = tpu.vector_load_idx %arg5[%add3A_112] : memref<1024xf32, #tpu.memory_space<vmem>>[vector<16xi32>], vector<16xf32>,
    %mul3A_114 = arith.constant 2.240000e+02 : f32
    %mul3A_115 = vector.broadcast %mul3A_114 : f32 to vector<16xf32>
    %mul3A_116 = arith.mulf %gather3A_113, %mul3A_115 : vector<16xf32>
    %add3A_117 = arith.constant 1 : i32
    %add3A_118 = vector.broadcast %add3A_117 : i32 to vector<16xi32>
    %add3A_119 = arith.addi %add3A_112, %add3A_118 : vector<16xi32>
    %gather3A_120 = tpu.vector_load_idx %arg5[%add3A_119] : memref<1024xf32, #tpu.memory_space<vmem>>[vector<16xi32>], vector<16xf32>,
    %mul3A_121 = arith.constant 2.240000e+02 : f32
    %mul3A_122 = vector.broadcast %mul3A_121 : f32 to vector<16xf32>
    %mul3A_123 = arith.mulf %gather3A_120, %mul3A_122 : vector<16xf32>
    %convert_element_type3A_124 = arith.fptosi %mul3A_116 : vector<16xf32> to vector<16xi32>
    %convert_element_type3A_125 = arith.sitofp %convert_element_type3A_124 : vector<16xi32> to vector<16xf32>
    %gt3A_126 = arith.cmpf ogt, %convert_element_type3A_125, %mul3A_116 : vector<16xf32>
    %sub3A_127 = arith.constant 1 : i32
    %sub3A_128 = vector.broadcast %sub3A_127 : i32 to vector<16xi32>
    %sub3A_129 = arith.subi %convert_element_type3A_124, %sub3A_128 : vector<16xi32>
    %select_n3A_130 = arith.select %gt3A_126, %sub3A_129, %convert_element_type3A_124 : vector<16xi1>, vector<16xi32>
    %convert_element_type3A_131 = arith.fptosi %mul3A_123 : vector<16xf32> to vector<16xi32>
    %convert_element_type3A_132 = arith.sitofp %convert_element_type3A_131 : vector<16xi32> to vector<16xf32>
    %gt3A_133 = arith.cmpf ogt, %convert_element_type3A_132, %mul3A_123 : vector<16xf32>
    %sub3A_134 = arith.constant 1 : i32
    %sub3A_135 = vector.broadcast %sub3A_134 : i32 to vector<16xi32>
    %sub3A_136 = arith.subi %convert_element_type3A_131, %sub3A_135 : vector<16xi32>
    %select_n3A_137 = arith.select %gt3A_133, %sub3A_136, %convert_element_type3A_131 : vector<16xi1>, vector<16xi32>
    %mul3A_138 = arith.constant 224 : i32
    %mul3A_139 = vector.broadcast %mul3A_138 : i32 to vector<16xi32>
    %mul3A_140 = arith.muli %select_n3A_130, %mul3A_139 : vector<16xi32>
    %add3A_141 = arith.addi %mul3A_140, %select_n3A_137 : vector<16xi32>
    %max3A_142 = arith.constant 0 : i32
    %max3A_143 = vector.broadcast %max3A_142 : i32 to vector<16xi32>
    %max3A_144 = arith.maxsi %add3A_141, %max3A_143 : vector<16xi32>
    %min3A_145 = arith.constant 50175 : i32
    %min3A_146 = vector.broadcast %min3A_145 : i32 to vector<16xi32>
    %min3A_147 = arith.minsi %max3A_144, %min3A_146 : vector<16xi32>
    %add3A_148 = vector.broadcast %mul3A_20 : i32 to vector<16xi32>
    %add3A_149 = arith.addi %min3A_147, %add3A_148 : vector<16xi32>
    %swap3A_150 = arith.constant 32 : index
    %swap3A_151 = tpu.vector_load %arg6[%swap3A_150] {strides = array<i32>} : memref<512xi32, #tpu.memory_space<vmem>>, vector<16xi32>,
    tpu.vector_store %arg6[%swap3A_150], %add3A_149 {strides = array<i32>} : memref<512xi32, #tpu.memory_space<vmem>>, vector<16xi32>,
    %mul3A_152 = arith.constant 2 : i32
    %mul3A_153 = vector.broadcast %mul3A_152 : i32 to vector<16xi32>
    %mul3A_154 = arith.muli %iota3A, %mul3A_153 : vector<16xi32>
    %add3A_155 = arith.constant 96 : i32
    %add3A_156 = vector.broadcast %add3A_155 : i32 to vector<16xi32>
    %add3A_157 = arith.addi %mul3A_154, %add3A_156 : vector<16xi32>
    %gather3A_158 = tpu.vector_load_idx %arg5[%add3A_157] : memref<1024xf32, #tpu.memory_space<vmem>>[vector<16xi32>], vector<16xf32>,
    %mul3A_159 = arith.constant 2.240000e+02 : f32
    %mul3A_160 = vector.broadcast %mul3A_159 : f32 to vector<16xf32>
    %mul3A_161 = arith.mulf %gather3A_158, %mul3A_160 : vector<16xf32>
    %add3A_162 = arith.constant 1 : i32
    %add3A_163 = vector.broadcast %add3A_162 : i32 to vector<16xi32>
    %add3A_164 = arith.addi %add3A_157, %add3A_163 : vector<16xi32>
    %gather3A_165 = tpu.vector_load_idx %arg5[%add3A_164] : memref<1024xf32, #tpu.memory_space<vmem>>[vector<16xi32>], vector<16xf32>,
    %mul3A_166 = arith.constant 2.240000e+02 : f32
    %mul3A_167 = vector.broadcast %mul3A_166 : f32 to vector<16xf32>
    %mul3A_168 = arith.mulf %gather3A_165, %mul3A_167 : vector<16xf32>
    %convert_element_type3A_169 = arith.fptosi %mul3A_161 : vector<16xf32> to vector<16xi32>
    %convert_element_type3A_170 = arith.sitofp %convert_element_type3A_169 : vector<16xi32> to vector<16xf32>
    %gt3A_171 = arith.cmpf ogt, %convert_element_type3A_170, %mul3A_161 : vector<16xf32>
    %sub3A_172 = arith.constant 1 : i32
    %sub3A_173 = vector.broadcast %sub3A_172 : i32 to vector<16xi32>
    %sub3A_174 = arith.subi %convert_element_type3A_169, %sub3A_173 : vector<16xi32>
    %select_n3A_175 = arith.select %gt3A_171, %sub3A_174, %convert_element_type3A_169 : vector<16xi1>, vector<16xi32>
    %convert_element_type3A_176 = arith.fptosi %mul3A_168 : vector<16xf32> to vector<16xi32>
    %convert_element_type3A_177 = arith.sitofp %convert_element_type3A_176 : vector<16xi32> to vector<16xf32>
    %gt3A_178 = arith.cmpf ogt, %convert_element_type3A_177, %mul3A_168 : vector<16xf32>
    %sub3A_179 = arith.constant 1 : i32
    %sub3A_180 = vector.broadcast %sub3A_179 : i32 to vector<16xi32>
    %sub3A_181 = arith.subi %convert_element_type3A_176, %sub3A_180 : vector<16xi32>
    %select_n3A_182 = arith.select %gt3A_178, %sub3A_181, %convert_element_type3A_176 : vector<16xi1>, vector<16xi32>
    %mul3A_183 = arith.constant 224 : i32
    %mul3A_184 = vector.broadcast %mul3A_183 : i32 to vector<16xi32>
    %mul3A_185 = arith.muli %select_n3A_175, %mul3A_184 : vector<16xi32>
    %add3A_186 = arith.addi %mul3A_185, %select_n3A_182 : vector<16xi32>
    %max3A_187 = arith.constant 0 : i32
    %max3A_188 = vector.broadcast %max3A_187 : i32 to vector<16xi32>
    %max3A_189 = arith.maxsi %add3A_186, %max3A_188 : vector<16xi32>
    %min3A_190 = arith.constant 50175 : i32
    %min3A_191 = vector.broadcast %min3A_190 : i32 to vector<16xi32>
    %min3A_192 = arith.minsi %max3A_189, %min3A_191 : vector<16xi32>
    %add3A_193 = vector.broadcast %mul3A_20 : i32 to vector<16xi32>
    %add3A_194 = arith.addi %min3A_192, %add3A_193 : vector<16xi32>
    %swap3A_195 = arith.constant 48 : index
    %swap3A_196 = tpu.vector_load %arg6[%swap3A_195] {strides = array<i32>} : memref<512xi32, #tpu.memory_space<vmem>>, vector<16xi32>,
    tpu.vector_store %arg6[%swap3A_195], %add3A_194 {strides = array<i32>} : memref<512xi32, #tpu.memory_space<vmem>>, vector<16xi32>,
    %mul3A_197 = arith.constant 2 : i32
    %mul3A_198 = vector.broadcast %mul3A_197 : i32 to vector<16xi32>
    %mul3A_199 = arith.muli %iota3A, %mul3A_198 : vector<16xi32>
    %add3A_200 = arith.constant 128 : i32
    %add3A_201 = vector.broadcast %add3A_200 : i32 to vector<16xi32>
    %add3A_202 = arith.addi %mul3A_199, %add3A_201 : vector<16xi32>
    %gather3A_203 = tpu.vector_load_idx %arg5[%add3A_202] : memref<1024xf32, #tpu.memory_space<vmem>>[vector<16xi32>], vector<16xf32>,
    %mul3A_204 = arith.constant 2.240000e+02 : f32
    %mul3A_205 = vector.broadcast %mul3A_204 : f32 to vector<16xf32>
    %mul3A_206 = arith.mulf %gather3A_203, %mul3A_205 : vector<16xf32>
    %add3A_207 = arith.constant 1 : i32
    %add3A_208 = vector.broadcast %add3A_207 : i32 to vector<16xi32>
    %add3A_209 = arith.addi %add3A_202, %add3A_208 : vector<16xi32>
    %gather3A_210 = tpu.vector_load_idx %arg5[%add3A_209] : memref<1024xf32, #tpu.memory_space<vmem>>[vector<16xi32>], vector<16xf32>,
    %mul3A_211 = arith.constant 2.240000e+02 : f32
    %mul3A_212 = vector.broadcast %mul3A_211 : f32 to vector<16xf32>
    %mul3A_213 = arith.mulf %gather3A_210, %mul3A_212 : vector<16xf32>
    %convert_element_type3A_214 = arith.fptosi %mul3A_206 : vector<16xf32> to vector<16xi32>
    %convert_element_type3A_215 = arith.sitofp %convert_element_type3A_214 : vector<16xi32> to vector<16xf32>
    %gt3A_216 = arith.cmpf ogt, %convert_element_type3A_215, %mul3A_206 : vector<16xf32>
    %sub3A_217 = arith.constant 1 : i32
    %sub3A_218 = vector.broadcast %sub3A_217 : i32 to vector<16xi32>
    %sub3A_219 = arith.subi %convert_element_type3A_214, %sub3A_218 : vector<16xi32>
    %select_n3A_220 = arith.select %gt3A_216, %sub3A_219, %convert_element_type3A_214 : vector<16xi1>, vector<16xi32>
    %convert_element_type3A_221 = arith.fptosi %mul3A_213 : vector<16xf32> to vector<16xi32>
    %convert_element_type3A_222 = arith.sitofp %convert_element_type3A_221 : vector<16xi32> to vector<16xf32>
    %gt3A_223 = arith.cmpf ogt, %convert_element_type3A_222, %mul3A_213 : vector<16xf32>
    %sub3A_224 = arith.constant 1 : i32
    %sub3A_225 = vector.broadcast %sub3A_224 : i32 to vector<16xi32>
    %sub3A_226 = arith.subi %convert_element_type3A_221, %sub3A_225 : vector<16xi32>
    %select_n3A_227 = arith.select %gt3A_223, %sub3A_226, %convert_element_type3A_221 : vector<16xi1>, vector<16xi32>
    %mul3A_228 = arith.constant 224 : i32
    %mul3A_229 = vector.broadcast %mul3A_228 : i32 to vector<16xi32>
    %mul3A_230 = arith.muli %select_n3A_220, %mul3A_229 : vector<16xi32>
    %add3A_231 = arith.addi %mul3A_230, %select_n3A_227 : vector<16xi32>
    %max3A_232 = arith.constant 0 : i32
    %max3A_233 = vector.broadcast %max3A_232 : i32 to vector<16xi32>
    %max3A_234 = arith.maxsi %add3A_231, %max3A_233 : vector<16xi32>
    %min3A_235 = arith.constant 50175 : i32
    %min3A_236 = vector.broadcast %min3A_235 : i32 to vector<16xi32>
    %min3A_237 = arith.minsi %max3A_234, %min3A_236 : vector<16xi32>
    %add3A_238 = vector.broadcast %mul3A_20 : i32 to vector<16xi32>
    %add3A_239 = arith.addi %min3A_237, %add3A_238 : vector<16xi32>
    %swap3A_240 = arith.constant 64 : index
    %swap3A_241 = tpu.vector_load %arg6[%swap3A_240] {strides = array<i32>} : memref<512xi32, #tpu.memory_space<vmem>>, vector<16xi32>,
    tpu.vector_store %arg6[%swap3A_240], %add3A_239 {strides = array<i32>} : memref<512xi32, #tpu.memory_space<vmem>>, vector<16xi32>,
    %mul3A_242 = arith.constant 2 : i32
    %mul3A_243 = vector.broadcast %mul3A_242 : i32 to vector<16xi32>
    %mul3A_244 = arith.muli %iota3A, %mul3A_243 : vector<16xi32>
    %add3A_245 = arith.constant 160 : i32
    %add3A_246 = vector.broadcast %add3A_245 : i32 to vector<16xi32>
    %add3A_247 = arith.addi %mul3A_244, %add3A_246 : vector<16xi32>
    %gather3A_248 = tpu.vector_load_idx %arg5[%add3A_247] : memref<1024xf32, #tpu.memory_space<vmem>>[vector<16xi32>], vector<16xf32>,
    %mul3A_249 = arith.constant 2.240000e+02 : f32
    %mul3A_250 = vector.broadcast %mul3A_249 : f32 to vector<16xf32>
    %mul3A_251 = arith.mulf %gather3A_248, %mul3A_250 : vector<16xf32>
    %add3A_252 = arith.constant 1 : i32
    %add3A_253 = vector.broadcast %add3A_252 : i32 to vector<16xi32>
    %add3A_254 = arith.addi %add3A_247, %add3A_253 : vector<16xi32>
    %gather3A_255 = tpu.vector_load_idx %arg5[%add3A_254] : memref<1024xf32, #tpu.memory_space<vmem>>[vector<16xi32>], vector<16xf32>,
    %mul3A_256 = arith.constant 2.240000e+02 : f32
    %mul3A_257 = vector.broadcast %mul3A_256 : f32 to vector<16xf32>
    %mul3A_258 = arith.mulf %gather3A_255, %mul3A_257 : vector<16xf32>
    %convert_element_type3A_259 = arith.fptosi %mul3A_251 : vector<16xf32> to vector<16xi32>
    %convert_element_type3A_260 = arith.sitofp %convert_element_type3A_259 : vector<16xi32> to vector<16xf32>
    %gt3A_261 = arith.cmpf ogt, %convert_element_type3A_260, %mul3A_251 : vector<16xf32>
    %sub3A_262 = arith.constant 1 : i32
    %sub3A_263 = vector.broadcast %sub3A_262 : i32 to vector<16xi32>
    %sub3A_264 = arith.subi %convert_element_type3A_259, %sub3A_263 : vector<16xi32>
    %select_n3A_265 = arith.select %gt3A_261, %sub3A_264, %convert_element_type3A_259 : vector<16xi1>, vector<16xi32>
    %convert_element_type3A_266 = arith.fptosi %mul3A_258 : vector<16xf32> to vector<16xi32>
    %convert_element_type3A_267 = arith.sitofp %convert_element_type3A_266 : vector<16xi32> to vector<16xf32>
    %gt3A_268 = arith.cmpf ogt, %convert_element_type3A_267, %mul3A_258 : vector<16xf32>
    %sub3A_269 = arith.constant 1 : i32
    %sub3A_270 = vector.broadcast %sub3A_269 : i32 to vector<16xi32>
    %sub3A_271 = arith.subi %convert_element_type3A_266, %sub3A_270 : vector<16xi32>
    %select_n3A_272 = arith.select %gt3A_268, %sub3A_271, %convert_element_type3A_266 : vector<16xi1>, vector<16xi32>
    %mul3A_273 = arith.constant 224 : i32
    %mul3A_274 = vector.broadcast %mul3A_273 : i32 to vector<16xi32>
    %mul3A_275 = arith.muli %select_n3A_265, %mul3A_274 : vector<16xi32>
    %add3A_276 = arith.addi %mul3A_275, %select_n3A_272 : vector<16xi32>
    %max3A_277 = arith.constant 0 : i32
    %max3A_278 = vector.broadcast %max3A_277 : i32 to vector<16xi32>
    %max3A_279 = arith.maxsi %add3A_276, %max3A_278 : vector<16xi32>
    %min3A_280 = arith.constant 50175 : i32
    %min3A_281 = vector.broadcast %min3A_280 : i32 to vector<16xi32>
    %min3A_282 = arith.minsi %max3A_279, %min3A_281 : vector<16xi32>
    %add3A_283 = vector.broadcast %mul3A_20 : i32 to vector<16xi32>
    %add3A_284 = arith.addi %min3A_282, %add3A_283 : vector<16xi32>
    %swap3A_285 = arith.constant 80 : index
    %swap3A_286 = tpu.vector_load %arg6[%swap3A_285] {strides = array<i32>} : memref<512xi32, #tpu.memory_space<vmem>>, vector<16xi32>,
    tpu.vector_store %arg6[%swap3A_285], %add3A_284 {strides = array<i32>} : memref<512xi32, #tpu.memory_space<vmem>>, vector<16xi32>,
    %mul3A_287 = arith.constant 2 : i32
    %mul3A_288 = vector.broadcast %mul3A_287 : i32 to vector<16xi32>
    %mul3A_289 = arith.muli %iota3A, %mul3A_288 : vector<16xi32>
    %add3A_290 = arith.constant 192 : i32
    %add3A_291 = vector.broadcast %add3A_290 : i32 to vector<16xi32>
    %add3A_292 = arith.addi %mul3A_289, %add3A_291 : vector<16xi32>
    %gather3A_293 = tpu.vector_load_idx %arg5[%add3A_292] : memref<1024xf32, #tpu.memory_space<vmem>>[vector<16xi32>], vector<16xf32>,
    %mul3A_294 = arith.constant 2.240000e+02 : f32
    %mul3A_295 = vector.broadcast %mul3A_294 : f32 to vector<16xf32>
    %mul3A_296 = arith.mulf %gather3A_293, %mul3A_295 : vector<16xf32>
    %add3A_297 = arith.constant 1 : i32
    %add3A_298 = vector.broadcast %add3A_297 : i32 to vector<16xi32>
    %add3A_299 = arith.addi %add3A_292, %add3A_298 : vector<16xi32>
    %gather3A_300 = tpu.vector_load_idx %arg5[%add3A_299] : memref<1024xf32, #tpu.memory_space<vmem>>[vector<16xi32>], vector<16xf32>,
    %mul3A_301 = arith.constant 2.240000e+02 : f32
    %mul3A_302 = vector.broadcast %mul3A_301 : f32 to vector<16xf32>
    %mul3A_303 = arith.mulf %gather3A_300, %mul3A_302 : vector<16xf32>
    %convert_element_type3A_304 = arith.fptosi %mul3A_296 : vector<16xf32> to vector<16xi32>
    %convert_element_type3A_305 = arith.sitofp %convert_element_type3A_304 : vector<16xi32> to vector<16xf32>
    %gt3A_306 = arith.cmpf ogt, %convert_element_type3A_305, %mul3A_296 : vector<16xf32>
    %sub3A_307 = arith.constant 1 : i32
    %sub3A_308 = vector.broadcast %sub3A_307 : i32 to vector<16xi32>
    %sub3A_309 = arith.subi %convert_element_type3A_304, %sub3A_308 : vector<16xi32>
    %select_n3A_310 = arith.select %gt3A_306, %sub3A_309, %convert_element_type3A_304 : vector<16xi1>, vector<16xi32>
    %convert_element_type3A_311 = arith.fptosi %mul3A_303 : vector<16xf32> to vector<16xi32>
    %convert_element_type3A_312 = arith.sitofp %convert_element_type3A_311 : vector<16xi32> to vector<16xf32>
    %gt3A_313 = arith.cmpf ogt, %convert_element_type3A_312, %mul3A_303 : vector<16xf32>
    %sub3A_314 = arith.constant 1 : i32
    %sub3A_315 = vector.broadcast %sub3A_314 : i32 to vector<16xi32>
    %sub3A_316 = arith.subi %convert_element_type3A_311, %sub3A_315 : vector<16xi32>
    %select_n3A_317 = arith.select %gt3A_313, %sub3A_316, %convert_element_type3A_311 : vector<16xi1>, vector<16xi32>
    %mul3A_318 = arith.constant 224 : i32
    %mul3A_319 = vector.broadcast %mul3A_318 : i32 to vector<16xi32>
    %mul3A_320 = arith.muli %select_n3A_310, %mul3A_319 : vector<16xi32>
    %add3A_321 = arith.addi %mul3A_320, %select_n3A_317 : vector<16xi32>
    %max3A_322 = arith.constant 0 : i32
    %max3A_323 = vector.broadcast %max3A_322 : i32 to vector<16xi32>
    %max3A_324 = arith.maxsi %add3A_321, %max3A_323 : vector<16xi32>
    %min3A_325 = arith.constant 50175 : i32
    %min3A_326 = vector.broadcast %min3A_325 : i32 to vector<16xi32>
    %min3A_327 = arith.minsi %max3A_324, %min3A_326 : vector<16xi32>
    %add3A_328 = vector.broadcast %mul3A_20 : i32 to vector<16xi32>
    %add3A_329 = arith.addi %min3A_327, %add3A_328 : vector<16xi32>
    %swap3A_330 = arith.constant 96 : index
    %swap3A_331 = tpu.vector_load %arg6[%swap3A_330] {strides = array<i32>} : memref<512xi32, #tpu.memory_space<vmem>>, vector<16xi32>,
    tpu.vector_store %arg6[%swap3A_330], %add3A_329 {strides = array<i32>} : memref<512xi32, #tpu.memory_space<vmem>>, vector<16xi32>,
    %mul3A_332 = arith.constant 2 : i32
    %mul3A_333 = vector.broadcast %mul3A_332 : i32 to vector<16xi32>
    %mul3A_334 = arith.muli %iota3A, %mul3A_333 : vector<16xi32>
    %add3A_335 = arith.constant 224 : i32
    %add3A_336 = vector.broadcast %add3A_335 : i32 to vector<16xi32>
    %add3A_337 = arith.addi %mul3A_334, %add3A_336 : vector<16xi32>
    %gather3A_338 = tpu.vector_load_idx %arg5[%add3A_337] : memref<1024xf32, #tpu.memory_space<vmem>>[vector<16xi32>], vector<16xf32>,
    %mul3A_339 = arith.constant 2.240000e+02 : f32
    %mul3A_340 = vector.broadcast %mul3A_339 : f32 to vector<16xf32>
    %mul3A_341 = arith.mulf %gather3A_338, %mul3A_340 : vector<16xf32>
    %add3A_342 = arith.constant 1 : i32
    %add3A_343 = vector.broadcast %add3A_342 : i32 to vector<16xi32>
    %add3A_344 = arith.addi %add3A_337, %add3A_343 : vector<16xi32>
    %gather3A_345 = tpu.vector_load_idx %arg5[%add3A_344] : memref<1024xf32, #tpu.memory_space<vmem>>[vector<16xi32>], vector<16xf32>,
    %mul3A_346 = arith.constant 2.240000e+02 : f32
    %mul3A_347 = vector.broadcast %mul3A_346 : f32 to vector<16xf32>
    %mul3A_348 = arith.mulf %gather3A_345, %mul3A_347 : vector<16xf32>
    %convert_element_type3A_349 = arith.fptosi %mul3A_341 : vector<16xf32> to vector<16xi32>
    %convert_element_type3A_350 = arith.sitofp %convert_element_type3A_349 : vector<16xi32> to vector<16xf32>
    %gt3A_351 = arith.cmpf ogt, %convert_element_type3A_350, %mul3A_341 : vector<16xf32>
    %sub3A_352 = arith.constant 1 : i32
    %sub3A_353 = vector.broadcast %sub3A_352 : i32 to vector<16xi32>
    %sub3A_354 = arith.subi %convert_element_type3A_349, %sub3A_353 : vector<16xi32>
    %select_n3A_355 = arith.select %gt3A_351, %sub3A_354, %convert_element_type3A_349 : vector<16xi1>, vector<16xi32>
    %convert_element_type3A_356 = arith.fptosi %mul3A_348 : vector<16xf32> to vector<16xi32>
    %convert_element_type3A_357 = arith.sitofp %convert_element_type3A_356 : vector<16xi32> to vector<16xf32>
    %gt3A_358 = arith.cmpf ogt, %convert_element_type3A_357, %mul3A_348 : vector<16xf32>
    %sub3A_359 = arith.constant 1 : i32
    %sub3A_360 = vector.broadcast %sub3A_359 : i32 to vector<16xi32>
    %sub3A_361 = arith.subi %convert_element_type3A_356, %sub3A_360 : vector<16xi32>
    %select_n3A_362 = arith.select %gt3A_358, %sub3A_361, %convert_element_type3A_356 : vector<16xi1>, vector<16xi32>
    %mul3A_363 = arith.constant 224 : i32
    %mul3A_364 = vector.broadcast %mul3A_363 : i32 to vector<16xi32>
    %mul3A_365 = arith.muli %select_n3A_355, %mul3A_364 : vector<16xi32>
    %add3A_366 = arith.addi %mul3A_365, %select_n3A_362 : vector<16xi32>
    %max3A_367 = arith.constant 0 : i32
    %max3A_368 = vector.broadcast %max3A_367 : i32 to vector<16xi32>
    %max3A_369 = arith.maxsi %add3A_366, %max3A_368 : vector<16xi32>
    %min3A_370 = arith.constant 50175 : i32
    %min3A_371 = vector.broadcast %min3A_370 : i32 to vector<16xi32>
    %min3A_372 = arith.minsi %max3A_369, %min3A_371 : vector<16xi32>
    %add3A_373 = vector.broadcast %mul3A_20 : i32 to vector<16xi32>
    %add3A_374 = arith.addi %min3A_372, %add3A_373 : vector<16xi32>
    %swap3A_375 = arith.constant 112 : index
    %swap3A_376 = tpu.vector_load %arg6[%swap3A_375] {strides = array<i32>} : memref<512xi32, #tpu.memory_space<vmem>>, vector<16xi32>,
    tpu.vector_store %arg6[%swap3A_375], %add3A_374 {strides = array<i32>} : memref<512xi32, #tpu.memory_space<vmem>>, vector<16xi32>,
    %mul3A_377 = arith.constant 2 : i32
    %mul3A_378 = vector.broadcast %mul3A_377 : i32 to vector<16xi32>
    %mul3A_379 = arith.muli %iota3A, %mul3A_378 : vector<16xi32>
    %add3A_380 = arith.constant 256 : i32
    %add3A_381 = vector.broadcast %add3A_380 : i32 to vector<16xi32>
    %add3A_382 = arith.addi %mul3A_379, %add3A_381 : vector<16xi32>
    %gather3A_383 = tpu.vector_load_idx %arg5[%add3A_382] : memref<1024xf32, #tpu.memory_space<vmem>>[vector<16xi32>], vector<16xf32>,
    %mul3A_384 = arith.constant 2.240000e+02 : f32
    %mul3A_385 = vector.broadcast %mul3A_384 : f32 to vector<16xf32>
    %mul3A_386 = arith.mulf %gather3A_383, %mul3A_385 : vector<16xf32>
    %add3A_387 = arith.constant 1 : i32
    %add3A_388 = vector.broadcast %add3A_387 : i32 to vector<16xi32>
    %add3A_389 = arith.addi %add3A_382, %add3A_388 : vector<16xi32>
    %gather3A_390 = tpu.vector_load_idx %arg5[%add3A_389] : memref<1024xf32, #tpu.memory_space<vmem>>[vector<16xi32>], vector<16xf32>,
    %mul3A_391 = arith.constant 2.240000e+02 : f32
    %mul3A_392 = vector.broadcast %mul3A_391 : f32 to vector<16xf32>
    %mul3A_393 = arith.mulf %gather3A_390, %mul3A_392 : vector<16xf32>
    %convert_element_type3A_394 = arith.fptosi %mul3A_386 : vector<16xf32> to vector<16xi32>
    %convert_element_type3A_395 = arith.sitofp %convert_element_type3A_394 : vector<16xi32> to vector<16xf32>
    %gt3A_396 = arith.cmpf ogt, %convert_element_type3A_395, %mul3A_386 : vector<16xf32>
    %sub3A_397 = arith.constant 1 : i32
    %sub3A_398 = vector.broadcast %sub3A_397 : i32 to vector<16xi32>
    %sub3A_399 = arith.subi %convert_element_type3A_394, %sub3A_398 : vector<16xi32>
    %select_n3A_400 = arith.select %gt3A_396, %sub3A_399, %convert_element_type3A_394 : vector<16xi1>, vector<16xi32>
    %convert_element_type3A_401 = arith.fptosi %mul3A_393 : vector<16xf32> to vector<16xi32>
    %convert_element_type3A_402 = arith.sitofp %convert_element_type3A_401 : vector<16xi32> to vector<16xf32>
    %gt3A_403 = arith.cmpf ogt, %convert_element_type3A_402, %mul3A_393 : vector<16xf32>
    %sub3A_404 = arith.constant 1 : i32
    %sub3A_405 = vector.broadcast %sub3A_404 : i32 to vector<16xi32>
    %sub3A_406 = arith.subi %convert_element_type3A_401, %sub3A_405 : vector<16xi32>
    %select_n3A_407 = arith.select %gt3A_403, %sub3A_406, %convert_element_type3A_401 : vector<16xi1>, vector<16xi32>
    %mul3A_408 = arith.constant 224 : i32
    %mul3A_409 = vector.broadcast %mul3A_408 : i32 to vector<16xi32>
    %mul3A_410 = arith.muli %select_n3A_400, %mul3A_409 : vector<16xi32>
    %add3A_411 = arith.addi %mul3A_410, %select_n3A_407 : vector<16xi32>
    %max3A_412 = arith.constant 0 : i32
    %max3A_413 = vector.broadcast %max3A_412 : i32 to vector<16xi32>
    %max3A_414 = arith.maxsi %add3A_411, %max3A_413 : vector<16xi32>
    %min3A_415 = arith.constant 50175 : i32
    %min3A_416 = vector.broadcast %min3A_415 : i32 to vector<16xi32>
    %min3A_417 = arith.minsi %max3A_414, %min3A_416 : vector<16xi32>
    %add3A_418 = vector.broadcast %mul3A_20 : i32 to vector<16xi32>
    %add3A_419 = arith.addi %min3A_417, %add3A_418 : vector<16xi32>
    %swap3A_420 = arith.constant 128 : index
    %swap3A_421 = tpu.vector_load %arg6[%swap3A_420] {strides = array<i32>} : memref<512xi32, #tpu.memory_space<vmem>>, vector<16xi32>,
    tpu.vector_store %arg6[%swap3A_420], %add3A_419 {strides = array<i32>} : memref<512xi32, #tpu.memory_space<vmem>>, vector<16xi32>,
    %mul3A_422 = arith.constant 2 : i32
    %mul3A_423 = vector.broadcast %mul3A_422 : i32 to vector<16xi32>
    %mul3A_424 = arith.muli %iota3A, %mul3A_423 : vector<16xi32>
    %add3A_425 = arith.constant 288 : i32
    %add3A_426 = vector.broadcast %add3A_425 : i32 to vector<16xi32>
    %add3A_427 = arith.addi %mul3A_424, %add3A_426 : vector<16xi32>
    %gather3A_428 = tpu.vector_load_idx %arg5[%add3A_427] : memref<1024xf32, #tpu.memory_space<vmem>>[vector<16xi32>], vector<16xf32>,
    %mul3A_429 = arith.constant 2.240000e+02 : f32
    %mul3A_430 = vector.broadcast %mul3A_429 : f32 to vector<16xf32>
    %mul3A_431 = arith.mulf %gather3A_428, %mul3A_430 : vector<16xf32>
    %add3A_432 = arith.constant 1 : i32
    %add3A_433 = vector.broadcast %add3A_432 : i32 to vector<16xi32>
    %add3A_434 = arith.addi %add3A_427, %add3A_433 : vector<16xi32>
    %gather3A_435 = tpu.vector_load_idx %arg5[%add3A_434] : memref<1024xf32, #tpu.memory_space<vmem>>[vector<16xi32>], vector<16xf32>,
    %mul3A_436 = arith.constant 2.240000e+02 : f32
    %mul3A_437 = vector.broadcast %mul3A_436 : f32 to vector<16xf32>
    %mul3A_438 = arith.mulf %gather3A_435, %mul3A_437 : vector<16xf32>
    %convert_element_type3A_439 = arith.fptosi %mul3A_431 : vector<16xf32> to vector<16xi32>
    %convert_element_type3A_440 = arith.sitofp %convert_element_type3A_439 : vector<16xi32> to vector<16xf32>
    %gt3A_441 = arith.cmpf ogt, %convert_element_type3A_440, %mul3A_431 : vector<16xf32>
    %sub3A_442 = arith.constant 1 : i32
    %sub3A_443 = vector.broadcast %sub3A_442 : i32 to vector<16xi32>
    %sub3A_444 = arith.subi %convert_element_type3A_439, %sub3A_443 : vector<16xi32>
    %select_n3A_445 = arith.select %gt3A_441, %sub3A_444, %convert_element_type3A_439 : vector<16xi1>, vector<16xi32>
    %convert_element_type3A_446 = arith.fptosi %mul3A_438 : vector<16xf32> to vector<16xi32>
    %convert_element_type3A_447 = arith.sitofp %convert_element_type3A_446 : vector<16xi32> to vector<16xf32>
    %gt3A_448 = arith.cmpf ogt, %convert_element_type3A_447, %mul3A_438 : vector<16xf32>
    %sub3A_449 = arith.constant 1 : i32
    %sub3A_450 = vector.broadcast %sub3A_449 : i32 to vector<16xi32>
    %sub3A_451 = arith.subi %convert_element_type3A_446, %sub3A_450 : vector<16xi32>
    %select_n3A_452 = arith.select %gt3A_448, %sub3A_451, %convert_element_type3A_446 : vector<16xi1>, vector<16xi32>
    %mul3A_453 = arith.constant 224 : i32
    %mul3A_454 = vector.broadcast %mul3A_453 : i32 to vector<16xi32>
    %mul3A_455 = arith.muli %select_n3A_445, %mul3A_454 : vector<16xi32>
    %add3A_456 = arith.addi %mul3A_455, %select_n3A_452 : vector<16xi32>
    %max3A_457 = arith.constant 0 : i32
    %max3A_458 = vector.broadcast %max3A_457 : i32 to vector<16xi32>
    %max3A_459 = arith.maxsi %add3A_456, %max3A_458 : vector<16xi32>
    %min3A_460 = arith.constant 50175 : i32
    %min3A_461 = vector.broadcast %min3A_460 : i32 to vector<16xi32>
    %min3A_462 = arith.minsi %max3A_459, %min3A_461 : vector<16xi32>
    %add3A_463 = vector.broadcast %mul3A_20 : i32 to vector<16xi32>
    %add3A_464 = arith.addi %min3A_462, %add3A_463 : vector<16xi32>
    %swap3A_465 = arith.constant 144 : index
    %swap3A_466 = tpu.vector_load %arg6[%swap3A_465] {strides = array<i32>} : memref<512xi32, #tpu.memory_space<vmem>>, vector<16xi32>,
    tpu.vector_store %arg6[%swap3A_465], %add3A_464 {strides = array<i32>} : memref<512xi32, #tpu.memory_space<vmem>>, vector<16xi32>,
    %mul3A_467 = arith.constant 2 : i32
    %mul3A_468 = vector.broadcast %mul3A_467 : i32 to vector<16xi32>
    %mul3A_469 = arith.muli %iota3A, %mul3A_468 : vector<16xi32>
    %add3A_470 = arith.constant 320 : i32
    %add3A_471 = vector.broadcast %add3A_470 : i32 to vector<16xi32>
    %add3A_472 = arith.addi %mul3A_469, %add3A_471 : vector<16xi32>
    %gather3A_473 = tpu.vector_load_idx %arg5[%add3A_472] : memref<1024xf32, #tpu.memory_space<vmem>>[vector<16xi32>], vector<16xf32>,
    %mul3A_474 = arith.constant 2.240000e+02 : f32
    %mul3A_475 = vector.broadcast %mul3A_474 : f32 to vector<16xf32>
    %mul3A_476 = arith.mulf %gather3A_473, %mul3A_475 : vector<16xf32>
    %add3A_477 = arith.constant 1 : i32
    %add3A_478 = vector.broadcast %add3A_477 : i32 to vector<16xi32>
    %add3A_479 = arith.addi %add3A_472, %add3A_478 : vector<16xi32>
    %gather3A_480 = tpu.vector_load_idx %arg5[%add3A_479] : memref<1024xf32, #tpu.memory_space<vmem>>[vector<16xi32>], vector<16xf32>,
    %mul3A_481 = arith.constant 2.240000e+02 : f32
    %mul3A_482 = vector.broadcast %mul3A_481 : f32 to vector<16xf32>
    %mul3A_483 = arith.mulf %gather3A_480, %mul3A_482 : vector<16xf32>
    %convert_element_type3A_484 = arith.fptosi %mul3A_476 : vector<16xf32> to vector<16xi32>
    %convert_element_type3A_485 = arith.sitofp %convert_element_type3A_484 : vector<16xi32> to vector<16xf32>
    %gt3A_486 = arith.cmpf ogt, %convert_element_type3A_485, %mul3A_476 : vector<16xf32>
    %sub3A_487 = arith.constant 1 : i32
    %sub3A_488 = vector.broadcast %sub3A_487 : i32 to vector<16xi32>
    %sub3A_489 = arith.subi %convert_element_type3A_484, %sub3A_488 : vector<16xi32>
    %select_n3A_490 = arith.select %gt3A_486, %sub3A_489, %convert_element_type3A_484 : vector<16xi1>, vector<16xi32>
    %convert_element_type3A_491 = arith.fptosi %mul3A_483 : vector<16xf32> to vector<16xi32>
    %convert_element_type3A_492 = arith.sitofp %convert_element_type3A_491 : vector<16xi32> to vector<16xf32>
    %gt3A_493 = arith.cmpf ogt, %convert_element_type3A_492, %mul3A_483 : vector<16xf32>
    %sub3A_494 = arith.constant 1 : i32
    %sub3A_495 = vector.broadcast %sub3A_494 : i32 to vector<16xi32>
    %sub3A_496 = arith.subi %convert_element_type3A_491, %sub3A_495 : vector<16xi32>
    %select_n3A_497 = arith.select %gt3A_493, %sub3A_496, %convert_element_type3A_491 : vector<16xi1>, vector<16xi32>
    %mul3A_498 = arith.constant 224 : i32
    %mul3A_499 = vector.broadcast %mul3A_498 : i32 to vector<16xi32>
    %mul3A_500 = arith.muli %select_n3A_490, %mul3A_499 : vector<16xi32>
    %add3A_501 = arith.addi %mul3A_500, %select_n3A_497 : vector<16xi32>
    %max3A_502 = arith.constant 0 : i32
    %max3A_503 = vector.broadcast %max3A_502 : i32 to vector<16xi32>
    %max3A_504 = arith.maxsi %add3A_501, %max3A_503 : vector<16xi32>
    %min3A_505 = arith.constant 50175 : i32
    %min3A_506 = vector.broadcast %min3A_505 : i32 to vector<16xi32>
    %min3A_507 = arith.minsi %max3A_504, %min3A_506 : vector<16xi32>
    %add3A_508 = vector.broadcast %mul3A_20 : i32 to vector<16xi32>
    %add3A_509 = arith.addi %min3A_507, %add3A_508 : vector<16xi32>
    %swap3A_510 = arith.constant 160 : index
    %swap3A_511 = tpu.vector_load %arg6[%swap3A_510] {strides = array<i32>} : memref<512xi32, #tpu.memory_space<vmem>>, vector<16xi32>,
    tpu.vector_store %arg6[%swap3A_510], %add3A_509 {strides = array<i32>} : memref<512xi32, #tpu.memory_space<vmem>>, vector<16xi32>,
    %mul3A_512 = arith.constant 2 : i32
    %mul3A_513 = vector.broadcast %mul3A_512 : i32 to vector<16xi32>
    %mul3A_514 = arith.muli %iota3A, %mul3A_513 : vector<16xi32>
    %add3A_515 = arith.constant 352 : i32
    %add3A_516 = vector.broadcast %add3A_515 : i32 to vector<16xi32>
    %add3A_517 = arith.addi %mul3A_514, %add3A_516 : vector<16xi32>
    %gather3A_518 = tpu.vector_load_idx %arg5[%add3A_517] : memref<1024xf32, #tpu.memory_space<vmem>>[vector<16xi32>], vector<16xf32>,
    %mul3A_519 = arith.constant 2.240000e+02 : f32
    %mul3A_520 = vector.broadcast %mul3A_519 : f32 to vector<16xf32>
    %mul3A_521 = arith.mulf %gather3A_518, %mul3A_520 : vector<16xf32>
    %add3A_522 = arith.constant 1 : i32
    %add3A_523 = vector.broadcast %add3A_522 : i32 to vector<16xi32>
    %add3A_524 = arith.addi %add3A_517, %add3A_523 : vector<16xi32>
    %gather3A_525 = tpu.vector_load_idx %arg5[%add3A_524] : memref<1024xf32, #tpu.memory_space<vmem>>[vector<16xi32>], vector<16xf32>,
    %mul3A_526 = arith.constant 2.240000e+02 : f32
    %mul3A_527 = vector.broadcast %mul3A_526 : f32 to vector<16xf32>
    %mul3A_528 = arith.mulf %gather3A_525, %mul3A_527 : vector<16xf32>
    %convert_element_type3A_529 = arith.fptosi %mul3A_521 : vector<16xf32> to vector<16xi32>
    %convert_element_type3A_530 = arith.sitofp %convert_element_type3A_529 : vector<16xi32> to vector<16xf32>
    %gt3A_531 = arith.cmpf ogt, %convert_element_type3A_530, %mul3A_521 : vector<16xf32>
    %sub3A_532 = arith.constant 1 : i32
    %sub3A_533 = vector.broadcast %sub3A_532 : i32 to vector<16xi32>
    %sub3A_534 = arith.subi %convert_element_type3A_529, %sub3A_533 : vector<16xi32>
    %select_n3A_535 = arith.select %gt3A_531, %sub3A_534, %convert_element_type3A_529 : vector<16xi1>, vector<16xi32>
    %convert_element_type3A_536 = arith.fptosi %mul3A_528 : vector<16xf32> to vector<16xi32>
    %convert_element_type3A_537 = arith.sitofp %convert_element_type3A_536 : vector<16xi32> to vector<16xf32>
    %gt3A_538 = arith.cmpf ogt, %convert_element_type3A_537, %mul3A_528 : vector<16xf32>
    %sub3A_539 = arith.constant 1 : i32
    %sub3A_540 = vector.broadcast %sub3A_539 : i32 to vector<16xi32>
    %sub3A_541 = arith.subi %convert_element_type3A_536, %sub3A_540 : vector<16xi32>
    %select_n3A_542 = arith.select %gt3A_538, %sub3A_541, %convert_element_type3A_536 : vector<16xi1>, vector<16xi32>
    %mul3A_543 = arith.constant 224 : i32
    %mul3A_544 = vector.broadcast %mul3A_543 : i32 to vector<16xi32>
    %mul3A_545 = arith.muli %select_n3A_535, %mul3A_544 : vector<16xi32>
    %add3A_546 = arith.addi %mul3A_545, %select_n3A_542 : vector<16xi32>
    %max3A_547 = arith.constant 0 : i32
    %max3A_548 = vector.broadcast %max3A_547 : i32 to vector<16xi32>
    %max3A_549 = arith.maxsi %add3A_546, %max3A_548 : vector<16xi32>
    %min3A_550 = arith.constant 50175 : i32
    %min3A_551 = vector.broadcast %min3A_550 : i32 to vector<16xi32>
    %min3A_552 = arith.minsi %max3A_549, %min3A_551 : vector<16xi32>
    %add3A_553 = vector.broadcast %mul3A_20 : i32 to vector<16xi32>
    %add3A_554 = arith.addi %min3A_552, %add3A_553 : vector<16xi32>
    %swap3A_555 = arith.constant 176 : index
    %swap3A_556 = tpu.vector_load %arg6[%swap3A_555] {strides = array<i32>} : memref<512xi32, #tpu.memory_space<vmem>>, vector<16xi32>,
    tpu.vector_store %arg6[%swap3A_555], %add3A_554 {strides = array<i32>} : memref<512xi32, #tpu.memory_space<vmem>>, vector<16xi32>,
    %mul3A_557 = arith.constant 2 : i32
    %mul3A_558 = vector.broadcast %mul3A_557 : i32 to vector<16xi32>
    %mul3A_559 = arith.muli %iota3A, %mul3A_558 : vector<16xi32>
    %add3A_560 = arith.constant 384 : i32
    %add3A_561 = vector.broadcast %add3A_560 : i32 to vector<16xi32>
    %add3A_562 = arith.addi %mul3A_559, %add3A_561 : vector<16xi32>
    %gather3A_563 = tpu.vector_load_idx %arg5[%add3A_562] : memref<1024xf32, #tpu.memory_space<vmem>>[vector<16xi32>], vector<16xf32>,
    %mul3A_564 = arith.constant 2.240000e+02 : f32
    %mul3A_565 = vector.broadcast %mul3A_564 : f32 to vector<16xf32>
    %mul3A_566 = arith.mulf %gather3A_563, %mul3A_565 : vector<16xf32>
    %add3A_567 = arith.constant 1 : i32
    %add3A_568 = vector.broadcast %add3A_567 : i32 to vector<16xi32>
    %add3A_569 = arith.addi %add3A_562, %add3A_568 : vector<16xi32>
    %gather3A_570 = tpu.vector_load_idx %arg5[%add3A_569] : memref<1024xf32, #tpu.memory_space<vmem>>[vector<16xi32>], vector<16xf32>,
    %mul3A_571 = arith.constant 2.240000e+02 : f32
    %mul3A_572 = vector.broadcast %mul3A_571 : f32 to vector<16xf32>
    %mul3A_573 = arith.mulf %gather3A_570, %mul3A_572 : vector<16xf32>
    %convert_element_type3A_574 = arith.fptosi %mul3A_566 : vector<16xf32> to vector<16xi32>
    %convert_element_type3A_575 = arith.sitofp %convert_element_type3A_574 : vector<16xi32> to vector<16xf32>
    %gt3A_576 = arith.cmpf ogt, %convert_element_type3A_575, %mul3A_566 : vector<16xf32>
    %sub3A_577 = arith.constant 1 : i32
    %sub3A_578 = vector.broadcast %sub3A_577 : i32 to vector<16xi32>
    %sub3A_579 = arith.subi %convert_element_type3A_574, %sub3A_578 : vector<16xi32>
    %select_n3A_580 = arith.select %gt3A_576, %sub3A_579, %convert_element_type3A_574 : vector<16xi1>, vector<16xi32>
    %convert_element_type3A_581 = arith.fptosi %mul3A_573 : vector<16xf32> to vector<16xi32>
    %convert_element_type3A_582 = arith.sitofp %convert_element_type3A_581 : vector<16xi32> to vector<16xf32>
    %gt3A_583 = arith.cmpf ogt, %convert_element_type3A_582, %mul3A_573 : vector<16xf32>
    %sub3A_584 = arith.constant 1 : i32
    %sub3A_585 = vector.broadcast %sub3A_584 : i32 to vector<16xi32>
    %sub3A_586 = arith.subi %convert_element_type3A_581, %sub3A_585 : vector<16xi32>
    %select_n3A_587 = arith.select %gt3A_583, %sub3A_586, %convert_element_type3A_581 : vector<16xi1>, vector<16xi32>
    %mul3A_588 = arith.constant 224 : i32
    %mul3A_589 = vector.broadcast %mul3A_588 : i32 to vector<16xi32>
    %mul3A_590 = arith.muli %select_n3A_580, %mul3A_589 : vector<16xi32>
    %add3A_591 = arith.addi %mul3A_590, %select_n3A_587 : vector<16xi32>
    %max3A_592 = arith.constant 0 : i32
    %max3A_593 = vector.broadcast %max3A_592 : i32 to vector<16xi32>
    %max3A_594 = arith.maxsi %add3A_591, %max3A_593 : vector<16xi32>
    %min3A_595 = arith.constant 50175 : i32
    %min3A_596 = vector.broadcast %min3A_595 : i32 to vector<16xi32>
    %min3A_597 = arith.minsi %max3A_594, %min3A_596 : vector<16xi32>
    %add3A_598 = vector.broadcast %mul3A_20 : i32 to vector<16xi32>
    %add3A_599 = arith.addi %min3A_597, %add3A_598 : vector<16xi32>
    %swap3A_600 = arith.constant 192 : index
    %swap3A_601 = tpu.vector_load %arg6[%swap3A_600] {strides = array<i32>} : memref<512xi32, #tpu.memory_space<vmem>>, vector<16xi32>,
    tpu.vector_store %arg6[%swap3A_600], %add3A_599 {strides = array<i32>} : memref<512xi32, #tpu.memory_space<vmem>>, vector<16xi32>,
    %mul3A_602 = arith.constant 2 : i32
    %mul3A_603 = vector.broadcast %mul3A_602 : i32 to vector<16xi32>
    %mul3A_604 = arith.muli %iota3A, %mul3A_603 : vector<16xi32>
    %add3A_605 = arith.constant 416 : i32
    %add3A_606 = vector.broadcast %add3A_605 : i32 to vector<16xi32>
    %add3A_607 = arith.addi %mul3A_604, %add3A_606 : vector<16xi32>
    %gather3A_608 = tpu.vector_load_idx %arg5[%add3A_607] : memref<1024xf32, #tpu.memory_space<vmem>>[vector<16xi32>], vector<16xf32>,
    %mul3A_609 = arith.constant 2.240000e+02 : f32
    %mul3A_610 = vector.broadcast %mul3A_609 : f32 to vector<16xf32>
    %mul3A_611 = arith.mulf %gather3A_608, %mul3A_610 : vector<16xf32>
    %add3A_612 = arith.constant 1 : i32
    %add3A_613 = vector.broadcast %add3A_612 : i32 to vector<16xi32>
    %add3A_614 = arith.addi %add3A_607, %add3A_613 : vector<16xi32>
    %gather3A_615 = tpu.vector_load_idx %arg5[%add3A_614] : memref<1024xf32, #tpu.memory_space<vmem>>[vector<16xi32>], vector<16xf32>,
    %mul3A_616 = arith.constant 2.240000e+02 : f32
    %mul3A_617 = vector.broadcast %mul3A_616 : f32 to vector<16xf32>
    %mul3A_618 = arith.mulf %gather3A_615, %mul3A_617 : vector<16xf32>
    %convert_element_type3A_619 = arith.fptosi %mul3A_611 : vector<16xf32> to vector<16xi32>
    %convert_element_type3A_620 = arith.sitofp %convert_element_type3A_619 : vector<16xi32> to vector<16xf32>
    %gt3A_621 = arith.cmpf ogt, %convert_element_type3A_620, %mul3A_611 : vector<16xf32>
    %sub3A_622 = arith.constant 1 : i32
    %sub3A_623 = vector.broadcast %sub3A_622 : i32 to vector<16xi32>
    %sub3A_624 = arith.subi %convert_element_type3A_619, %sub3A_623 : vector<16xi32>
    %select_n3A_625 = arith.select %gt3A_621, %sub3A_624, %convert_element_type3A_619 : vector<16xi1>, vector<16xi32>
    %convert_element_type3A_626 = arith.fptosi %mul3A_618 : vector<16xf32> to vector<16xi32>
    %convert_element_type3A_627 = arith.sitofp %convert_element_type3A_626 : vector<16xi32> to vector<16xf32>
    %gt3A_628 = arith.cmpf ogt, %convert_element_type3A_627, %mul3A_618 : vector<16xf32>
    %sub3A_629 = arith.constant 1 : i32
    %sub3A_630 = vector.broadcast %sub3A_629 : i32 to vector<16xi32>
    %sub3A_631 = arith.subi %convert_element_type3A_626, %sub3A_630 : vector<16xi32>
    %select_n3A_632 = arith.select %gt3A_628, %sub3A_631, %convert_element_type3A_626 : vector<16xi1>, vector<16xi32>
    %mul3A_633 = arith.constant 224 : i32
    %mul3A_634 = vector.broadcast %mul3A_633 : i32 to vector<16xi32>
    %mul3A_635 = arith.muli %select_n3A_625, %mul3A_634 : vector<16xi32>
    %add3A_636 = arith.addi %mul3A_635, %select_n3A_632 : vector<16xi32>
    %max3A_637 = arith.constant 0 : i32
    %max3A_638 = vector.broadcast %max3A_637 : i32 to vector<16xi32>
    %max3A_639 = arith.maxsi %add3A_636, %max3A_638 : vector<16xi32>
    %min3A_640 = arith.constant 50175 : i32
    %min3A_641 = vector.broadcast %min3A_640 : i32 to vector<16xi32>
    %min3A_642 = arith.minsi %max3A_639, %min3A_641 : vector<16xi32>
    %add3A_643 = vector.broadcast %mul3A_20 : i32 to vector<16xi32>
    %add3A_644 = arith.addi %min3A_642, %add3A_643 : vector<16xi32>
    %swap3A_645 = arith.constant 208 : index
    %swap3A_646 = tpu.vector_load %arg6[%swap3A_645] {strides = array<i32>} : memref<512xi32, #tpu.memory_space<vmem>>, vector<16xi32>,
    tpu.vector_store %arg6[%swap3A_645], %add3A_644 {strides = array<i32>} : memref<512xi32, #tpu.memory_space<vmem>>, vector<16xi32>,
    %mul3A_647 = arith.constant 2 : i32
    %mul3A_648 = vector.broadcast %mul3A_647 : i32 to vector<16xi32>
    %mul3A_649 = arith.muli %iota3A, %mul3A_648 : vector<16xi32>
    %add3A_650 = arith.constant 448 : i32
    %add3A_651 = vector.broadcast %add3A_650 : i32 to vector<16xi32>
    %add3A_652 = arith.addi %mul3A_649, %add3A_651 : vector<16xi32>
    %gather3A_653 = tpu.vector_load_idx %arg5[%add3A_652] : memref<1024xf32, #tpu.memory_space<vmem>>[vector<16xi32>], vector<16xf32>,
    %mul3A_654 = arith.constant 2.240000e+02 : f32
    %mul3A_655 = vector.broadcast %mul3A_654 : f32 to vector<16xf32>
    %mul3A_656 = arith.mulf %gather3A_653, %mul3A_655 : vector<16xf32>
    %add3A_657 = arith.constant 1 : i32
    %add3A_658 = vector.broadcast %add3A_657 : i32 to vector<16xi32>
    %add3A_659 = arith.addi %add3A_652, %add3A_658 : vector<16xi32>
    %gather3A_660 = tpu.vector_load_idx %arg5[%add3A_659] : memref<1024xf32, #tpu.memory_space<vmem>>[vector<16xi32>], vector<16xf32>,
    %mul3A_661 = arith.constant 2.240000e+02 : f32
    %mul3A_662 = vector.broadcast %mul3A_661 : f32 to vector<16xf32>
    %mul3A_663 = arith.mulf %gather3A_660, %mul3A_662 : vector<16xf32>
    %convert_element_type3A_664 = arith.fptosi %mul3A_656 : vector<16xf32> to vector<16xi32>
    %convert_element_type3A_665 = arith.sitofp %convert_element_type3A_664 : vector<16xi32> to vector<16xf32>
    %gt3A_666 = arith.cmpf ogt, %convert_element_type3A_665, %mul3A_656 : vector<16xf32>
    %sub3A_667 = arith.constant 1 : i32
    %sub3A_668 = vector.broadcast %sub3A_667 : i32 to vector<16xi32>
    %sub3A_669 = arith.subi %convert_element_type3A_664, %sub3A_668 : vector<16xi32>
    %select_n3A_670 = arith.select %gt3A_666, %sub3A_669, %convert_element_type3A_664 : vector<16xi1>, vector<16xi32>
    %convert_element_type3A_671 = arith.fptosi %mul3A_663 : vector<16xf32> to vector<16xi32>
    %convert_element_type3A_672 = arith.sitofp %convert_element_type3A_671 : vector<16xi32> to vector<16xf32>
    %gt3A_673 = arith.cmpf ogt, %convert_element_type3A_672, %mul3A_663 : vector<16xf32>
    %sub3A_674 = arith.constant 1 : i32
    %sub3A_675 = vector.broadcast %sub3A_674 : i32 to vector<16xi32>
    %sub3A_676 = arith.subi %convert_element_type3A_671, %sub3A_675 : vector<16xi32>
    %select_n3A_677 = arith.select %gt3A_673, %sub3A_676, %convert_element_type3A_671 : vector<16xi1>, vector<16xi32>
    %mul3A_678 = arith.constant 224 : i32
    %mul3A_679 = vector.broadcast %mul3A_678 : i32 to vector<16xi32>
    %mul3A_680 = arith.muli %select_n3A_670, %mul3A_679 : vector<16xi32>
    %add3A_681 = arith.addi %mul3A_680, %select_n3A_677 : vector<16xi32>
    %max3A_682 = arith.constant 0 : i32
    %max3A_683 = vector.broadcast %max3A_682 : i32 to vector<16xi32>
    %max3A_684 = arith.maxsi %add3A_681, %max3A_683 : vector<16xi32>
    %min3A_685 = arith.constant 50175 : i32
    %min3A_686 = vector.broadcast %min3A_685 : i32 to vector<16xi32>
    %min3A_687 = arith.minsi %max3A_684, %min3A_686 : vector<16xi32>
    %add3A_688 = vector.broadcast %mul3A_20 : i32 to vector<16xi32>
    %add3A_689 = arith.addi %min3A_687, %add3A_688 : vector<16xi32>
    %swap3A_690 = arith.constant 224 : index
    %swap3A_691 = tpu.vector_load %arg6[%swap3A_690] {strides = array<i32>} : memref<512xi32, #tpu.memory_space<vmem>>, vector<16xi32>,
    tpu.vector_store %arg6[%swap3A_690], %add3A_689 {strides = array<i32>} : memref<512xi32, #tpu.memory_space<vmem>>, vector<16xi32>,
    %mul3A_692 = arith.constant 2 : i32
    %mul3A_693 = vector.broadcast %mul3A_692 : i32 to vector<16xi32>
    %mul3A_694 = arith.muli %iota3A, %mul3A_693 : vector<16xi32>
    %add3A_695 = arith.constant 480 : i32
    %add3A_696 = vector.broadcast %add3A_695 : i32 to vector<16xi32>
    %add3A_697 = arith.addi %mul3A_694, %add3A_696 : vector<16xi32>
    %gather3A_698 = tpu.vector_load_idx %arg5[%add3A_697] : memref<1024xf32, #tpu.memory_space<vmem>>[vector<16xi32>], vector<16xf32>,
    %mul3A_699 = arith.constant 2.240000e+02 : f32
    %mul3A_700 = vector.broadcast %mul3A_699 : f32 to vector<16xf32>
    %mul3A_701 = arith.mulf %gather3A_698, %mul3A_700 : vector<16xf32>
    %add3A_702 = arith.constant 1 : i32
    %add3A_703 = vector.broadcast %add3A_702 : i32 to vector<16xi32>
    %add3A_704 = arith.addi %add3A_697, %add3A_703 : vector<16xi32>
    %gather3A_705 = tpu.vector_load_idx %arg5[%add3A_704] : memref<1024xf32, #tpu.memory_space<vmem>>[vector<16xi32>], vector<16xf32>,
    %mul3A_706 = arith.constant 2.240000e+02 : f32
    %mul3A_707 = vector.broadcast %mul3A_706 : f32 to vector<16xf32>
    %mul3A_708 = arith.mulf %gather3A_705, %mul3A_707 : vector<16xf32>
    %convert_element_type3A_709 = arith.fptosi %mul3A_701 : vector<16xf32> to vector<16xi32>
    %convert_element_type3A_710 = arith.sitofp %convert_element_type3A_709 : vector<16xi32> to vector<16xf32>
    %gt3A_711 = arith.cmpf ogt, %convert_element_type3A_710, %mul3A_701 : vector<16xf32>
    %sub3A_712 = arith.constant 1 : i32
    %sub3A_713 = vector.broadcast %sub3A_712 : i32 to vector<16xi32>
    %sub3A_714 = arith.subi %convert_element_type3A_709, %sub3A_713 : vector<16xi32>
    %select_n3A_715 = arith.select %gt3A_711, %sub3A_714, %convert_element_type3A_709 : vector<16xi1>, vector<16xi32>
    %convert_element_type3A_716 = arith.fptosi %mul3A_708 : vector<16xf32> to vector<16xi32>
    %convert_element_type3A_717 = arith.sitofp %convert_element_type3A_716 : vector<16xi32> to vector<16xf32>
    %gt3A_718 = arith.cmpf ogt, %convert_element_type3A_717, %mul3A_708 : vector<16xf32>
    %sub3A_719 = arith.constant 1 : i32
    %sub3A_720 = vector.broadcast %sub3A_719 : i32 to vector<16xi32>
    %sub3A_721 = arith.subi %convert_element_type3A_716, %sub3A_720 : vector<16xi32>
    %select_n3A_722 = arith.select %gt3A_718, %sub3A_721, %convert_element_type3A_716 : vector<16xi1>, vector<16xi32>
    %mul3A_723 = arith.constant 224 : i32
    %mul3A_724 = vector.broadcast %mul3A_723 : i32 to vector<16xi32>
    %mul3A_725 = arith.muli %select_n3A_715, %mul3A_724 : vector<16xi32>
    %add3A_726 = arith.addi %mul3A_725, %select_n3A_722 : vector<16xi32>
    %max3A_727 = arith.constant 0 : i32
    %max3A_728 = vector.broadcast %max3A_727 : i32 to vector<16xi32>
    %max3A_729 = arith.maxsi %add3A_726, %max3A_728 : vector<16xi32>
    %min3A_730 = arith.constant 50175 : i32
    %min3A_731 = vector.broadcast %min3A_730 : i32 to vector<16xi32>
    %min3A_732 = arith.minsi %max3A_729, %min3A_731 : vector<16xi32>
    %add3A_733 = vector.broadcast %mul3A_20 : i32 to vector<16xi32>
    %add3A_734 = arith.addi %min3A_732, %add3A_733 : vector<16xi32>
    %swap3A_735 = arith.constant 240 : index
    %swap3A_736 = tpu.vector_load %arg6[%swap3A_735] {strides = array<i32>} : memref<512xi32, #tpu.memory_space<vmem>>, vector<16xi32>,
    tpu.vector_store %arg6[%swap3A_735], %add3A_734 {strides = array<i32>} : memref<512xi32, #tpu.memory_space<vmem>>, vector<16xi32>,
    %mul3A_737 = arith.constant 2 : i32
    %mul3A_738 = vector.broadcast %mul3A_737 : i32 to vector<16xi32>
    %mul3A_739 = arith.muli %iota3A, %mul3A_738 : vector<16xi32>
    %add3A_740 = arith.constant 512 : i32
    %add3A_741 = vector.broadcast %add3A_740 : i32 to vector<16xi32>
    %add3A_742 = arith.addi %mul3A_739, %add3A_741 : vector<16xi32>
    %gather3A_743 = tpu.vector_load_idx %arg5[%add3A_742] : memref<1024xf32, #tpu.memory_space<vmem>>[vector<16xi32>], vector<16xf32>,
    %mul3A_744 = arith.constant 2.240000e+02 : f32
    %mul3A_745 = vector.broadcast %mul3A_744 : f32 to vector<16xf32>
    %mul3A_746 = arith.mulf %gather3A_743, %mul3A_745 : vector<16xf32>
    %add3A_747 = arith.constant 1 : i32
    %add3A_748 = vector.broadcast %add3A_747 : i32 to vector<16xi32>
    %add3A_749 = arith.addi %add3A_742, %add3A_748 : vector<16xi32>
    %gather3A_750 = tpu.vector_load_idx %arg5[%add3A_749] : memref<1024xf32, #tpu.memory_space<vmem>>[vector<16xi32>], vector<16xf32>,
    %mul3A_751 = arith.constant 2.240000e+02 : f32
    %mul3A_752 = vector.broadcast %mul3A_751 : f32 to vector<16xf32>
    %mul3A_753 = arith.mulf %gather3A_750, %mul3A_752 : vector<16xf32>
    %convert_element_type3A_754 = arith.fptosi %mul3A_746 : vector<16xf32> to vector<16xi32>
    %convert_element_type3A_755 = arith.sitofp %convert_element_type3A_754 : vector<16xi32> to vector<16xf32>
    %gt3A_756 = arith.cmpf ogt, %convert_element_type3A_755, %mul3A_746 : vector<16xf32>
    %sub3A_757 = arith.constant 1 : i32
    %sub3A_758 = vector.broadcast %sub3A_757 : i32 to vector<16xi32>
    %sub3A_759 = arith.subi %convert_element_type3A_754, %sub3A_758 : vector<16xi32>
    %select_n3A_760 = arith.select %gt3A_756, %sub3A_759, %convert_element_type3A_754 : vector<16xi1>, vector<16xi32>
    %convert_element_type3A_761 = arith.fptosi %mul3A_753 : vector<16xf32> to vector<16xi32>
    %convert_element_type3A_762 = arith.sitofp %convert_element_type3A_761 : vector<16xi32> to vector<16xf32>
    %gt3A_763 = arith.cmpf ogt, %convert_element_type3A_762, %mul3A_753 : vector<16xf32>
    %sub3A_764 = arith.constant 1 : i32
    %sub3A_765 = vector.broadcast %sub3A_764 : i32 to vector<16xi32>
    %sub3A_766 = arith.subi %convert_element_type3A_761, %sub3A_765 : vector<16xi32>
    %select_n3A_767 = arith.select %gt3A_763, %sub3A_766, %convert_element_type3A_761 : vector<16xi1>, vector<16xi32>
    %mul3A_768 = arith.constant 224 : i32
    %mul3A_769 = vector.broadcast %mul3A_768 : i32 to vector<16xi32>
    %mul3A_770 = arith.muli %select_n3A_760, %mul3A_769 : vector<16xi32>
    %add3A_771 = arith.addi %mul3A_770, %select_n3A_767 : vector<16xi32>
    %max3A_772 = arith.constant 0 : i32
    %max3A_773 = vector.broadcast %max3A_772 : i32 to vector<16xi32>
    %max3A_774 = arith.maxsi %add3A_771, %max3A_773 : vector<16xi32>
    %min3A_775 = arith.constant 50175 : i32
    %min3A_776 = vector.broadcast %min3A_775 : i32 to vector<16xi32>
    %min3A_777 = arith.minsi %max3A_774, %min3A_776 : vector<16xi32>
    %add3A_778 = vector.broadcast %mul3A_20 : i32 to vector<16xi32>
    %add3A_779 = arith.addi %min3A_777, %add3A_778 : vector<16xi32>
    %swap3A_780 = arith.constant 256 : index
    %swap3A_781 = tpu.vector_load %arg6[%swap3A_780] {strides = array<i32>} : memref<512xi32, #tpu.memory_space<vmem>>, vector<16xi32>,
    tpu.vector_store %arg6[%swap3A_780], %add3A_779 {strides = array<i32>} : memref<512xi32, #tpu.memory_space<vmem>>, vector<16xi32>,
    %mul3A_782 = arith.constant 2 : i32
    %mul3A_783 = vector.broadcast %mul3A_782 : i32 to vector<16xi32>
    %mul3A_784 = arith.muli %iota3A, %mul3A_783 : vector<16xi32>
    %add3A_785 = arith.constant 544 : i32
    %add3A_786 = vector.broadcast %add3A_785 : i32 to vector<16xi32>
    %add3A_787 = arith.addi %mul3A_784, %add3A_786 : vector<16xi32>
    %gather3A_788 = tpu.vector_load_idx %arg5[%add3A_787] : memref<1024xf32, #tpu.memory_space<vmem>>[vector<16xi32>], vector<16xf32>,
    %mul3A_789 = arith.constant 2.240000e+02 : f32
    %mul3A_790 = vector.broadcast %mul3A_789 : f32 to vector<16xf32>
    %mul3A_791 = arith.mulf %gather3A_788, %mul3A_790 : vector<16xf32>
    %add3A_792 = arith.constant 1 : i32
    %add3A_793 = vector.broadcast %add3A_792 : i32 to vector<16xi32>
    %add3A_794 = arith.addi %add3A_787, %add3A_793 : vector<16xi32>
    %gather3A_795 = tpu.vector_load_idx %arg5[%add3A_794] : memref<1024xf32, #tpu.memory_space<vmem>>[vector<16xi32>], vector<16xf32>,
    %mul3A_796 = arith.constant 2.240000e+02 : f32
    %mul3A_797 = vector.broadcast %mul3A_796 : f32 to vector<16xf32>
    %mul3A_798 = arith.mulf %gather3A_795, %mul3A_797 : vector<16xf32>
    %convert_element_type3A_799 = arith.fptosi %mul3A_791 : vector<16xf32> to vector<16xi32>
    %convert_element_type3A_800 = arith.sitofp %convert_element_type3A_799 : vector<16xi32> to vector<16xf32>
    %gt3A_801 = arith.cmpf ogt, %convert_element_type3A_800, %mul3A_791 : vector<16xf32>
    %sub3A_802 = arith.constant 1 : i32
    %sub3A_803 = vector.broadcast %sub3A_802 : i32 to vector<16xi32>
    %sub3A_804 = arith.subi %convert_element_type3A_799, %sub3A_803 : vector<16xi32>
    %select_n3A_805 = arith.select %gt3A_801, %sub3A_804, %convert_element_type3A_799 : vector<16xi1>, vector<16xi32>
    %convert_element_type3A_806 = arith.fptosi %mul3A_798 : vector<16xf32> to vector<16xi32>
    %convert_element_type3A_807 = arith.sitofp %convert_element_type3A_806 : vector<16xi32> to vector<16xf32>
    %gt3A_808 = arith.cmpf ogt, %convert_element_type3A_807, %mul3A_798 : vector<16xf32>
    %sub3A_809 = arith.constant 1 : i32
    %sub3A_810 = vector.broadcast %sub3A_809 : i32 to vector<16xi32>
    %sub3A_811 = arith.subi %convert_element_type3A_806, %sub3A_810 : vector<16xi32>
    %select_n3A_812 = arith.select %gt3A_808, %sub3A_811, %convert_element_type3A_806 : vector<16xi1>, vector<16xi32>
    %mul3A_813 = arith.constant 224 : i32
    %mul3A_814 = vector.broadcast %mul3A_813 : i32 to vector<16xi32>
    %mul3A_815 = arith.muli %select_n3A_805, %mul3A_814 : vector<16xi32>
    %add3A_816 = arith.addi %mul3A_815, %select_n3A_812 : vector<16xi32>
    %max3A_817 = arith.constant 0 : i32
    %max3A_818 = vector.broadcast %max3A_817 : i32 to vector<16xi32>
    %max3A_819 = arith.maxsi %add3A_816, %max3A_818 : vector<16xi32>
    %min3A_820 = arith.constant 50175 : i32
    %min3A_821 = vector.broadcast %min3A_820 : i32 to vector<16xi32>
    %min3A_822 = arith.minsi %max3A_819, %min3A_821 : vector<16xi32>
    %add3A_823 = vector.broadcast %mul3A_20 : i32 to vector<16xi32>
    %add3A_824 = arith.addi %min3A_822, %add3A_823 : vector<16xi32>
    %swap3A_825 = arith.constant 272 : index
    %swap3A_826 = tpu.vector_load %arg6[%swap3A_825] {strides = array<i32>} : memref<512xi32, #tpu.memory_space<vmem>>, vector<16xi32>,
    tpu.vector_store %arg6[%swap3A_825], %add3A_824 {strides = array<i32>} : memref<512xi32, #tpu.memory_space<vmem>>, vector<16xi32>,
    %mul3A_827 = arith.constant 2 : i32
    %mul3A_828 = vector.broadcast %mul3A_827 : i32 to vector<16xi32>
    %mul3A_829 = arith.muli %iota3A, %mul3A_828 : vector<16xi32>
    %add3A_830 = arith.constant 576 : i32
    %add3A_831 = vector.broadcast %add3A_830 : i32 to vector<16xi32>
    %add3A_832 = arith.addi %mul3A_829, %add3A_831 : vector<16xi32>
    %gather3A_833 = tpu.vector_load_idx %arg5[%add3A_832] : memref<1024xf32, #tpu.memory_space<vmem>>[vector<16xi32>], vector<16xf32>,
    %mul3A_834 = arith.constant 2.240000e+02 : f32
    %mul3A_835 = vector.broadcast %mul3A_834 : f32 to vector<16xf32>
    %mul3A_836 = arith.mulf %gather3A_833, %mul3A_835 : vector<16xf32>
    %add3A_837 = arith.constant 1 : i32
    %add3A_838 = vector.broadcast %add3A_837 : i32 to vector<16xi32>
    %add3A_839 = arith.addi %add3A_832, %add3A_838 : vector<16xi32>
    %gather3A_840 = tpu.vector_load_idx %arg5[%add3A_839] : memref<1024xf32, #tpu.memory_space<vmem>>[vector<16xi32>], vector<16xf32>,
    %mul3A_841 = arith.constant 2.240000e+02 : f32
    %mul3A_842 = vector.broadcast %mul3A_841 : f32 to vector<16xf32>
    %mul3A_843 = arith.mulf %gather3A_840, %mul3A_842 : vector<16xf32>
    %convert_element_type3A_844 = arith.fptosi %mul3A_836 : vector<16xf32> to vector<16xi32>
    %convert_element_type3A_845 = arith.sitofp %convert_element_type3A_844 : vector<16xi32> to vector<16xf32>
    %gt3A_846 = arith.cmpf ogt, %convert_element_type3A_845, %mul3A_836 : vector<16xf32>
    %sub3A_847 = arith.constant 1 : i32
    %sub3A_848 = vector.broadcast %sub3A_847 : i32 to vector<16xi32>
    %sub3A_849 = arith.subi %convert_element_type3A_844, %sub3A_848 : vector<16xi32>
    %select_n3A_850 = arith.select %gt3A_846, %sub3A_849, %convert_element_type3A_844 : vector<16xi1>, vector<16xi32>
    %convert_element_type3A_851 = arith.fptosi %mul3A_843 : vector<16xf32> to vector<16xi32>
    %convert_element_type3A_852 = arith.sitofp %convert_element_type3A_851 : vector<16xi32> to vector<16xf32>
    %gt3A_853 = arith.cmpf ogt, %convert_element_type3A_852, %mul3A_843 : vector<16xf32>
    %sub3A_854 = arith.constant 1 : i32
    %sub3A_855 = vector.broadcast %sub3A_854 : i32 to vector<16xi32>
    %sub3A_856 = arith.subi %convert_element_type3A_851, %sub3A_855 : vector<16xi32>
    %select_n3A_857 = arith.select %gt3A_853, %sub3A_856, %convert_element_type3A_851 : vector<16xi1>, vector<16xi32>
    %mul3A_858 = arith.constant 224 : i32
    %mul3A_859 = vector.broadcast %mul3A_858 : i32 to vector<16xi32>
    %mul3A_860 = arith.muli %select_n3A_850, %mul3A_859 : vector<16xi32>
    %add3A_861 = arith.addi %mul3A_860, %select_n3A_857 : vector<16xi32>
    %max3A_862 = arith.constant 0 : i32
    %max3A_863 = vector.broadcast %max3A_862 : i32 to vector<16xi32>
    %max3A_864 = arith.maxsi %add3A_861, %max3A_863 : vector<16xi32>
    %min3A_865 = arith.constant 50175 : i32
    %min3A_866 = vector.broadcast %min3A_865 : i32 to vector<16xi32>
    %min3A_867 = arith.minsi %max3A_864, %min3A_866 : vector<16xi32>
    %add3A_868 = vector.broadcast %mul3A_20 : i32 to vector<16xi32>
    %add3A_869 = arith.addi %min3A_867, %add3A_868 : vector<16xi32>
    %swap3A_870 = arith.constant 288 : index
    %swap3A_871 = tpu.vector_load %arg6[%swap3A_870] {strides = array<i32>} : memref<512xi32, #tpu.memory_space<vmem>>, vector<16xi32>,
    tpu.vector_store %arg6[%swap3A_870], %add3A_869 {strides = array<i32>} : memref<512xi32, #tpu.memory_space<vmem>>, vector<16xi32>,
    %mul3A_872 = arith.constant 2 : i32
    %mul3A_873 = vector.broadcast %mul3A_872 : i32 to vector<16xi32>
    %mul3A_874 = arith.muli %iota3A, %mul3A_873 : vector<16xi32>
    %add3A_875 = arith.constant 608 : i32
    %add3A_876 = vector.broadcast %add3A_875 : i32 to vector<16xi32>
    %add3A_877 = arith.addi %mul3A_874, %add3A_876 : vector<16xi32>
    %gather3A_878 = tpu.vector_load_idx %arg5[%add3A_877] : memref<1024xf32, #tpu.memory_space<vmem>>[vector<16xi32>], vector<16xf32>,
    %mul3A_879 = arith.constant 2.240000e+02 : f32
    %mul3A_880 = vector.broadcast %mul3A_879 : f32 to vector<16xf32>
    %mul3A_881 = arith.mulf %gather3A_878, %mul3A_880 : vector<16xf32>
    %add3A_882 = arith.constant 1 : i32
    %add3A_883 = vector.broadcast %add3A_882 : i32 to vector<16xi32>
    %add3A_884 = arith.addi %add3A_877, %add3A_883 : vector<16xi32>
    %gather3A_885 = tpu.vector_load_idx %arg5[%add3A_884] : memref<1024xf32, #tpu.memory_space<vmem>>[vector<16xi32>], vector<16xf32>,
    %mul3A_886 = arith.constant 2.240000e+02 : f32
    %mul3A_887 = vector.broadcast %mul3A_886 : f32 to vector<16xf32>
    %mul3A_888 = arith.mulf %gather3A_885, %mul3A_887 : vector<16xf32>
    %convert_element_type3A_889 = arith.fptosi %mul3A_881 : vector<16xf32> to vector<16xi32>
    %convert_element_type3A_890 = arith.sitofp %convert_element_type3A_889 : vector<16xi32> to vector<16xf32>
    %gt3A_891 = arith.cmpf ogt, %convert_element_type3A_890, %mul3A_881 : vector<16xf32>
    %sub3A_892 = arith.constant 1 : i32
    %sub3A_893 = vector.broadcast %sub3A_892 : i32 to vector<16xi32>
    %sub3A_894 = arith.subi %convert_element_type3A_889, %sub3A_893 : vector<16xi32>
    %select_n3A_895 = arith.select %gt3A_891, %sub3A_894, %convert_element_type3A_889 : vector<16xi1>, vector<16xi32>
    %convert_element_type3A_896 = arith.fptosi %mul3A_888 : vector<16xf32> to vector<16xi32>
    %convert_element_type3A_897 = arith.sitofp %convert_element_type3A_896 : vector<16xi32> to vector<16xf32>
    %gt3A_898 = arith.cmpf ogt, %convert_element_type3A_897, %mul3A_888 : vector<16xf32>
    %sub3A_899 = arith.constant 1 : i32
    %sub3A_900 = vector.broadcast %sub3A_899 : i32 to vector<16xi32>
    %sub3A_901 = arith.subi %convert_element_type3A_896, %sub3A_900 : vector<16xi32>
    %select_n3A_902 = arith.select %gt3A_898, %sub3A_901, %convert_element_type3A_896 : vector<16xi1>, vector<16xi32>
    %mul3A_903 = arith.constant 224 : i32
    %mul3A_904 = vector.broadcast %mul3A_903 : i32 to vector<16xi32>
    %mul3A_905 = arith.muli %select_n3A_895, %mul3A_904 : vector<16xi32>
    %add3A_906 = arith.addi %mul3A_905, %select_n3A_902 : vector<16xi32>
    %max3A_907 = arith.constant 0 : i32
    %max3A_908 = vector.broadcast %max3A_907 : i32 to vector<16xi32>
    %max3A_909 = arith.maxsi %add3A_906, %max3A_908 : vector<16xi32>
    %min3A_910 = arith.constant 50175 : i32
    %min3A_911 = vector.broadcast %min3A_910 : i32 to vector<16xi32>
    %min3A_912 = arith.minsi %max3A_909, %min3A_911 : vector<16xi32>
    %add3A_913 = vector.broadcast %mul3A_20 : i32 to vector<16xi32>
    %add3A_914 = arith.addi %min3A_912, %add3A_913 : vector<16xi32>
    %swap3A_915 = arith.constant 304 : index
    %swap3A_916 = tpu.vector_load %arg6[%swap3A_915] {strides = array<i32>} : memref<512xi32, #tpu.memory_space<vmem>>, vector<16xi32>,
    tpu.vector_store %arg6[%swap3A_915], %add3A_914 {strides = array<i32>} : memref<512xi32, #tpu.memory_space<vmem>>, vector<16xi32>,
    %mul3A_917 = arith.constant 2 : i32
    %mul3A_918 = vector.broadcast %mul3A_917 : i32 to vector<16xi32>
    %mul3A_919 = arith.muli %iota3A, %mul3A_918 : vector<16xi32>
    %add3A_920 = arith.constant 640 : i32
    %add3A_921 = vector.broadcast %add3A_920 : i32 to vector<16xi32>
    %add3A_922 = arith.addi %mul3A_919, %add3A_921 : vector<16xi32>
    %gather3A_923 = tpu.vector_load_idx %arg5[%add3A_922] : memref<1024xf32, #tpu.memory_space<vmem>>[vector<16xi32>], vector<16xf32>,
    %mul3A_924 = arith.constant 2.240000e+02 : f32
    %mul3A_925 = vector.broadcast %mul3A_924 : f32 to vector<16xf32>
    %mul3A_926 = arith.mulf %gather3A_923, %mul3A_925 : vector<16xf32>
    %add3A_927 = arith.constant 1 : i32
    %add3A_928 = vector.broadcast %add3A_927 : i32 to vector<16xi32>
    %add3A_929 = arith.addi %add3A_922, %add3A_928 : vector<16xi32>
    %gather3A_930 = tpu.vector_load_idx %arg5[%add3A_929] : memref<1024xf32, #tpu.memory_space<vmem>>[vector<16xi32>], vector<16xf32>,
    %mul3A_931 = arith.constant 2.240000e+02 : f32
    %mul3A_932 = vector.broadcast %mul3A_931 : f32 to vector<16xf32>
    %mul3A_933 = arith.mulf %gather3A_930, %mul3A_932 : vector<16xf32>
    %convert_element_type3A_934 = arith.fptosi %mul3A_926 : vector<16xf32> to vector<16xi32>
    %convert_element_type3A_935 = arith.sitofp %convert_element_type3A_934 : vector<16xi32> to vector<16xf32>
    %gt3A_936 = arith.cmpf ogt, %convert_element_type3A_935, %mul3A_926 : vector<16xf32>
    %sub3A_937 = arith.constant 1 : i32
    %sub3A_938 = vector.broadcast %sub3A_937 : i32 to vector<16xi32>
    %sub3A_939 = arith.subi %convert_element_type3A_934, %sub3A_938 : vector<16xi32>
    %select_n3A_940 = arith.select %gt3A_936, %sub3A_939, %convert_element_type3A_934 : vector<16xi1>, vector<16xi32>
    %convert_element_type3A_941 = arith.fptosi %mul3A_933 : vector<16xf32> to vector<16xi32>
    %convert_element_type3A_942 = arith.sitofp %convert_element_type3A_941 : vector<16xi32> to vector<16xf32>
    %gt3A_943 = arith.cmpf ogt, %convert_element_type3A_942, %mul3A_933 : vector<16xf32>
    %sub3A_944 = arith.constant 1 : i32
    %sub3A_945 = vector.broadcast %sub3A_944 : i32 to vector<16xi32>
    %sub3A_946 = arith.subi %convert_element_type3A_941, %sub3A_945 : vector<16xi32>
    %select_n3A_947 = arith.select %gt3A_943, %sub3A_946, %convert_element_type3A_941 : vector<16xi1>, vector<16xi32>
    %mul3A_948 = arith.constant 224 : i32
    %mul3A_949 = vector.broadcast %mul3A_948 : i32 to vector<16xi32>
    %mul3A_950 = arith.muli %select_n3A_940, %mul3A_949 : vector<16xi32>
    %add3A_951 = arith.addi %mul3A_950, %select_n3A_947 : vector<16xi32>
    %max3A_952 = arith.constant 0 : i32
    %max3A_953 = vector.broadcast %max3A_952 : i32 to vector<16xi32>
    %max3A_954 = arith.maxsi %add3A_951, %max3A_953 : vector<16xi32>
    %min3A_955 = arith.constant 50175 : i32
    %min3A_956 = vector.broadcast %min3A_955 : i32 to vector<16xi32>
    %min3A_957 = arith.minsi %max3A_954, %min3A_956 : vector<16xi32>
    %add3A_958 = vector.broadcast %mul3A_20 : i32 to vector<16xi32>
    %add3A_959 = arith.addi %min3A_957, %add3A_958 : vector<16xi32>
    %swap3A_960 = arith.constant 320 : index
    %swap3A_961 = tpu.vector_load %arg6[%swap3A_960] {strides = array<i32>} : memref<512xi32, #tpu.memory_space<vmem>>, vector<16xi32>,
    tpu.vector_store %arg6[%swap3A_960], %add3A_959 {strides = array<i32>} : memref<512xi32, #tpu.memory_space<vmem>>, vector<16xi32>,
    %mul3A_962 = arith.constant 2 : i32
    %mul3A_963 = vector.broadcast %mul3A_962 : i32 to vector<16xi32>
    %mul3A_964 = arith.muli %iota3A, %mul3A_963 : vector<16xi32>
    %add3A_965 = arith.constant 672 : i32
    %add3A_966 = vector.broadcast %add3A_965 : i32 to vector<16xi32>
    %add3A_967 = arith.addi %mul3A_964, %add3A_966 : vector<16xi32>
    %gather3A_968 = tpu.vector_load_idx %arg5[%add3A_967] : memref<1024xf32, #tpu.memory_space<vmem>>[vector<16xi32>], vector<16xf32>,
    %mul3A_969 = arith.constant 2.240000e+02 : f32
    %mul3A_970 = vector.broadcast %mul3A_969 : f32 to vector<16xf32>
    %mul3A_971 = arith.mulf %gather3A_968, %mul3A_970 : vector<16xf32>
    %add3A_972 = arith.constant 1 : i32
    %add3A_973 = vector.broadcast %add3A_972 : i32 to vector<16xi32>
    %add3A_974 = arith.addi %add3A_967, %add3A_973 : vector<16xi32>
    %gather3A_975 = tpu.vector_load_idx %arg5[%add3A_974] : memref<1024xf32, #tpu.memory_space<vmem>>[vector<16xi32>], vector<16xf32>,
    %mul3A_976 = arith.constant 2.240000e+02 : f32
    %mul3A_977 = vector.broadcast %mul3A_976 : f32 to vector<16xf32>
    %mul3A_978 = arith.mulf %gather3A_975, %mul3A_977 : vector<16xf32>
    %convert_element_type3A_979 = arith.fptosi %mul3A_971 : vector<16xf32> to vector<16xi32>
    %convert_element_type3A_980 = arith.sitofp %convert_element_type3A_979 : vector<16xi32> to vector<16xf32>
    %gt3A_981 = arith.cmpf ogt, %convert_element_type3A_980, %mul3A_971 : vector<16xf32>
    %sub3A_982 = arith.constant 1 : i32
    %sub3A_983 = vector.broadcast %sub3A_982 : i32 to vector<16xi32>
    %sub3A_984 = arith.subi %convert_element_type3A_979, %sub3A_983 : vector<16xi32>
    %select_n3A_985 = arith.select %gt3A_981, %sub3A_984, %convert_element_type3A_979 : vector<16xi1>, vector<16xi32>
    %convert_element_type3A_986 = arith.fptosi %mul3A_978 : vector<16xf32> to vector<16xi32>
    %convert_element_type3A_987 = arith.sitofp %convert_element_type3A_986 : vector<16xi32> to vector<16xf32>
    %gt3A_988 = arith.cmpf ogt, %convert_element_type3A_987, %mul3A_978 : vector<16xf32>
    %sub3A_989 = arith.constant 1 : i32
    %sub3A_990 = vector.broadcast %sub3A_989 : i32 to vector<16xi32>
    %sub3A_991 = arith.subi %convert_element_type3A_986, %sub3A_990 : vector<16xi32>
    %select_n3A_992 = arith.select %gt3A_988, %sub3A_991, %convert_element_type3A_986 : vector<16xi1>, vector<16xi32>
    %mul3A_993 = arith.constant 224 : i32
    %mul3A_994 = vector.broadcast %mul3A_993 : i32 to vector<16xi32>
    %mul3A_995 = arith.muli %select_n3A_985, %mul3A_994 : vector<16xi32>
    %add3A_996 = arith.addi %mul3A_995, %select_n3A_992 : vector<16xi32>
    %max3A_997 = arith.constant 0 : i32
    %max3A_998 = vector.broadcast %max3A_997 : i32 to vector<16xi32>
    %max3A_999 = arith.maxsi %add3A_996, %max3A_998 : vector<16xi32>
    %min3A_1000 = arith.constant 50175 : i32
    %min3A_1001 = vector.broadcast %min3A_1000 : i32 to vector<16xi32>
    %min3A_1002 = arith.minsi %max3A_999, %min3A_1001 : vector<16xi32>
    %add3A_1003 = vector.broadcast %mul3A_20 : i32 to vector<16xi32>
    %add3A_1004 = arith.addi %min3A_1002, %add3A_1003 : vector<16xi32>
    %swap3A_1005 = arith.constant 336 : index
    %swap3A_1006 = tpu.vector_load %arg6[%swap3A_1005] {strides = array<i32>} : memref<512xi32, #tpu.memory_space<vmem>>, vector<16xi32>,
    tpu.vector_store %arg6[%swap3A_1005], %add3A_1004 {strides = array<i32>} : memref<512xi32, #tpu.memory_space<vmem>>, vector<16xi32>,
    %mul3A_1007 = arith.constant 2 : i32
    %mul3A_1008 = vector.broadcast %mul3A_1007 : i32 to vector<16xi32>
    %mul3A_1009 = arith.muli %iota3A, %mul3A_1008 : vector<16xi32>
    %add3A_1010 = arith.constant 704 : i32
    %add3A_1011 = vector.broadcast %add3A_1010 : i32 to vector<16xi32>
    %add3A_1012 = arith.addi %mul3A_1009, %add3A_1011 : vector<16xi32>
    %gather3A_1013 = tpu.vector_load_idx %arg5[%add3A_1012] : memref<1024xf32, #tpu.memory_space<vmem>>[vector<16xi32>], vector<16xf32>,
    %mul3A_1014 = arith.constant 2.240000e+02 : f32
    %mul3A_1015 = vector.broadcast %mul3A_1014 : f32 to vector<16xf32>
    %mul3A_1016 = arith.mulf %gather3A_1013, %mul3A_1015 : vector<16xf32>
    %add3A_1017 = arith.constant 1 : i32
    %add3A_1018 = vector.broadcast %add3A_1017 : i32 to vector<16xi32>
    %add3A_1019 = arith.addi %add3A_1012, %add3A_1018 : vector<16xi32>
    %gather3A_1020 = tpu.vector_load_idx %arg5[%add3A_1019] : memref<1024xf32, #tpu.memory_space<vmem>>[vector<16xi32>], vector<16xf32>,
    %mul3A_1021 = arith.constant 2.240000e+02 : f32
    %mul3A_1022 = vector.broadcast %mul3A_1021 : f32 to vector<16xf32>
    %mul3A_1023 = arith.mulf %gather3A_1020, %mul3A_1022 : vector<16xf32>
    %convert_element_type3A_1024 = arith.fptosi %mul3A_1016 : vector<16xf32> to vector<16xi32>
    %convert_element_type3A_1025 = arith.sitofp %convert_element_type3A_1024 : vector<16xi32> to vector<16xf32>
    %gt3A_1026 = arith.cmpf ogt, %convert_element_type3A_1025, %mul3A_1016 : vector<16xf32>
    %sub3A_1027 = arith.constant 1 : i32
    %sub3A_1028 = vector.broadcast %sub3A_1027 : i32 to vector<16xi32>
    %sub3A_1029 = arith.subi %convert_element_type3A_1024, %sub3A_1028 : vector<16xi32>
    %select_n3A_1030 = arith.select %gt3A_1026, %sub3A_1029, %convert_element_type3A_1024 : vector<16xi1>, vector<16xi32>
    %convert_element_type3A_1031 = arith.fptosi %mul3A_1023 : vector<16xf32> to vector<16xi32>
    %convert_element_type3A_1032 = arith.sitofp %convert_element_type3A_1031 : vector<16xi32> to vector<16xf32>
    %gt3A_1033 = arith.cmpf ogt, %convert_element_type3A_1032, %mul3A_1023 : vector<16xf32>
    %sub3A_1034 = arith.constant 1 : i32
    %sub3A_1035 = vector.broadcast %sub3A_1034 : i32 to vector<16xi32>
    %sub3A_1036 = arith.subi %convert_element_type3A_1031, %sub3A_1035 : vector<16xi32>
    %select_n3A_1037 = arith.select %gt3A_1033, %sub3A_1036, %convert_element_type3A_1031 : vector<16xi1>, vector<16xi32>
    %mul3A_1038 = arith.constant 224 : i32
    %mul3A_1039 = vector.broadcast %mul3A_1038 : i32 to vector<16xi32>
    %mul3A_1040 = arith.muli %select_n3A_1030, %mul3A_1039 : vector<16xi32>
    %add3A_1041 = arith.addi %mul3A_1040, %select_n3A_1037 : vector<16xi32>
    %max3A_1042 = arith.constant 0 : i32
    %max3A_1043 = vector.broadcast %max3A_1042 : i32 to vector<16xi32>
    %max3A_1044 = arith.maxsi %add3A_1041, %max3A_1043 : vector<16xi32>
    %min3A_1045 = arith.constant 50175 : i32
    %min3A_1046 = vector.broadcast %min3A_1045 : i32 to vector<16xi32>
    %min3A_1047 = arith.minsi %max3A_1044, %min3A_1046 : vector<16xi32>
    %add3A_1048 = vector.broadcast %mul3A_20 : i32 to vector<16xi32>
    %add3A_1049 = arith.addi %min3A_1047, %add3A_1048 : vector<16xi32>
    %swap3A_1050 = arith.constant 352 : index
    %swap3A_1051 = tpu.vector_load %arg6[%swap3A_1050] {strides = array<i32>} : memref<512xi32, #tpu.memory_space<vmem>>, vector<16xi32>,
    tpu.vector_store %arg6[%swap3A_1050], %add3A_1049 {strides = array<i32>} : memref<512xi32, #tpu.memory_space<vmem>>, vector<16xi32>,
    %mul3A_1052 = arith.constant 2 : i32
    %mul3A_1053 = vector.broadcast %mul3A_1052 : i32 to vector<16xi32>
    %mul3A_1054 = arith.muli %iota3A, %mul3A_1053 : vector<16xi32>
    %add3A_1055 = arith.constant 736 : i32
    %add3A_1056 = vector.broadcast %add3A_1055 : i32 to vector<16xi32>
    %add3A_1057 = arith.addi %mul3A_1054, %add3A_1056 : vector<16xi32>
    %gather3A_1058 = tpu.vector_load_idx %arg5[%add3A_1057] : memref<1024xf32, #tpu.memory_space<vmem>>[vector<16xi32>], vector<16xf32>,
    %mul3A_1059 = arith.constant 2.240000e+02 : f32
    %mul3A_1060 = vector.broadcast %mul3A_1059 : f32 to vector<16xf32>
    %mul3A_1061 = arith.mulf %gather3A_1058, %mul3A_1060 : vector<16xf32>
    %add3A_1062 = arith.constant 1 : i32
    %add3A_1063 = vector.broadcast %add3A_1062 : i32 to vector<16xi32>
    %add3A_1064 = arith.addi %add3A_1057, %add3A_1063 : vector<16xi32>
    %gather3A_1065 = tpu.vector_load_idx %arg5[%add3A_1064] : memref<1024xf32, #tpu.memory_space<vmem>>[vector<16xi32>], vector<16xf32>,
    %mul3A_1066 = arith.constant 2.240000e+02 : f32
    %mul3A_1067 = vector.broadcast %mul3A_1066 : f32 to vector<16xf32>
    %mul3A_1068 = arith.mulf %gather3A_1065, %mul3A_1067 : vector<16xf32>
    %convert_element_type3A_1069 = arith.fptosi %mul3A_1061 : vector<16xf32> to vector<16xi32>
    %convert_element_type3A_1070 = arith.sitofp %convert_element_type3A_1069 : vector<16xi32> to vector<16xf32>
    %gt3A_1071 = arith.cmpf ogt, %convert_element_type3A_1070, %mul3A_1061 : vector<16xf32>
    %sub3A_1072 = arith.constant 1 : i32
    %sub3A_1073 = vector.broadcast %sub3A_1072 : i32 to vector<16xi32>
    %sub3A_1074 = arith.subi %convert_element_type3A_1069, %sub3A_1073 : vector<16xi32>
    %select_n3A_1075 = arith.select %gt3A_1071, %sub3A_1074, %convert_element_type3A_1069 : vector<16xi1>, vector<16xi32>
    %convert_element_type3A_1076 = arith.fptosi %mul3A_1068 : vector<16xf32> to vector<16xi32>
    %convert_element_type3A_1077 = arith.sitofp %convert_element_type3A_1076 : vector<16xi32> to vector<16xf32>
    %gt3A_1078 = arith.cmpf ogt, %convert_element_type3A_1077, %mul3A_1068 : vector<16xf32>
    %sub3A_1079 = arith.constant 1 : i32
    %sub3A_1080 = vector.broadcast %sub3A_1079 : i32 to vector<16xi32>
    %sub3A_1081 = arith.subi %convert_element_type3A_1076, %sub3A_1080 : vector<16xi32>
    %select_n3A_1082 = arith.select %gt3A_1078, %sub3A_1081, %convert_element_type3A_1076 : vector<16xi1>, vector<16xi32>
    %mul3A_1083 = arith.constant 224 : i32
    %mul3A_1084 = vector.broadcast %mul3A_1083 : i32 to vector<16xi32>
    %mul3A_1085 = arith.muli %select_n3A_1075, %mul3A_1084 : vector<16xi32>
    %add3A_1086 = arith.addi %mul3A_1085, %select_n3A_1082 : vector<16xi32>
    %max3A_1087 = arith.constant 0 : i32
    %max3A_1088 = vector.broadcast %max3A_1087 : i32 to vector<16xi32>
    %max3A_1089 = arith.maxsi %add3A_1086, %max3A_1088 : vector<16xi32>
    %min3A_1090 = arith.constant 50175 : i32
    %min3A_1091 = vector.broadcast %min3A_1090 : i32 to vector<16xi32>
    %min3A_1092 = arith.minsi %max3A_1089, %min3A_1091 : vector<16xi32>
    %add3A_1093 = vector.broadcast %mul3A_20 : i32 to vector<16xi32>
    %add3A_1094 = arith.addi %min3A_1092, %add3A_1093 : vector<16xi32>
    %swap3A_1095 = arith.constant 368 : index
    %swap3A_1096 = tpu.vector_load %arg6[%swap3A_1095] {strides = array<i32>} : memref<512xi32, #tpu.memory_space<vmem>>, vector<16xi32>,
    tpu.vector_store %arg6[%swap3A_1095], %add3A_1094 {strides = array<i32>} : memref<512xi32, #tpu.memory_space<vmem>>, vector<16xi32>,
    %mul3A_1097 = arith.constant 2 : i32
    %mul3A_1098 = vector.broadcast %mul3A_1097 : i32 to vector<16xi32>
    %mul3A_1099 = arith.muli %iota3A, %mul3A_1098 : vector<16xi32>
    %add3A_1100 = arith.constant 768 : i32
    %add3A_1101 = vector.broadcast %add3A_1100 : i32 to vector<16xi32>
    %add3A_1102 = arith.addi %mul3A_1099, %add3A_1101 : vector<16xi32>
    %gather3A_1103 = tpu.vector_load_idx %arg5[%add3A_1102] : memref<1024xf32, #tpu.memory_space<vmem>>[vector<16xi32>], vector<16xf32>,
    %mul3A_1104 = arith.constant 2.240000e+02 : f32
    %mul3A_1105 = vector.broadcast %mul3A_1104 : f32 to vector<16xf32>
    %mul3A_1106 = arith.mulf %gather3A_1103, %mul3A_1105 : vector<16xf32>
    %add3A_1107 = arith.constant 1 : i32
    %add3A_1108 = vector.broadcast %add3A_1107 : i32 to vector<16xi32>
    %add3A_1109 = arith.addi %add3A_1102, %add3A_1108 : vector<16xi32>
    %gather3A_1110 = tpu.vector_load_idx %arg5[%add3A_1109] : memref<1024xf32, #tpu.memory_space<vmem>>[vector<16xi32>], vector<16xf32>,
    %mul3A_1111 = arith.constant 2.240000e+02 : f32
    %mul3A_1112 = vector.broadcast %mul3A_1111 : f32 to vector<16xf32>
    %mul3A_1113 = arith.mulf %gather3A_1110, %mul3A_1112 : vector<16xf32>
    %convert_element_type3A_1114 = arith.fptosi %mul3A_1106 : vector<16xf32> to vector<16xi32>
    %convert_element_type3A_1115 = arith.sitofp %convert_element_type3A_1114 : vector<16xi32> to vector<16xf32>
    %gt3A_1116 = arith.cmpf ogt, %convert_element_type3A_1115, %mul3A_1106 : vector<16xf32>
    %sub3A_1117 = arith.constant 1 : i32
    %sub3A_1118 = vector.broadcast %sub3A_1117 : i32 to vector<16xi32>
    %sub3A_1119 = arith.subi %convert_element_type3A_1114, %sub3A_1118 : vector<16xi32>
    %select_n3A_1120 = arith.select %gt3A_1116, %sub3A_1119, %convert_element_type3A_1114 : vector<16xi1>, vector<16xi32>
    %convert_element_type3A_1121 = arith.fptosi %mul3A_1113 : vector<16xf32> to vector<16xi32>
    %convert_element_type3A_1122 = arith.sitofp %convert_element_type3A_1121 : vector<16xi32> to vector<16xf32>
    %gt3A_1123 = arith.cmpf ogt, %convert_element_type3A_1122, %mul3A_1113 : vector<16xf32>
    %sub3A_1124 = arith.constant 1 : i32
    %sub3A_1125 = vector.broadcast %sub3A_1124 : i32 to vector<16xi32>
    %sub3A_1126 = arith.subi %convert_element_type3A_1121, %sub3A_1125 : vector<16xi32>
    %select_n3A_1127 = arith.select %gt3A_1123, %sub3A_1126, %convert_element_type3A_1121 : vector<16xi1>, vector<16xi32>
    %mul3A_1128 = arith.constant 224 : i32
    %mul3A_1129 = vector.broadcast %mul3A_1128 : i32 to vector<16xi32>
    %mul3A_1130 = arith.muli %select_n3A_1120, %mul3A_1129 : vector<16xi32>
    %add3A_1131 = arith.addi %mul3A_1130, %select_n3A_1127 : vector<16xi32>
    %max3A_1132 = arith.constant 0 : i32
    %max3A_1133 = vector.broadcast %max3A_1132 : i32 to vector<16xi32>
    %max3A_1134 = arith.maxsi %add3A_1131, %max3A_1133 : vector<16xi32>
    %min3A_1135 = arith.constant 50175 : i32
    %min3A_1136 = vector.broadcast %min3A_1135 : i32 to vector<16xi32>
    %min3A_1137 = arith.minsi %max3A_1134, %min3A_1136 : vector<16xi32>
    %add3A_1138 = vector.broadcast %mul3A_20 : i32 to vector<16xi32>
    %add3A_1139 = arith.addi %min3A_1137, %add3A_1138 : vector<16xi32>
    %swap3A_1140 = arith.constant 384 : index
    %swap3A_1141 = tpu.vector_load %arg6[%swap3A_1140] {strides = array<i32>} : memref<512xi32, #tpu.memory_space<vmem>>, vector<16xi32>,
    tpu.vector_store %arg6[%swap3A_1140], %add3A_1139 {strides = array<i32>} : memref<512xi32, #tpu.memory_space<vmem>>, vector<16xi32>,
    %mul3A_1142 = arith.constant 2 : i32
    %mul3A_1143 = vector.broadcast %mul3A_1142 : i32 to vector<16xi32>
    %mul3A_1144 = arith.muli %iota3A, %mul3A_1143 : vector<16xi32>
    %add3A_1145 = arith.constant 800 : i32
    %add3A_1146 = vector.broadcast %add3A_1145 : i32 to vector<16xi32>
    %add3A_1147 = arith.addi %mul3A_1144, %add3A_1146 : vector<16xi32>
    %gather3A_1148 = tpu.vector_load_idx %arg5[%add3A_1147] : memref<1024xf32, #tpu.memory_space<vmem>>[vector<16xi32>], vector<16xf32>,
    %mul3A_1149 = arith.constant 2.240000e+02 : f32
    %mul3A_1150 = vector.broadcast %mul3A_1149 : f32 to vector<16xf32>
    %mul3A_1151 = arith.mulf %gather3A_1148, %mul3A_1150 : vector<16xf32>
    %add3A_1152 = arith.constant 1 : i32
    %add3A_1153 = vector.broadcast %add3A_1152 : i32 to vector<16xi32>
    %add3A_1154 = arith.addi %add3A_1147, %add3A_1153 : vector<16xi32>
    %gather3A_1155 = tpu.vector_load_idx %arg5[%add3A_1154] : memref<1024xf32, #tpu.memory_space<vmem>>[vector<16xi32>], vector<16xf32>,
    %mul3A_1156 = arith.constant 2.240000e+02 : f32
    %mul3A_1157 = vector.broadcast %mul3A_1156 : f32 to vector<16xf32>
    %mul3A_1158 = arith.mulf %gather3A_1155, %mul3A_1157 : vector<16xf32>
    %convert_element_type3A_1159 = arith.fptosi %mul3A_1151 : vector<16xf32> to vector<16xi32>
    %convert_element_type3A_1160 = arith.sitofp %convert_element_type3A_1159 : vector<16xi32> to vector<16xf32>
    %gt3A_1161 = arith.cmpf ogt, %convert_element_type3A_1160, %mul3A_1151 : vector<16xf32>
    %sub3A_1162 = arith.constant 1 : i32
    %sub3A_1163 = vector.broadcast %sub3A_1162 : i32 to vector<16xi32>
    %sub3A_1164 = arith.subi %convert_element_type3A_1159, %sub3A_1163 : vector<16xi32>
    %select_n3A_1165 = arith.select %gt3A_1161, %sub3A_1164, %convert_element_type3A_1159 : vector<16xi1>, vector<16xi32>
    %convert_element_type3A_1166 = arith.fptosi %mul3A_1158 : vector<16xf32> to vector<16xi32>
    %convert_element_type3A_1167 = arith.sitofp %convert_element_type3A_1166 : vector<16xi32> to vector<16xf32>
    %gt3A_1168 = arith.cmpf ogt, %convert_element_type3A_1167, %mul3A_1158 : vector<16xf32>
    %sub3A_1169 = arith.constant 1 : i32
    %sub3A_1170 = vector.broadcast %sub3A_1169 : i32 to vector<16xi32>
    %sub3A_1171 = arith.subi %convert_element_type3A_1166, %sub3A_1170 : vector<16xi32>
    %select_n3A_1172 = arith.select %gt3A_1168, %sub3A_1171, %convert_element_type3A_1166 : vector<16xi1>, vector<16xi32>
    %mul3A_1173 = arith.constant 224 : i32
    %mul3A_1174 = vector.broadcast %mul3A_1173 : i32 to vector<16xi32>
    %mul3A_1175 = arith.muli %select_n3A_1165, %mul3A_1174 : vector<16xi32>
    %add3A_1176 = arith.addi %mul3A_1175, %select_n3A_1172 : vector<16xi32>
    %max3A_1177 = arith.constant 0 : i32
    %max3A_1178 = vector.broadcast %max3A_1177 : i32 to vector<16xi32>
    %max3A_1179 = arith.maxsi %add3A_1176, %max3A_1178 : vector<16xi32>
    %min3A_1180 = arith.constant 50175 : i32
    %min3A_1181 = vector.broadcast %min3A_1180 : i32 to vector<16xi32>
    %min3A_1182 = arith.minsi %max3A_1179, %min3A_1181 : vector<16xi32>
    %add3A_1183 = vector.broadcast %mul3A_20 : i32 to vector<16xi32>
    %add3A_1184 = arith.addi %min3A_1182, %add3A_1183 : vector<16xi32>
    %swap3A_1185 = arith.constant 400 : index
    %swap3A_1186 = tpu.vector_load %arg6[%swap3A_1185] {strides = array<i32>} : memref<512xi32, #tpu.memory_space<vmem>>, vector<16xi32>,
    tpu.vector_store %arg6[%swap3A_1185], %add3A_1184 {strides = array<i32>} : memref<512xi32, #tpu.memory_space<vmem>>, vector<16xi32>,
    %mul3A_1187 = arith.constant 2 : i32
    %mul3A_1188 = vector.broadcast %mul3A_1187 : i32 to vector<16xi32>
    %mul3A_1189 = arith.muli %iota3A, %mul3A_1188 : vector<16xi32>
    %add3A_1190 = arith.constant 832 : i32
    %add3A_1191 = vector.broadcast %add3A_1190 : i32 to vector<16xi32>
    %add3A_1192 = arith.addi %mul3A_1189, %add3A_1191 : vector<16xi32>
    %gather3A_1193 = tpu.vector_load_idx %arg5[%add3A_1192] : memref<1024xf32, #tpu.memory_space<vmem>>[vector<16xi32>], vector<16xf32>,
    %mul3A_1194 = arith.constant 2.240000e+02 : f32
    %mul3A_1195 = vector.broadcast %mul3A_1194 : f32 to vector<16xf32>
    %mul3A_1196 = arith.mulf %gather3A_1193, %mul3A_1195 : vector<16xf32>
    %add3A_1197 = arith.constant 1 : i32
    %add3A_1198 = vector.broadcast %add3A_1197 : i32 to vector<16xi32>
    %add3A_1199 = arith.addi %add3A_1192, %add3A_1198 : vector<16xi32>
    %gather3A_1200 = tpu.vector_load_idx %arg5[%add3A_1199] : memref<1024xf32, #tpu.memory_space<vmem>>[vector<16xi32>], vector<16xf32>,
    %mul3A_1201 = arith.constant 2.240000e+02 : f32
    %mul3A_1202 = vector.broadcast %mul3A_1201 : f32 to vector<16xf32>
    %mul3A_1203 = arith.mulf %gather3A_1200, %mul3A_1202 : vector<16xf32>
    %convert_element_type3A_1204 = arith.fptosi %mul3A_1196 : vector<16xf32> to vector<16xi32>
    %convert_element_type3A_1205 = arith.sitofp %convert_element_type3A_1204 : vector<16xi32> to vector<16xf32>
    %gt3A_1206 = arith.cmpf ogt, %convert_element_type3A_1205, %mul3A_1196 : vector<16xf32>
    %sub3A_1207 = arith.constant 1 : i32
    %sub3A_1208 = vector.broadcast %sub3A_1207 : i32 to vector<16xi32>
    %sub3A_1209 = arith.subi %convert_element_type3A_1204, %sub3A_1208 : vector<16xi32>
    %select_n3A_1210 = arith.select %gt3A_1206, %sub3A_1209, %convert_element_type3A_1204 : vector<16xi1>, vector<16xi32>
    %convert_element_type3A_1211 = arith.fptosi %mul3A_1203 : vector<16xf32> to vector<16xi32>
    %convert_element_type3A_1212 = arith.sitofp %convert_element_type3A_1211 : vector<16xi32> to vector<16xf32>
    %gt3A_1213 = arith.cmpf ogt, %convert_element_type3A_1212, %mul3A_1203 : vector<16xf32>
    %sub3A_1214 = arith.constant 1 : i32
    %sub3A_1215 = vector.broadcast %sub3A_1214 : i32 to vector<16xi32>
    %sub3A_1216 = arith.subi %convert_element_type3A_1211, %sub3A_1215 : vector<16xi32>
    %select_n3A_1217 = arith.select %gt3A_1213, %sub3A_1216, %convert_element_type3A_1211 : vector<16xi1>, vector<16xi32>
    %mul3A_1218 = arith.constant 224 : i32
    %mul3A_1219 = vector.broadcast %mul3A_1218 : i32 to vector<16xi32>
    %mul3A_1220 = arith.muli %select_n3A_1210, %mul3A_1219 : vector<16xi32>
    %add3A_1221 = arith.addi %mul3A_1220, %select_n3A_1217 : vector<16xi32>
    %max3A_1222 = arith.constant 0 : i32
    %max3A_1223 = vector.broadcast %max3A_1222 : i32 to vector<16xi32>
    %max3A_1224 = arith.maxsi %add3A_1221, %max3A_1223 : vector<16xi32>
    %min3A_1225 = arith.constant 50175 : i32
    %min3A_1226 = vector.broadcast %min3A_1225 : i32 to vector<16xi32>
    %min3A_1227 = arith.minsi %max3A_1224, %min3A_1226 : vector<16xi32>
    %add3A_1228 = vector.broadcast %mul3A_20 : i32 to vector<16xi32>
    %add3A_1229 = arith.addi %min3A_1227, %add3A_1228 : vector<16xi32>
    %swap3A_1230 = arith.constant 416 : index
    %swap3A_1231 = tpu.vector_load %arg6[%swap3A_1230] {strides = array<i32>} : memref<512xi32, #tpu.memory_space<vmem>>, vector<16xi32>,
    tpu.vector_store %arg6[%swap3A_1230], %add3A_1229 {strides = array<i32>} : memref<512xi32, #tpu.memory_space<vmem>>, vector<16xi32>,
    %mul3A_1232 = arith.constant 2 : i32
    %mul3A_1233 = vector.broadcast %mul3A_1232 : i32 to vector<16xi32>
    %mul3A_1234 = arith.muli %iota3A, %mul3A_1233 : vector<16xi32>
    %add3A_1235 = arith.constant 864 : i32
    %add3A_1236 = vector.broadcast %add3A_1235 : i32 to vector<16xi32>
    %add3A_1237 = arith.addi %mul3A_1234, %add3A_1236 : vector<16xi32>
    %gather3A_1238 = tpu.vector_load_idx %arg5[%add3A_1237] : memref<1024xf32, #tpu.memory_space<vmem>>[vector<16xi32>], vector<16xf32>,
    %mul3A_1239 = arith.constant 2.240000e+02 : f32
    %mul3A_1240 = vector.broadcast %mul3A_1239 : f32 to vector<16xf32>
    %mul3A_1241 = arith.mulf %gather3A_1238, %mul3A_1240 : vector<16xf32>
    %add3A_1242 = arith.constant 1 : i32
    %add3A_1243 = vector.broadcast %add3A_1242 : i32 to vector<16xi32>
    %add3A_1244 = arith.addi %add3A_1237, %add3A_1243 : vector<16xi32>
    %gather3A_1245 = tpu.vector_load_idx %arg5[%add3A_1244] : memref<1024xf32, #tpu.memory_space<vmem>>[vector<16xi32>], vector<16xf32>,
    %mul3A_1246 = arith.constant 2.240000e+02 : f32
    %mul3A_1247 = vector.broadcast %mul3A_1246 : f32 to vector<16xf32>
    %mul3A_1248 = arith.mulf %gather3A_1245, %mul3A_1247 : vector<16xf32>
    %convert_element_type3A_1249 = arith.fptosi %mul3A_1241 : vector<16xf32> to vector<16xi32>
    %convert_element_type3A_1250 = arith.sitofp %convert_element_type3A_1249 : vector<16xi32> to vector<16xf32>
    %gt3A_1251 = arith.cmpf ogt, %convert_element_type3A_1250, %mul3A_1241 : vector<16xf32>
    %sub3A_1252 = arith.constant 1 : i32
    %sub3A_1253 = vector.broadcast %sub3A_1252 : i32 to vector<16xi32>
    %sub3A_1254 = arith.subi %convert_element_type3A_1249, %sub3A_1253 : vector<16xi32>
    %select_n3A_1255 = arith.select %gt3A_1251, %sub3A_1254, %convert_element_type3A_1249 : vector<16xi1>, vector<16xi32>
    %convert_element_type3A_1256 = arith.fptosi %mul3A_1248 : vector<16xf32> to vector<16xi32>
    %convert_element_type3A_1257 = arith.sitofp %convert_element_type3A_1256 : vector<16xi32> to vector<16xf32>
    %gt3A_1258 = arith.cmpf ogt, %convert_element_type3A_1257, %mul3A_1248 : vector<16xf32>
    %sub3A_1259 = arith.constant 1 : i32
    %sub3A_1260 = vector.broadcast %sub3A_1259 : i32 to vector<16xi32>
    %sub3A_1261 = arith.subi %convert_element_type3A_1256, %sub3A_1260 : vector<16xi32>
    %select_n3A_1262 = arith.select %gt3A_1258, %sub3A_1261, %convert_element_type3A_1256 : vector<16xi1>, vector<16xi32>
    %mul3A_1263 = arith.constant 224 : i32
    %mul3A_1264 = vector.broadcast %mul3A_1263 : i32 to vector<16xi32>
    %mul3A_1265 = arith.muli %select_n3A_1255, %mul3A_1264 : vector<16xi32>
    %add3A_1266 = arith.addi %mul3A_1265, %select_n3A_1262 : vector<16xi32>
    %max3A_1267 = arith.constant 0 : i32
    %max3A_1268 = vector.broadcast %max3A_1267 : i32 to vector<16xi32>
    %max3A_1269 = arith.maxsi %add3A_1266, %max3A_1268 : vector<16xi32>
    %min3A_1270 = arith.constant 50175 : i32
    %min3A_1271 = vector.broadcast %min3A_1270 : i32 to vector<16xi32>
    %min3A_1272 = arith.minsi %max3A_1269, %min3A_1271 : vector<16xi32>
    %add3A_1273 = vector.broadcast %mul3A_20 : i32 to vector<16xi32>
    %add3A_1274 = arith.addi %min3A_1272, %add3A_1273 : vector<16xi32>
    %swap3A_1275 = arith.constant 432 : index
    %swap3A_1276 = tpu.vector_load %arg6[%swap3A_1275] {strides = array<i32>} : memref<512xi32, #tpu.memory_space<vmem>>, vector<16xi32>,
    tpu.vector_store %arg6[%swap3A_1275], %add3A_1274 {strides = array<i32>} : memref<512xi32, #tpu.memory_space<vmem>>, vector<16xi32>,
    %mul3A_1277 = arith.constant 2 : i32
    %mul3A_1278 = vector.broadcast %mul3A_1277 : i32 to vector<16xi32>
    %mul3A_1279 = arith.muli %iota3A, %mul3A_1278 : vector<16xi32>
    %add3A_1280 = arith.constant 896 : i32
    %add3A_1281 = vector.broadcast %add3A_1280 : i32 to vector<16xi32>
    %add3A_1282 = arith.addi %mul3A_1279, %add3A_1281 : vector<16xi32>
    %gather3A_1283 = tpu.vector_load_idx %arg5[%add3A_1282] : memref<1024xf32, #tpu.memory_space<vmem>>[vector<16xi32>], vector<16xf32>,
    %mul3A_1284 = arith.constant 2.240000e+02 : f32
    %mul3A_1285 = vector.broadcast %mul3A_1284 : f32 to vector<16xf32>
    %mul3A_1286 = arith.mulf %gather3A_1283, %mul3A_1285 : vector<16xf32>
    %add3A_1287 = arith.constant 1 : i32
    %add3A_1288 = vector.broadcast %add3A_1287 : i32 to vector<16xi32>
    %add3A_1289 = arith.addi %add3A_1282, %add3A_1288 : vector<16xi32>
    %gather3A_1290 = tpu.vector_load_idx %arg5[%add3A_1289] : memref<1024xf32, #tpu.memory_space<vmem>>[vector<16xi32>], vector<16xf32>,
    %mul3A_1291 = arith.constant 2.240000e+02 : f32
    %mul3A_1292 = vector.broadcast %mul3A_1291 : f32 to vector<16xf32>
    %mul3A_1293 = arith.mulf %gather3A_1290, %mul3A_1292 : vector<16xf32>
    %convert_element_type3A_1294 = arith.fptosi %mul3A_1286 : vector<16xf32> to vector<16xi32>
    %convert_element_type3A_1295 = arith.sitofp %convert_element_type3A_1294 : vector<16xi32> to vector<16xf32>
    %gt3A_1296 = arith.cmpf ogt, %convert_element_type3A_1295, %mul3A_1286 : vector<16xf32>
    %sub3A_1297 = arith.constant 1 : i32
    %sub3A_1298 = vector.broadcast %sub3A_1297 : i32 to vector<16xi32>
    %sub3A_1299 = arith.subi %convert_element_type3A_1294, %sub3A_1298 : vector<16xi32>
    %select_n3A_1300 = arith.select %gt3A_1296, %sub3A_1299, %convert_element_type3A_1294 : vector<16xi1>, vector<16xi32>
    %convert_element_type3A_1301 = arith.fptosi %mul3A_1293 : vector<16xf32> to vector<16xi32>
    %convert_element_type3A_1302 = arith.sitofp %convert_element_type3A_1301 : vector<16xi32> to vector<16xf32>
    %gt3A_1303 = arith.cmpf ogt, %convert_element_type3A_1302, %mul3A_1293 : vector<16xf32>
    %sub3A_1304 = arith.constant 1 : i32
    %sub3A_1305 = vector.broadcast %sub3A_1304 : i32 to vector<16xi32>
    %sub3A_1306 = arith.subi %convert_element_type3A_1301, %sub3A_1305 : vector<16xi32>
    %select_n3A_1307 = arith.select %gt3A_1303, %sub3A_1306, %convert_element_type3A_1301 : vector<16xi1>, vector<16xi32>
    %mul3A_1308 = arith.constant 224 : i32
    %mul3A_1309 = vector.broadcast %mul3A_1308 : i32 to vector<16xi32>
    %mul3A_1310 = arith.muli %select_n3A_1300, %mul3A_1309 : vector<16xi32>
    %add3A_1311 = arith.addi %mul3A_1310, %select_n3A_1307 : vector<16xi32>
    %max3A_1312 = arith.constant 0 : i32
    %max3A_1313 = vector.broadcast %max3A_1312 : i32 to vector<16xi32>
    %max3A_1314 = arith.maxsi %add3A_1311, %max3A_1313 : vector<16xi32>
    %min3A_1315 = arith.constant 50175 : i32
    %min3A_1316 = vector.broadcast %min3A_1315 : i32 to vector<16xi32>
    %min3A_1317 = arith.minsi %max3A_1314, %min3A_1316 : vector<16xi32>
    %add3A_1318 = vector.broadcast %mul3A_20 : i32 to vector<16xi32>
    %add3A_1319 = arith.addi %min3A_1317, %add3A_1318 : vector<16xi32>
    %swap3A_1320 = arith.constant 448 : index
    %swap3A_1321 = tpu.vector_load %arg6[%swap3A_1320] {strides = array<i32>} : memref<512xi32, #tpu.memory_space<vmem>>, vector<16xi32>,
    tpu.vector_store %arg6[%swap3A_1320], %add3A_1319 {strides = array<i32>} : memref<512xi32, #tpu.memory_space<vmem>>, vector<16xi32>,
    %mul3A_1322 = arith.constant 2 : i32
    %mul3A_1323 = vector.broadcast %mul3A_1322 : i32 to vector<16xi32>
    %mul3A_1324 = arith.muli %iota3A, %mul3A_1323 : vector<16xi32>
    %add3A_1325 = arith.constant 928 : i32
    %add3A_1326 = vector.broadcast %add3A_1325 : i32 to vector<16xi32>
    %add3A_1327 = arith.addi %mul3A_1324, %add3A_1326 : vector<16xi32>
    %gather3A_1328 = tpu.vector_load_idx %arg5[%add3A_1327] : memref<1024xf32, #tpu.memory_space<vmem>>[vector<16xi32>], vector<16xf32>,
    %mul3A_1329 = arith.constant 2.240000e+02 : f32
    %mul3A_1330 = vector.broadcast %mul3A_1329 : f32 to vector<16xf32>
    %mul3A_1331 = arith.mulf %gather3A_1328, %mul3A_1330 : vector<16xf32>
    %add3A_1332 = arith.constant 1 : i32
    %add3A_1333 = vector.broadcast %add3A_1332 : i32 to vector<16xi32>
    %add3A_1334 = arith.addi %add3A_1327, %add3A_1333 : vector<16xi32>
    %gather3A_1335 = tpu.vector_load_idx %arg5[%add3A_1334] : memref<1024xf32, #tpu.memory_space<vmem>>[vector<16xi32>], vector<16xf32>,
    %mul3A_1336 = arith.constant 2.240000e+02 : f32
    %mul3A_1337 = vector.broadcast %mul3A_1336 : f32 to vector<16xf32>
    %mul3A_1338 = arith.mulf %gather3A_1335, %mul3A_1337 : vector<16xf32>
    %convert_element_type3A_1339 = arith.fptosi %mul3A_1331 : vector<16xf32> to vector<16xi32>
    %convert_element_type3A_1340 = arith.sitofp %convert_element_type3A_1339 : vector<16xi32> to vector<16xf32>
    %gt3A_1341 = arith.cmpf ogt, %convert_element_type3A_1340, %mul3A_1331 : vector<16xf32>
    %sub3A_1342 = arith.constant 1 : i32
    %sub3A_1343 = vector.broadcast %sub3A_1342 : i32 to vector<16xi32>
    %sub3A_1344 = arith.subi %convert_element_type3A_1339, %sub3A_1343 : vector<16xi32>
    %select_n3A_1345 = arith.select %gt3A_1341, %sub3A_1344, %convert_element_type3A_1339 : vector<16xi1>, vector<16xi32>
    %convert_element_type3A_1346 = arith.fptosi %mul3A_1338 : vector<16xf32> to vector<16xi32>
    %convert_element_type3A_1347 = arith.sitofp %convert_element_type3A_1346 : vector<16xi32> to vector<16xf32>
    %gt3A_1348 = arith.cmpf ogt, %convert_element_type3A_1347, %mul3A_1338 : vector<16xf32>
    %sub3A_1349 = arith.constant 1 : i32
    %sub3A_1350 = vector.broadcast %sub3A_1349 : i32 to vector<16xi32>
    %sub3A_1351 = arith.subi %convert_element_type3A_1346, %sub3A_1350 : vector<16xi32>
    %select_n3A_1352 = arith.select %gt3A_1348, %sub3A_1351, %convert_element_type3A_1346 : vector<16xi1>, vector<16xi32>
    %mul3A_1353 = arith.constant 224 : i32
    %mul3A_1354 = vector.broadcast %mul3A_1353 : i32 to vector<16xi32>
    %mul3A_1355 = arith.muli %select_n3A_1345, %mul3A_1354 : vector<16xi32>
    %add3A_1356 = arith.addi %mul3A_1355, %select_n3A_1352 : vector<16xi32>
    %max3A_1357 = arith.constant 0 : i32
    %max3A_1358 = vector.broadcast %max3A_1357 : i32 to vector<16xi32>
    %max3A_1359 = arith.maxsi %add3A_1356, %max3A_1358 : vector<16xi32>
    %min3A_1360 = arith.constant 50175 : i32
    %min3A_1361 = vector.broadcast %min3A_1360 : i32 to vector<16xi32>
    %min3A_1362 = arith.minsi %max3A_1359, %min3A_1361 : vector<16xi32>
    %add3A_1363 = vector.broadcast %mul3A_20 : i32 to vector<16xi32>
    %add3A_1364 = arith.addi %min3A_1362, %add3A_1363 : vector<16xi32>
    %swap3A_1365 = arith.constant 464 : index
    %swap3A_1366 = tpu.vector_load %arg6[%swap3A_1365] {strides = array<i32>} : memref<512xi32, #tpu.memory_space<vmem>>, vector<16xi32>,
    tpu.vector_store %arg6[%swap3A_1365], %add3A_1364 {strides = array<i32>} : memref<512xi32, #tpu.memory_space<vmem>>, vector<16xi32>,
    %mul3A_1367 = arith.constant 2 : i32
    %mul3A_1368 = vector.broadcast %mul3A_1367 : i32 to vector<16xi32>
    %mul3A_1369 = arith.muli %iota3A, %mul3A_1368 : vector<16xi32>
    %add3A_1370 = arith.constant 960 : i32
    %add3A_1371 = vector.broadcast %add3A_1370 : i32 to vector<16xi32>
    %add3A_1372 = arith.addi %mul3A_1369, %add3A_1371 : vector<16xi32>
    %gather3A_1373 = tpu.vector_load_idx %arg5[%add3A_1372] : memref<1024xf32, #tpu.memory_space<vmem>>[vector<16xi32>], vector<16xf32>,
    %mul3A_1374 = arith.constant 2.240000e+02 : f32
    %mul3A_1375 = vector.broadcast %mul3A_1374 : f32 to vector<16xf32>
    %mul3A_1376 = arith.mulf %gather3A_1373, %mul3A_1375 : vector<16xf32>
    %add3A_1377 = arith.constant 1 : i32
    %add3A_1378 = vector.broadcast %add3A_1377 : i32 to vector<16xi32>
    %add3A_1379 = arith.addi %add3A_1372, %add3A_1378 : vector<16xi32>
    %gather3A_1380 = tpu.vector_load_idx %arg5[%add3A_1379] : memref<1024xf32, #tpu.memory_space<vmem>>[vector<16xi32>], vector<16xf32>,
    %mul3A_1381 = arith.constant 2.240000e+02 : f32
    %mul3A_1382 = vector.broadcast %mul3A_1381 : f32 to vector<16xf32>
    %mul3A_1383 = arith.mulf %gather3A_1380, %mul3A_1382 : vector<16xf32>
    %convert_element_type3A_1384 = arith.fptosi %mul3A_1376 : vector<16xf32> to vector<16xi32>
    %convert_element_type3A_1385 = arith.sitofp %convert_element_type3A_1384 : vector<16xi32> to vector<16xf32>
    %gt3A_1386 = arith.cmpf ogt, %convert_element_type3A_1385, %mul3A_1376 : vector<16xf32>
    %sub3A_1387 = arith.constant 1 : i32
    %sub3A_1388 = vector.broadcast %sub3A_1387 : i32 to vector<16xi32>
    %sub3A_1389 = arith.subi %convert_element_type3A_1384, %sub3A_1388 : vector<16xi32>
    %select_n3A_1390 = arith.select %gt3A_1386, %sub3A_1389, %convert_element_type3A_1384 : vector<16xi1>, vector<16xi32>
    %convert_element_type3A_1391 = arith.fptosi %mul3A_1383 : vector<16xf32> to vector<16xi32>
    %convert_element_type3A_1392 = arith.sitofp %convert_element_type3A_1391 : vector<16xi32> to vector<16xf32>
    %gt3A_1393 = arith.cmpf ogt, %convert_element_type3A_1392, %mul3A_1383 : vector<16xf32>
    %sub3A_1394 = arith.constant 1 : i32
    %sub3A_1395 = vector.broadcast %sub3A_1394 : i32 to vector<16xi32>
    %sub3A_1396 = arith.subi %convert_element_type3A_1391, %sub3A_1395 : vector<16xi32>
    %select_n3A_1397 = arith.select %gt3A_1393, %sub3A_1396, %convert_element_type3A_1391 : vector<16xi1>, vector<16xi32>
    %mul3A_1398 = arith.constant 224 : i32
    %mul3A_1399 = vector.broadcast %mul3A_1398 : i32 to vector<16xi32>
    %mul3A_1400 = arith.muli %select_n3A_1390, %mul3A_1399 : vector<16xi32>
    %add3A_1401 = arith.addi %mul3A_1400, %select_n3A_1397 : vector<16xi32>
    %max3A_1402 = arith.constant 0 : i32
    %max3A_1403 = vector.broadcast %max3A_1402 : i32 to vector<16xi32>
    %max3A_1404 = arith.maxsi %add3A_1401, %max3A_1403 : vector<16xi32>
    %min3A_1405 = arith.constant 50175 : i32
    %min3A_1406 = vector.broadcast %min3A_1405 : i32 to vector<16xi32>
    %min3A_1407 = arith.minsi %max3A_1404, %min3A_1406 : vector<16xi32>
    %add3A_1408 = vector.broadcast %mul3A_20 : i32 to vector<16xi32>
    %add3A_1409 = arith.addi %min3A_1407, %add3A_1408 : vector<16xi32>
    %swap3A_1410 = arith.constant 480 : index
    %swap3A_1411 = tpu.vector_load %arg6[%swap3A_1410] {strides = array<i32>} : memref<512xi32, #tpu.memory_space<vmem>>, vector<16xi32>,
    tpu.vector_store %arg6[%swap3A_1410], %add3A_1409 {strides = array<i32>} : memref<512xi32, #tpu.memory_space<vmem>>, vector<16xi32>,
    %mul3A_1412 = arith.constant 2 : i32
    %mul3A_1413 = vector.broadcast %mul3A_1412 : i32 to vector<16xi32>
    %mul3A_1414 = arith.muli %iota3A, %mul3A_1413 : vector<16xi32>
    %add3A_1415 = arith.constant 992 : i32
    %add3A_1416 = vector.broadcast %add3A_1415 : i32 to vector<16xi32>
    %add3A_1417 = arith.addi %mul3A_1414, %add3A_1416 : vector<16xi32>
    %gather3A_1418 = tpu.vector_load_idx %arg5[%add3A_1417] : memref<1024xf32, #tpu.memory_space<vmem>>[vector<16xi32>], vector<16xf32>,
    %mul3A_1419 = arith.constant 2.240000e+02 : f32
    %mul3A_1420 = vector.broadcast %mul3A_1419 : f32 to vector<16xf32>
    %mul3A_1421 = arith.mulf %gather3A_1418, %mul3A_1420 : vector<16xf32>
    %add3A_1422 = arith.constant 1 : i32
    %add3A_1423 = vector.broadcast %add3A_1422 : i32 to vector<16xi32>
    %add3A_1424 = arith.addi %add3A_1417, %add3A_1423 : vector<16xi32>
    %gather3A_1425 = tpu.vector_load_idx %arg5[%add3A_1424] : memref<1024xf32, #tpu.memory_space<vmem>>[vector<16xi32>], vector<16xf32>,
    %mul3A_1426 = arith.constant 2.240000e+02 : f32
    %mul3A_1427 = vector.broadcast %mul3A_1426 : f32 to vector<16xf32>
    %mul3A_1428 = arith.mulf %gather3A_1425, %mul3A_1427 : vector<16xf32>
    %convert_element_type3A_1429 = arith.fptosi %mul3A_1421 : vector<16xf32> to vector<16xi32>
    %convert_element_type3A_1430 = arith.sitofp %convert_element_type3A_1429 : vector<16xi32> to vector<16xf32>
    %gt3A_1431 = arith.cmpf ogt, %convert_element_type3A_1430, %mul3A_1421 : vector<16xf32>
    %sub3A_1432 = arith.constant 1 : i32
    %sub3A_1433 = vector.broadcast %sub3A_1432 : i32 to vector<16xi32>
    %sub3A_1434 = arith.subi %convert_element_type3A_1429, %sub3A_1433 : vector<16xi32>
    %select_n3A_1435 = arith.select %gt3A_1431, %sub3A_1434, %convert_element_type3A_1429 : vector<16xi1>, vector<16xi32>
    %convert_element_type3A_1436 = arith.fptosi %mul3A_1428 : vector<16xf32> to vector<16xi32>
    %convert_element_type3A_1437 = arith.sitofp %convert_element_type3A_1436 : vector<16xi32> to vector<16xf32>
    %gt3A_1438 = arith.cmpf ogt, %convert_element_type3A_1437, %mul3A_1428 : vector<16xf32>
    %sub3A_1439 = arith.constant 1 : i32
    %sub3A_1440 = vector.broadcast %sub3A_1439 : i32 to vector<16xi32>
    %sub3A_1441 = arith.subi %convert_element_type3A_1436, %sub3A_1440 : vector<16xi32>
    %select_n3A_1442 = arith.select %gt3A_1438, %sub3A_1441, %convert_element_type3A_1436 : vector<16xi1>, vector<16xi32>
    %mul3A_1443 = arith.constant 224 : i32
    %mul3A_1444 = vector.broadcast %mul3A_1443 : i32 to vector<16xi32>
    %mul3A_1445 = arith.muli %select_n3A_1435, %mul3A_1444 : vector<16xi32>
    %add3A_1446 = arith.addi %mul3A_1445, %select_n3A_1442 : vector<16xi32>
    %max3A_1447 = arith.constant 0 : i32
    %max3A_1448 = vector.broadcast %max3A_1447 : i32 to vector<16xi32>
    %max3A_1449 = arith.maxsi %add3A_1446, %max3A_1448 : vector<16xi32>
    %min3A_1450 = arith.constant 50175 : i32
    %min3A_1451 = vector.broadcast %min3A_1450 : i32 to vector<16xi32>
    %min3A_1452 = arith.minsi %max3A_1449, %min3A_1451 : vector<16xi32>
    %add3A_1453 = vector.broadcast %mul3A_20 : i32 to vector<16xi32>
    %add3A_1454 = arith.addi %min3A_1452, %add3A_1453 : vector<16xi32>
    %swap3A_1455 = arith.constant 496 : index
    %swap3A_1456 = tpu.vector_load %arg6[%swap3A_1455] {strides = array<i32>} : memref<512xi32, #tpu.memory_space<vmem>>, vector<16xi32>,
    tpu.vector_store %arg6[%swap3A_1455], %add3A_1454 {strides = array<i32>} : memref<512xi32, #tpu.memory_space<vmem>>, vector<16xi32>,
    %dma_start3A = arith.constant 0 : i32
    %dma_start3A_1457 = arith.constant 0 : i32
    %dma_start3A_1458 = arith.constant 0 : i32
    %dma_start3A_1459 = tpu.memref_slice %arg7[%dma_start3A, %dma_start3A_1457, %dma_start3A_1458] : memref<2x128x256xf32, #tpu.memory_space<vmem>> -> memref<1x128x256xf32, #tpu.memory_space<vmem>>
    %dma_start3A_1460 = tpu.memref_squeeze %dma_start3A_1459 : memref<1x128x256xf32, #tpu.memory_space<vmem>> -> memref<128x256xf32, #tpu.memory_space<vmem>>
    %dma_start3A_1461 = arith.constant 0 : i32
    %dma_start3A_1462 = tpu.memref_slice %arg6[%dma_start3A_1461] : memref<512xi32, #tpu.memory_space<vmem>> -> memref<128xi32, #tpu.memory_space<vmem>>
    %dma_start3A_1463 = arith.constant 0 : i32
    %dma_start3A_1464 = arith.constant 0 : i32
    %dma_start3A_1465 = tpu.memref_slice %arg3[%dma_start3A_1463, %dma_start3A_1464] : memref<401408x256xf32, #tpu.memory_space<hbm>> -> memref<401408x256xf32, #tpu.memory_space<hbm>>
    tpu.enqueue_indirect_dma source(%dma_start3A_1465 : memref<401408x256xf32, #tpu.memory_space<hbm>>) target(%dma_start3A_1460 : memref<128x256xf32, #tpu.memory_space<vmem>>) offsets(%dma_start3A_1462 : memref<128xi32, #tpu.memory_space<vmem>>) semaphore(%arg8 : memref<!tpu.dma_semaphore, #tpu.memory_space<semaphore_mem>>)
    %dma_start3A_1466 = arith.constant 1 : i32
    %dma_start3A_1467 = arith.constant 0 : i32
    %dma_start3A_1468 = arith.constant 0 : i32
    %dma_start3A_1469 = tpu.memref_slice %arg7[%dma_start3A_1466, %dma_start3A_1467, %dma_start3A_1468] : memref<2x128x256xf32, #tpu.memory_space<vmem>> -> memref<1x128x256xf32, #tpu.memory_space<vmem>>
    %dma_start3A_1470 = tpu.memref_squeeze %dma_start3A_1469 : memref<1x128x256xf32, #tpu.memory_space<vmem>> -> memref<128x256xf32, #tpu.memory_space<vmem>>
    %dma_start3A_1471 = arith.constant 128 : i32
    %dma_start3A_1472 = tpu.memref_slice %arg6[%dma_start3A_1471] : memref<512xi32, #tpu.memory_space<vmem>> -> memref<128xi32, #tpu.memory_space<vmem>>
    %dma_start3A_1473 = arith.constant 0 : i32
    %dma_start3A_1474 = arith.constant 0 : i32
    %dma_start3A_1475 = tpu.memref_slice %arg3[%dma_start3A_1473, %dma_start3A_1474] : memref<401408x256xf32, #tpu.memory_space<hbm>> -> memref<401408x256xf32, #tpu.memory_space<hbm>>
    tpu.enqueue_indirect_dma source(%dma_start3A_1475 : memref<401408x256xf32, #tpu.memory_space<hbm>>) target(%dma_start3A_1470 : memref<128x256xf32, #tpu.memory_space<vmem>>) offsets(%dma_start3A_1472 : memref<128xi32, #tpu.memory_space<vmem>>) semaphore(%arg8 : memref<!tpu.dma_semaphore, #tpu.memory_space<semaphore_mem>>)
    %dma_wait3A = arith.constant 0 : i32
    %dma_wait3A_1476 = arith.constant 0 : i32
    %dma_wait3A_1477 = arith.constant 0 : i32
    %dma_wait3A_1478 = tpu.memref_slice %arg7[%dma_wait3A, %dma_wait3A_1476, %dma_wait3A_1477] : memref<2x128x256xf32, #tpu.memory_space<vmem>> -> memref<1x128x256xf32, #tpu.memory_space<vmem>>
    %dma_wait3A_1479 = tpu.memref_squeeze %dma_wait3A_1478 : memref<1x128x256xf32, #tpu.memory_space<vmem>> -> memref<128x256xf32, #tpu.memory_space<vmem>>
    %dma_wait3A_1480 = arith.constant 0 : i32
    %dma_wait3A_1481 = tpu.memref_slice %arg6[%dma_wait3A_1480] : memref<512xi32, #tpu.memory_space<vmem>> -> memref<128xi32, #tpu.memory_space<vmem>>
    %dma_wait3A_1482 = arith.constant 0 : i32
    %dma_wait3A_1483 = arith.constant 0 : i32
    %dma_wait3A_1484 = tpu.memref_slice %arg3[%dma_wait3A_1482, %dma_wait3A_1483] : memref<401408x256xf32, #tpu.memory_space<hbm>> -> memref<401408x256xf32, #tpu.memory_space<hbm>>
    tpu.wait_indirect_dma semaphore(%arg8 : memref<!tpu.dma_semaphore, #tpu.memory_space<semaphore_mem>>) src(%dma_wait3A_1484 : memref<401408x256xf32, #tpu.memory_space<hbm>>) dst(%dma_wait3A_1479 : memref<128x256xf32, #tpu.memory_space<vmem>>)
    %add3A_1485 = arith.constant 0 : i32
    %add3A_1486 = arith.addi %mul3A_2, %add3A_1485 : i32
    %run_scoped3A = arith.constant 0 : i32
    "tpu.region"() ({
      %run_scoped3A_1546 = tpu.sem_alloc : memref<!tpu.dma_semaphore, #tpu.memory_space<semaphore_mem>>
      %dma_start3A_1547 = arith.constant 0 : i32
      %dma_start3A_1548 = arith.constant 0 : i32
      %dma_start3A_1549 = tpu.memref_slice %arg7[%run_scoped3A, %dma_start3A_1547, %dma_start3A_1548] : memref<2x128x256xf32, #tpu.memory_space<vmem>> -> memref<1x128x256xf32, #tpu.memory_space<vmem>>
      %dma_start3A_1550 = tpu.memref_squeeze %dma_start3A_1549 : memref<1x128x256xf32, #tpu.memory_space<vmem>> -> memref<128x256xf32, #tpu.memory_space<vmem>>
      %dma_start3A_1551 = arith.constant 0 : i32
      %dma_start3A_1552 = tpu.memref_slice %arg4[%add3A_1486, %dma_start3A_1551] : memref<16384x256xf32, #tpu.memory_space<hbm>> -> memref<128x256xf32, #tpu.memory_space<hbm>>
      %dma_start3A_1553 = arith.constant 0 : i32
      %dma_start3A_1554 = tpu.memref_slice %arg4[%add3A_1486, %dma_start3A_1553] : memref<16384x256xf32, #tpu.memory_space<hbm>> -> memref<128x256xf32, #tpu.memory_space<hbm>>
      %dma_start3A_1555 = arith.constant 0 : i32
      %dma_start3A_1556 = arith.constant 0 : i32
      %dma_start3A_1557 = tpu.memref_slice %arg7[%run_scoped3A, %dma_start3A_1555, %dma_start3A_1556] : memref<2x128x256xf32, #tpu.memory_space<vmem>> -> memref<1x128x256xf32, #tpu.memory_space<vmem>>
      %dma_start3A_1558 = tpu.memref_squeeze %dma_start3A_1557 : memref<1x128x256xf32, #tpu.memory_space<vmem>> -> memref<128x256xf32, #tpu.memory_space<vmem>>
      tpu.enqueue_dma source(%dma_start3A_1558 : memref<128x256xf32, #tpu.memory_space<vmem>>) target(%dma_start3A_1554 : memref<128x256xf32, #tpu.memory_space<hbm>>) target_semaphore(%run_scoped3A_1546 : memref<!tpu.dma_semaphore, #tpu.memory_space<semaphore_mem>>)
      %dma_wait3A_1559 = arith.constant 0 : i32
      %dma_wait3A_1560 = arith.constant 0 : i32
      %dma_wait3A_1561 = tpu.memref_slice %arg7[%run_scoped3A, %dma_wait3A_1559, %dma_wait3A_1560] : memref<2x128x256xf32, #tpu.memory_space<vmem>> -> memref<1x128x256xf32, #tpu.memory_space<vmem>>
      %dma_wait3A_1562 = tpu.memref_squeeze %dma_wait3A_1561 : memref<1x128x256xf32, #tpu.memory_space<vmem>> -> memref<128x256xf32, #tpu.memory_space<vmem>>
      %dma_wait3A_1563 = arith.constant 0 : i32
      %dma_wait3A_1564 = tpu.memref_slice %arg4[%add3A_1486, %dma_wait3A_1563] : memref<16384x256xf32, #tpu.memory_space<hbm>> -> memref<128x256xf32, #tpu.memory_space<hbm>>
      %dma_wait3A_1565 = arith.constant 0 : i32
      %dma_wait3A_1566 = tpu.memref_slice %arg4[%add3A_1486, %dma_wait3A_1565] : memref<16384x256xf32, #tpu.memory_space<hbm>> -> memref<128x256xf32, #tpu.memory_space<hbm>>
      %dma_wait3A_1567 = arith.constant 0 : i32
      %dma_wait3A_1568 = arith.constant 0 : i32
      %dma_wait3A_1569 = tpu.memref_slice %arg7[%run_scoped3A, %dma_wait3A_1567, %dma_wait3A_1568] : memref<2x128x256xf32, #tpu.memory_space<vmem>> -> memref<1x128x256xf32, #tpu.memory_space<vmem>>
      %dma_wait3A_1570 = tpu.memref_squeeze %dma_wait3A_1569 : memref<1x128x256xf32, #tpu.memory_space<vmem>> -> memref<128x256xf32, #tpu.memory_space<vmem>>
      tpu.wait_dma2 semaphore(%run_scoped3A_1546 : memref<!tpu.dma_semaphore, #tpu.memory_space<semaphore_mem>>) src(%dma_wait3A_1570 : memref<128x256xf32, #tpu.memory_space<vmem>>) dst(%dma_wait3A_1566 : memref<128x256xf32, #tpu.memory_space<hbm>>)
      tpu.yield
    }) : () -> ()
    %dma_start3A_1487 = arith.constant 0 : i32
    %dma_start3A_1488 = arith.constant 0 : i32
    %dma_start3A_1489 = arith.constant 0 : i32
    %dma_start3A_1490 = tpu.memref_slice %arg7[%dma_start3A_1487, %dma_start3A_1488, %dma_start3A_1489] : memref<2x128x256xf32, #tpu.memory_space<vmem>> -> memref<1x128x256xf32, #tpu.memory_space<vmem>>
    %dma_start3A_1491 = tpu.memref_squeeze %dma_start3A_1490 : memref<1x128x256xf32, #tpu.memory_space<vmem>> -> memref<128x256xf32, #tpu.memory_space<vmem>>
    %dma_start3A_1492 = arith.constant 256 : i32
    %dma_start3A_1493 = tpu.memref_slice %arg6[%dma_start3A_1492] : memref<512xi32, #tpu.memory_space<vmem>> -> memref<128xi32, #tpu.memory_space<vmem>>
    %dma_start3A_1494 = arith.constant 0 : i32
    %dma_start3A_1495 = arith.constant 0 : i32
    %dma_start3A_1496 = tpu.memref_slice %arg3[%dma_start3A_1494, %dma_start3A_1495] : memref<401408x256xf32, #tpu.memory_space<hbm>> -> memref<401408x256xf32, #tpu.memory_space<hbm>>
    tpu.enqueue_indirect_dma source(%dma_start3A_1496 : memref<401408x256xf32, #tpu.memory_space<hbm>>) target(%dma_start3A_1491 : memref<128x256xf32, #tpu.memory_space<vmem>>) offsets(%dma_start3A_1493 : memref<128xi32, #tpu.memory_space<vmem>>) semaphore(%arg8 : memref<!tpu.dma_semaphore, #tpu.memory_space<semaphore_mem>>)
    %dma_wait3A_1497 = arith.constant 1 : i32
    %dma_wait3A_1498 = arith.constant 0 : i32
    %dma_wait3A_1499 = arith.constant 0 : i32
    %dma_wait3A_1500 = tpu.memref_slice %arg7[%dma_wait3A_1497, %dma_wait3A_1498, %dma_wait3A_1499] : memref<2x128x256xf32, #tpu.memory_space<vmem>> -> memref<1x128x256xf32, #tpu.memory_space<vmem>>
    %dma_wait3A_1501 = tpu.memref_squeeze %dma_wait3A_1500 : memref<1x128x256xf32, #tpu.memory_space<vmem>> -> memref<128x256xf32, #tpu.memory_space<vmem>>
    %dma_wait3A_1502 = arith.constant 128 : i32
    %dma_wait3A_1503 = tpu.memref_slice %arg6[%dma_wait3A_1502] : memref<512xi32, #tpu.memory_space<vmem>> -> memref<128xi32, #tpu.memory_space<vmem>>
    %dma_wait3A_1504 = arith.constant 0 : i32
    %dma_wait3A_1505 = arith.constant 0 : i32
    %dma_wait3A_1506 = tpu.memref_slice %arg3[%dma_wait3A_1504, %dma_wait3A_1505] : memref<401408x256xf32, #tpu.memory_space<hbm>> -> memref<401408x256xf32, #tpu.memory_space<hbm>>
    tpu.wait_indirect_dma semaphore(%arg8 : memref<!tpu.dma_semaphore, #tpu.memory_space<semaphore_mem>>) src(%dma_wait3A_1506 : memref<401408x256xf32, #tpu.memory_space<hbm>>) dst(%dma_wait3A_1501 : memref<128x256xf32, #tpu.memory_space<vmem>>)
    %add3A_1507 = arith.constant 128 : i32
    %add3A_1508 = arith.addi %mul3A_2, %add3A_1507 : i32
    %run_scoped3A_1509 = arith.constant 1 : i32
    "tpu.region"() ({
      %run_scoped3A_1546 = tpu.sem_alloc : memref<!tpu.dma_semaphore, #tpu.memory_space<semaphore_mem>>
      %dma_start3A_1547 = arith.constant 0 : i32
      %dma_start3A_1548 = arith.constant 0 : i32
      %dma_start3A_1549 = tpu.memref_slice %arg7[%run_scoped3A_1509, %dma_start3A_1547, %dma_start3A_1548] : memref<2x128x256xf32, #tpu.memory_space<vmem>> -> memref<1x128x256xf32, #tpu.memory_space<vmem>>
      %dma_start3A_1550 = tpu.memref_squeeze %dma_start3A_1549 : memref<1x128x256xf32, #tpu.memory_space<vmem>> -> memref<128x256xf32, #tpu.memory_space<vmem>>
      %dma_start3A_1551 = arith.constant 0 : i32
      %dma_start3A_1552 = tpu.memref_slice %arg4[%add3A_1508, %dma_start3A_1551] : memref<16384x256xf32, #tpu.memory_space<hbm>> -> memref<128x256xf32, #tpu.memory_space<hbm>>
      %dma_start3A_1553 = arith.constant 0 : i32
      %dma_start3A_1554 = tpu.memref_slice %arg4[%add3A_1508, %dma_start3A_1553] : memref<16384x256xf32, #tpu.memory_space<hbm>> -> memref<128x256xf32, #tpu.memory_space<hbm>>
      %dma_start3A_1555 = arith.constant 0 : i32
      %dma_start3A_1556 = arith.constant 0 : i32
      %dma_start3A_1557 = tpu.memref_slice %arg7[%run_scoped3A_1509, %dma_start3A_1555, %dma_start3A_1556] : memref<2x128x256xf32, #tpu.memory_space<vmem>> -> memref<1x128x256xf32, #tpu.memory_space<vmem>>
      %dma_start3A_1558 = tpu.memref_squeeze %dma_start3A_1557 : memref<1x128x256xf32, #tpu.memory_space<vmem>> -> memref<128x256xf32, #tpu.memory_space<vmem>>
      tpu.enqueue_dma source(%dma_start3A_1558 : memref<128x256xf32, #tpu.memory_space<vmem>>) target(%dma_start3A_1554 : memref<128x256xf32, #tpu.memory_space<hbm>>) target_semaphore(%run_scoped3A_1546 : memref<!tpu.dma_semaphore, #tpu.memory_space<semaphore_mem>>)
      %dma_wait3A_1559 = arith.constant 0 : i32
      %dma_wait3A_1560 = arith.constant 0 : i32
      %dma_wait3A_1561 = tpu.memref_slice %arg7[%run_scoped3A_1509, %dma_wait3A_1559, %dma_wait3A_1560] : memref<2x128x256xf32, #tpu.memory_space<vmem>> -> memref<1x128x256xf32, #tpu.memory_space<vmem>>
      %dma_wait3A_1562 = tpu.memref_squeeze %dma_wait3A_1561 : memref<1x128x256xf32, #tpu.memory_space<vmem>> -> memref<128x256xf32, #tpu.memory_space<vmem>>
      %dma_wait3A_1563 = arith.constant 0 : i32
      %dma_wait3A_1564 = tpu.memref_slice %arg4[%add3A_1508, %dma_wait3A_1563] : memref<16384x256xf32, #tpu.memory_space<hbm>> -> memref<128x256xf32, #tpu.memory_space<hbm>>
      %dma_wait3A_1565 = arith.constant 0 : i32
      %dma_wait3A_1566 = tpu.memref_slice %arg4[%add3A_1508, %dma_wait3A_1565] : memref<16384x256xf32, #tpu.memory_space<hbm>> -> memref<128x256xf32, #tpu.memory_space<hbm>>
      %dma_wait3A_1567 = arith.constant 0 : i32
      %dma_wait3A_1568 = arith.constant 0 : i32
      %dma_wait3A_1569 = tpu.memref_slice %arg7[%run_scoped3A_1509, %dma_wait3A_1567, %dma_wait3A_1568] : memref<2x128x256xf32, #tpu.memory_space<vmem>> -> memref<1x128x256xf32, #tpu.memory_space<vmem>>
      %dma_wait3A_1570 = tpu.memref_squeeze %dma_wait3A_1569 : memref<1x128x256xf32, #tpu.memory_space<vmem>> -> memref<128x256xf32, #tpu.memory_space<vmem>>
      tpu.wait_dma2 semaphore(%run_scoped3A_1546 : memref<!tpu.dma_semaphore, #tpu.memory_space<semaphore_mem>>) src(%dma_wait3A_1570 : memref<128x256xf32, #tpu.memory_space<vmem>>) dst(%dma_wait3A_1566 : memref<128x256xf32, #tpu.memory_space<hbm>>)
      tpu.yield
    }) : () -> ()
    %dma_start3A_1510 = arith.constant 1 : i32
    %dma_start3A_1511 = arith.constant 0 : i32
    %dma_start3A_1512 = arith.constant 0 : i32
    %dma_start3A_1513 = tpu.memref_slice %arg7[%dma_start3A_1510, %dma_start3A_1511, %dma_start3A_1512] : memref<2x128x256xf32, #tpu.memory_space<vmem>> -> memref<1x128x256xf32, #tpu.memory_space<vmem>>
    %dma_start3A_1514 = tpu.memref_squeeze %dma_start3A_1513 : memref<1x128x256xf32, #tpu.memory_space<vmem>> -> memref<128x256xf32, #tpu.memory_space<vmem>>
    %dma_start3A_1515 = arith.constant 384 : i32
    %dma_start3A_1516 = tpu.memref_slice %arg6[%dma_start3A_1515] : memref<512xi32, #tpu.memory_space<vmem>> -> memref<128xi32, #tpu.memory_space<vmem>>
    %dma_start3A_1517 = arith.constant 0 : i32
    %dma_start3A_1518 = arith.constant 0 : i32
    %dma_start3A_1519 = tpu.memref_slice %arg3[%dma_start3A_1517, %dma_start3A_1518] : memref<401408x256xf32, #tpu.memory_space<hbm>> -> memref<401408x256xf32, #tpu.memory_space<hbm>>
    tpu.enqueue_indirect_dma source(%dma_start3A_1519 : memref<401408x256xf32, #tpu.memory_space<hbm>>) target(%dma_start3A_1514 : memref<128x256xf32, #tpu.memory_space<vmem>>) offsets(%dma_start3A_1516 : memref<128xi32, #tpu.memory_space<vmem>>) semaphore(%arg8 : memref<!tpu.dma_semaphore, #tpu.memory_space<semaphore_mem>>)
    %dma_wait3A_1520 = arith.constant 0 : i32
    %dma_wait3A_1521 = arith.constant 0 : i32
    %dma_wait3A_1522 = arith.constant 0 : i32
    %dma_wait3A_1523 = tpu.memref_slice %arg7[%dma_wait3A_1520, %dma_wait3A_1521, %dma_wait3A_1522] : memref<2x128x256xf32, #tpu.memory_space<vmem>> -> memref<1x128x256xf32, #tpu.memory_space<vmem>>
    %dma_wait3A_1524 = tpu.memref_squeeze %dma_wait3A_1523 : memref<1x128x256xf32, #tpu.memory_space<vmem>> -> memref<128x256xf32, #tpu.memory_space<vmem>>
    %dma_wait3A_1525 = arith.constant 256 : i32
    %dma_wait3A_1526 = tpu.memref_slice %arg6[%dma_wait3A_1525] : memref<512xi32, #tpu.memory_space<vmem>> -> memref<128xi32, #tpu.memory_space<vmem>>
    %dma_wait3A_1527 = arith.constant 0 : i32
    %dma_wait3A_1528 = arith.constant 0 : i32
    %dma_wait3A_1529 = tpu.memref_slice %arg3[%dma_wait3A_1527, %dma_wait3A_1528] : memref<401408x256xf32, #tpu.memory_space<hbm>> -> memref<401408x256xf32, #tpu.memory_space<hbm>>
    tpu.wait_indirect_dma semaphore(%arg8 : memref<!tpu.dma_semaphore, #tpu.memory_space<semaphore_mem>>) src(%dma_wait3A_1529 : memref<401408x256xf32, #tpu.memory_space<hbm>>) dst(%dma_wait3A_1524 : memref<128x256xf32, #tpu.memory_space<vmem>>)
    %add3A_1530 = arith.constant 256 : i32
    %add3A_1531 = arith.addi %mul3A_2, %add3A_1530 : i32
    %run_scoped3A_1532 = arith.constant 0 : i32
    "tpu.region"() ({
      %run_scoped3A_1546 = tpu.sem_alloc : memref<!tpu.dma_semaphore, #tpu.memory_space<semaphore_mem>>
      %dma_start3A_1547 = arith.constant 0 : i32
      %dma_start3A_1548 = arith.constant 0 : i32
      %dma_start3A_1549 = tpu.memref_slice %arg7[%run_scoped3A_1532, %dma_start3A_1547, %dma_start3A_1548] : memref<2x128x256xf32, #tpu.memory_space<vmem>> -> memref<1x128x256xf32, #tpu.memory_space<vmem>>
      %dma_start3A_1550 = tpu.memref_squeeze %dma_start3A_1549 : memref<1x128x256xf32, #tpu.memory_space<vmem>> -> memref<128x256xf32, #tpu.memory_space<vmem>>
      %dma_start3A_1551 = arith.constant 0 : i32
      %dma_start3A_1552 = tpu.memref_slice %arg4[%add3A_1531, %dma_start3A_1551] : memref<16384x256xf32, #tpu.memory_space<hbm>> -> memref<128x256xf32, #tpu.memory_space<hbm>>
      %dma_start3A_1553 = arith.constant 0 : i32
      %dma_start3A_1554 = tpu.memref_slice %arg4[%add3A_1531, %dma_start3A_1553] : memref<16384x256xf32, #tpu.memory_space<hbm>> -> memref<128x256xf32, #tpu.memory_space<hbm>>
      %dma_start3A_1555 = arith.constant 0 : i32
      %dma_start3A_1556 = arith.constant 0 : i32
      %dma_start3A_1557 = tpu.memref_slice %arg7[%run_scoped3A_1532, %dma_start3A_1555, %dma_start3A_1556] : memref<2x128x256xf32, #tpu.memory_space<vmem>> -> memref<1x128x256xf32, #tpu.memory_space<vmem>>
      %dma_start3A_1558 = tpu.memref_squeeze %dma_start3A_1557 : memref<1x128x256xf32, #tpu.memory_space<vmem>> -> memref<128x256xf32, #tpu.memory_space<vmem>>
      tpu.enqueue_dma source(%dma_start3A_1558 : memref<128x256xf32, #tpu.memory_space<vmem>>) target(%dma_start3A_1554 : memref<128x256xf32, #tpu.memory_space<hbm>>) target_semaphore(%run_scoped3A_1546 : memref<!tpu.dma_semaphore, #tpu.memory_space<semaphore_mem>>)
      %dma_wait3A_1559 = arith.constant 0 : i32
      %dma_wait3A_1560 = arith.constant 0 : i32
      %dma_wait3A_1561 = tpu.memref_slice %arg7[%run_scoped3A_1532, %dma_wait3A_1559, %dma_wait3A_1560] : memref<2x128x256xf32, #tpu.memory_space<vmem>> -> memref<1x128x256xf32, #tpu.memory_space<vmem>>
      %dma_wait3A_1562 = tpu.memref_squeeze %dma_wait3A_1561 : memref<1x128x256xf32, #tpu.memory_space<vmem>> -> memref<128x256xf32, #tpu.memory_space<vmem>>
      %dma_wait3A_1563 = arith.constant 0 : i32
      %dma_wait3A_1564 = tpu.memref_slice %arg4[%add3A_1531, %dma_wait3A_1563] : memref<16384x256xf32, #tpu.memory_space<hbm>> -> memref<128x256xf32, #tpu.memory_space<hbm>>
      %dma_wait3A_1565 = arith.constant 0 : i32
      %dma_wait3A_1566 = tpu.memref_slice %arg4[%add3A_1531, %dma_wait3A_1565] : memref<16384x256xf32, #tpu.memory_space<hbm>> -> memref<128x256xf32, #tpu.memory_space<hbm>>
      %dma_wait3A_1567 = arith.constant 0 : i32
      %dma_wait3A_1568 = arith.constant 0 : i32
      %dma_wait3A_1569 = tpu.memref_slice %arg7[%run_scoped3A_1532, %dma_wait3A_1567, %dma_wait3A_1568] : memref<2x128x256xf32, #tpu.memory_space<vmem>> -> memref<1x128x256xf32, #tpu.memory_space<vmem>>
      %dma_wait3A_1570 = tpu.memref_squeeze %dma_wait3A_1569 : memref<1x128x256xf32, #tpu.memory_space<vmem>> -> memref<128x256xf32, #tpu.memory_space<vmem>>
      tpu.wait_dma2 semaphore(%run_scoped3A_1546 : memref<!tpu.dma_semaphore, #tpu.memory_space<semaphore_mem>>) src(%dma_wait3A_1570 : memref<128x256xf32, #tpu.memory_space<vmem>>) dst(%dma_wait3A_1566 : memref<128x256xf32, #tpu.memory_space<hbm>>)
      tpu.yield
    }) : () -> ()
    %dma_wait3A_1533 = arith.constant 1 : i32
    %dma_wait3A_1534 = arith.constant 0 : i32
    %dma_wait3A_1535 = arith.constant 0 : i32
    %dma_wait3A_1536 = tpu.memref_slice %arg7[%dma_wait3A_1533, %dma_wait3A_1534, %dma_wait3A_1535] : memref<2x128x256xf32, #tpu.memory_space<vmem>> -> memref<1x128x256xf32, #tpu.memory_space<vmem>>
    %dma_wait3A_1537 = tpu.memref_squeeze %dma_wait3A_1536 : memref<1x128x256xf32, #tpu.memory_space<vmem>> -> memref<128x256xf32, #tpu.memory_space<vmem>>
    %dma_wait3A_1538 = arith.constant 384 : i32
    %dma_wait3A_1539 = tpu.memref_slice %arg6[%dma_wait3A_1538] : memref<512xi32, #tpu.memory_space<vmem>> -> memref<128xi32, #tpu.memory_space<vmem>>
    %dma_wait3A_1540 = arith.constant 0 : i32
    %dma_wait3A_1541 = arith.constant 0 : i32
    %dma_wait3A_1542 = tpu.memref_slice %arg3[%dma_wait3A_1540, %dma_wait3A_1541] : memref<401408x256xf32, #tpu.memory_space<hbm>> -> memref<401408x256xf32, #tpu.memory_space<hbm>>
    tpu.wait_indirect_dma semaphore(%arg8 : memref<!tpu.dma_semaphore, #tpu.memory_space<semaphore_mem>>) src(%dma_wait3A_1542 : memref<401408x256xf32, #tpu.memory_space<hbm>>) dst(%dma_wait3A_1537 : memref<128x256xf32, #tpu.memory_space<vmem>>)
    %add3A_1543 = arith.constant 384 : i32
    %add3A_1544 = arith.addi %mul3A_2, %add3A_1543 : i32
    %run_scoped3A_1545 = arith.constant 1 : i32
    "tpu.region"() ({
      %run_scoped3A_1546 = tpu.sem_alloc : memref<!tpu.dma_semaphore, #tpu.memory_space<semaphore_mem>>
      %dma_start3A_1547 = arith.constant 0 : i32
      %dma_start3A_1548 = arith.constant 0 : i32
      %dma_start3A_1549 = tpu.memref_slice %arg7[%run_scoped3A_1545, %dma_start3A_1547, %dma_start3A_1548] : memref<2x128x256xf32, #tpu.memory_space<vmem>> -> memref<1x128x256xf32, #tpu.memory_space<vmem>>
      %dma_start3A_1550 = tpu.memref_squeeze %dma_start3A_1549 : memref<1x128x256xf32, #tpu.memory_space<vmem>> -> memref<128x256xf32, #tpu.memory_space<vmem>>
      %dma_start3A_1551 = arith.constant 0 : i32
      %dma_start3A_1552 = tpu.memref_slice %arg4[%add3A_1544, %dma_start3A_1551] : memref<16384x256xf32, #tpu.memory_space<hbm>> -> memref<128x256xf32, #tpu.memory_space<hbm>>
      %dma_start3A_1553 = arith.constant 0 : i32
      %dma_start3A_1554 = tpu.memref_slice %arg4[%add3A_1544, %dma_start3A_1553] : memref<16384x256xf32, #tpu.memory_space<hbm>> -> memref<128x256xf32, #tpu.memory_space<hbm>>
      %dma_start3A_1555 = arith.constant 0 : i32
      %dma_start3A_1556 = arith.constant 0 : i32
      %dma_start3A_1557 = tpu.memref_slice %arg7[%run_scoped3A_1545, %dma_start3A_1555, %dma_start3A_1556] : memref<2x128x256xf32, #tpu.memory_space<vmem>> -> memref<1x128x256xf32, #tpu.memory_space<vmem>>
      %dma_start3A_1558 = tpu.memref_squeeze %dma_start3A_1557 : memref<1x128x256xf32, #tpu.memory_space<vmem>> -> memref<128x256xf32, #tpu.memory_space<vmem>>
      tpu.enqueue_dma source(%dma_start3A_1558 : memref<128x256xf32, #tpu.memory_space<vmem>>) target(%dma_start3A_1554 : memref<128x256xf32, #tpu.memory_space<hbm>>) target_semaphore(%run_scoped3A_1546 : memref<!tpu.dma_semaphore, #tpu.memory_space<semaphore_mem>>)
      %dma_wait3A_1559 = arith.constant 0 : i32
      %dma_wait3A_1560 = arith.constant 0 : i32
      %dma_wait3A_1561 = tpu.memref_slice %arg7[%run_scoped3A_1545, %dma_wait3A_1559, %dma_wait3A_1560] : memref<2x128x256xf32, #tpu.memory_space<vmem>> -> memref<1x128x256xf32, #tpu.memory_space<vmem>>
      %dma_wait3A_1562 = tpu.memref_squeeze %dma_wait3A_1561 : memref<1x128x256xf32, #tpu.memory_space<vmem>> -> memref<128x256xf32, #tpu.memory_space<vmem>>
      %dma_wait3A_1563 = arith.constant 0 : i32
      %dma_wait3A_1564 = tpu.memref_slice %arg4[%add3A_1544, %dma_wait3A_1563] : memref<16384x256xf32, #tpu.memory_space<hbm>> -> memref<128x256xf32, #tpu.memory_space<hbm>>
      %dma_wait3A_1565 = arith.constant 0 : i32
      %dma_wait3A_1566 = tpu.memref_slice %arg4[%add3A_1544, %dma_wait3A_1565] : memref<16384x256xf32, #tpu.memory_space<hbm>> -> memref<128x256xf32, #tpu.memory_space<hbm>>
      %dma_wait3A_1567 = arith.constant 0 : i32
      %dma_wait3A_1568 = arith.constant 0 : i32
      %dma_wait3A_1569 = tpu.memref_slice %arg7[%run_scoped3A_1545, %dma_wait3A_1567, %dma_wait3A_1568] : memref<2x128x256xf32, #tpu.memory_space<vmem>> -> memref<1x128x256xf32, #tpu.memory_space<vmem>>
      %dma_wait3A_1570 = tpu.memref_squeeze %dma_wait3A_1569 : memref<1x128x256xf32, #tpu.memory_space<vmem>> -> memref<128x256xf32, #tpu.memory_space<vmem>>
      tpu.wait_dma2 semaphore(%run_scoped3A_1546 : memref<!tpu.dma_semaphore, #tpu.memory_space<semaphore_mem>>) src(%dma_wait3A_1570 : memref<128x256xf32, #tpu.memory_space<vmem>>) dst(%dma_wait3A_1566 : memref<128x256xf32, #tpu.memory_space<hbm>>)
      tpu.yield
    }) : () -> ()
    return
  }
}

module attributes {stable_mosaic.version = 14 : i64} {
  func.func @_transpose_kernel(%arg0: i32, %arg1: i32, %arg2: memref<1x192x32x224xf32, #tpu.memory_space<vmem>>, %arg3: memref<1x32x224x256xf32, #tpu.memory_space<vmem>>) attributes {dimension_semantics = [#tpu.dimension_semantics<arbitrary>, #tpu.dimension_semantics<arbitrary>], iteration_bounds = array<i64: 8, 7>, scalar_prefetch = 0 : i64, scratch_operands = 0 : i64, tpu.core_type = #tpu.core_type<tc>, window_params = [{transform_indices = @transform_0, window_bounds = array<i64: 1, 192, 32, 224>}, {transform_indices = @transform_1, window_bounds = array<i64: 1, 32, 224, 256>}]} {
    %get3A = arith.constant 0 : index
    %get3A_0 = arith.constant 0 : index
    %get3A_1 = arith.constant 0 : index
    %get3A_2 = arith.constant 0 : index
    %get3A_3 = vector.load %arg2[%get3A, %get3A_0, %get3A_1, %get3A_2] : memref<1x192x32x224xf32, #tpu.memory_space<vmem>>, vector<1x192x32x224xf32>
    %get3A_4 = vector.shape_cast %get3A_3 : vector<1x192x32x224xf32> to vector<192x32x224xf32>
    %slice3A = vector.extract_strided_slice %get3A_4 {offsets = [0, 0, 0], sizes = [192, 1, 224], strides = [1, 1, 1]} : vector<192x32x224xf32> to vector<192x1x224xf32>
    %squeeze3A = vector.shape_cast %slice3A : vector<192x1x224xf32> to vector<192x224xf32>
    %transpose3A = tpu.transpose %squeeze3A, [1, 0] : vector<192x224xf32> -> vector<224x192xf32>
    %swap3A = arith.constant 0 : index
    %swap3A_5 = arith.constant 0 : index
    %swap3A_6 = arith.constant 0 : index
    %swap3A_7 = arith.constant 0 : index
    %swap3A_8 = vector.load %arg3[%swap3A, %swap3A_5, %swap3A_6, %swap3A_7] : memref<1x32x224x256xf32, #tpu.memory_space<vmem>>, vector<1x1x224x192xf32>
    %swap3A_9 = vector.shape_cast %swap3A_8 : vector<1x1x224x192xf32> to vector<224x192xf32>
    %swap3A_10 = vector.shape_cast %transpose3A : vector<224x192xf32> to vector<1x1x224x192xf32>
    tpu.vector_store %arg3[%swap3A, %swap3A_5, %swap3A_6, %swap3A_7], %swap3A_10 {strides = array<i32>} : memref<1x32x224x256xf32, #tpu.memory_space<vmem>>, vector<1x1x224x192xf32>,
    %slice3A_11 = vector.extract_strided_slice %get3A_4 {offsets = [0, 1, 0], sizes = [192, 1, 224], strides = [1, 1, 1]} : vector<192x32x224xf32> to vector<192x1x224xf32>
    %squeeze3A_12 = vector.shape_cast %slice3A_11 : vector<192x1x224xf32> to vector<192x224xf32>
    %transpose3A_13 = tpu.transpose %squeeze3A_12, [1, 0] : vector<192x224xf32> -> vector<224x192xf32>
    %swap3A_14 = arith.constant 0 : index
    %swap3A_15 = arith.constant 1 : index
    %swap3A_16 = arith.constant 0 : index
    %swap3A_17 = arith.constant 0 : index
    %swap3A_18 = vector.load %arg3[%swap3A_14, %swap3A_15, %swap3A_16, %swap3A_17] : memref<1x32x224x256xf32, #tpu.memory_space<vmem>>, vector<1x1x224x192xf32>
    %swap3A_19 = vector.shape_cast %swap3A_18 : vector<1x1x224x192xf32> to vector<224x192xf32>
    %swap3A_20 = vector.shape_cast %transpose3A_13 : vector<224x192xf32> to vector<1x1x224x192xf32>
    tpu.vector_store %arg3[%swap3A_14, %swap3A_15, %swap3A_16, %swap3A_17], %swap3A_20 {strides = array<i32>} : memref<1x32x224x256xf32, #tpu.memory_space<vmem>>, vector<1x1x224x192xf32>,
    %slice3A_21 = vector.extract_strided_slice %get3A_4 {offsets = [0, 2, 0], sizes = [192, 1, 224], strides = [1, 1, 1]} : vector<192x32x224xf32> to vector<192x1x224xf32>
    %squeeze3A_22 = vector.shape_cast %slice3A_21 : vector<192x1x224xf32> to vector<192x224xf32>
    %transpose3A_23 = tpu.transpose %squeeze3A_22, [1, 0] : vector<192x224xf32> -> vector<224x192xf32>
    %swap3A_24 = arith.constant 0 : index
    %swap3A_25 = arith.constant 2 : index
    %swap3A_26 = arith.constant 0 : index
    %swap3A_27 = arith.constant 0 : index
    %swap3A_28 = vector.load %arg3[%swap3A_24, %swap3A_25, %swap3A_26, %swap3A_27] : memref<1x32x224x256xf32, #tpu.memory_space<vmem>>, vector<1x1x224x192xf32>
    %swap3A_29 = vector.shape_cast %swap3A_28 : vector<1x1x224x192xf32> to vector<224x192xf32>
    %swap3A_30 = vector.shape_cast %transpose3A_23 : vector<224x192xf32> to vector<1x1x224x192xf32>
    tpu.vector_store %arg3[%swap3A_24, %swap3A_25, %swap3A_26, %swap3A_27], %swap3A_30 {strides = array<i32>} : memref<1x32x224x256xf32, #tpu.memory_space<vmem>>, vector<1x1x224x192xf32>,
    %slice3A_31 = vector.extract_strided_slice %get3A_4 {offsets = [0, 3, 0], sizes = [192, 1, 224], strides = [1, 1, 1]} : vector<192x32x224xf32> to vector<192x1x224xf32>
    %squeeze3A_32 = vector.shape_cast %slice3A_31 : vector<192x1x224xf32> to vector<192x224xf32>
    %transpose3A_33 = tpu.transpose %squeeze3A_32, [1, 0] : vector<192x224xf32> -> vector<224x192xf32>
    %swap3A_34 = arith.constant 0 : index
    %swap3A_35 = arith.constant 3 : index
    %swap3A_36 = arith.constant 0 : index
    %swap3A_37 = arith.constant 0 : index
    %swap3A_38 = vector.load %arg3[%swap3A_34, %swap3A_35, %swap3A_36, %swap3A_37] : memref<1x32x224x256xf32, #tpu.memory_space<vmem>>, vector<1x1x224x192xf32>
    %swap3A_39 = vector.shape_cast %swap3A_38 : vector<1x1x224x192xf32> to vector<224x192xf32>
    %swap3A_40 = vector.shape_cast %transpose3A_33 : vector<224x192xf32> to vector<1x1x224x192xf32>
    tpu.vector_store %arg3[%swap3A_34, %swap3A_35, %swap3A_36, %swap3A_37], %swap3A_40 {strides = array<i32>} : memref<1x32x224x256xf32, #tpu.memory_space<vmem>>, vector<1x1x224x192xf32>,
    %slice3A_41 = vector.extract_strided_slice %get3A_4 {offsets = [0, 4, 0], sizes = [192, 1, 224], strides = [1, 1, 1]} : vector<192x32x224xf32> to vector<192x1x224xf32>
    %squeeze3A_42 = vector.shape_cast %slice3A_41 : vector<192x1x224xf32> to vector<192x224xf32>
    %transpose3A_43 = tpu.transpose %squeeze3A_42, [1, 0] : vector<192x224xf32> -> vector<224x192xf32>
    %swap3A_44 = arith.constant 0 : index
    %swap3A_45 = arith.constant 4 : index
    %swap3A_46 = arith.constant 0 : index
    %swap3A_47 = arith.constant 0 : index
    %swap3A_48 = vector.load %arg3[%swap3A_44, %swap3A_45, %swap3A_46, %swap3A_47] : memref<1x32x224x256xf32, #tpu.memory_space<vmem>>, vector<1x1x224x192xf32>
    %swap3A_49 = vector.shape_cast %swap3A_48 : vector<1x1x224x192xf32> to vector<224x192xf32>
    %swap3A_50 = vector.shape_cast %transpose3A_43 : vector<224x192xf32> to vector<1x1x224x192xf32>
    tpu.vector_store %arg3[%swap3A_44, %swap3A_45, %swap3A_46, %swap3A_47], %swap3A_50 {strides = array<i32>} : memref<1x32x224x256xf32, #tpu.memory_space<vmem>>, vector<1x1x224x192xf32>,
    %slice3A_51 = vector.extract_strided_slice %get3A_4 {offsets = [0, 5, 0], sizes = [192, 1, 224], strides = [1, 1, 1]} : vector<192x32x224xf32> to vector<192x1x224xf32>
    %squeeze3A_52 = vector.shape_cast %slice3A_51 : vector<192x1x224xf32> to vector<192x224xf32>
    %transpose3A_53 = tpu.transpose %squeeze3A_52, [1, 0] : vector<192x224xf32> -> vector<224x192xf32>
    %swap3A_54 = arith.constant 0 : index
    %swap3A_55 = arith.constant 5 : index
    %swap3A_56 = arith.constant 0 : index
    %swap3A_57 = arith.constant 0 : index
    %swap3A_58 = vector.load %arg3[%swap3A_54, %swap3A_55, %swap3A_56, %swap3A_57] : memref<1x32x224x256xf32, #tpu.memory_space<vmem>>, vector<1x1x224x192xf32>
    %swap3A_59 = vector.shape_cast %swap3A_58 : vector<1x1x224x192xf32> to vector<224x192xf32>
    %swap3A_60 = vector.shape_cast %transpose3A_53 : vector<224x192xf32> to vector<1x1x224x192xf32>
    tpu.vector_store %arg3[%swap3A_54, %swap3A_55, %swap3A_56, %swap3A_57], %swap3A_60 {strides = array<i32>} : memref<1x32x224x256xf32, #tpu.memory_space<vmem>>, vector<1x1x224x192xf32>,
    %slice3A_61 = vector.extract_strided_slice %get3A_4 {offsets = [0, 6, 0], sizes = [192, 1, 224], strides = [1, 1, 1]} : vector<192x32x224xf32> to vector<192x1x224xf32>
    %squeeze3A_62 = vector.shape_cast %slice3A_61 : vector<192x1x224xf32> to vector<192x224xf32>
    %transpose3A_63 = tpu.transpose %squeeze3A_62, [1, 0] : vector<192x224xf32> -> vector<224x192xf32>
    %swap3A_64 = arith.constant 0 : index
    %swap3A_65 = arith.constant 6 : index
    %swap3A_66 = arith.constant 0 : index
    %swap3A_67 = arith.constant 0 : index
    %swap3A_68 = vector.load %arg3[%swap3A_64, %swap3A_65, %swap3A_66, %swap3A_67] : memref<1x32x224x256xf32, #tpu.memory_space<vmem>>, vector<1x1x224x192xf32>
    %swap3A_69 = vector.shape_cast %swap3A_68 : vector<1x1x224x192xf32> to vector<224x192xf32>
    %swap3A_70 = vector.shape_cast %transpose3A_63 : vector<224x192xf32> to vector<1x1x224x192xf32>
    tpu.vector_store %arg3[%swap3A_64, %swap3A_65, %swap3A_66, %swap3A_67], %swap3A_70 {strides = array<i32>} : memref<1x32x224x256xf32, #tpu.memory_space<vmem>>, vector<1x1x224x192xf32>,
    %slice3A_71 = vector.extract_strided_slice %get3A_4 {offsets = [0, 7, 0], sizes = [192, 1, 224], strides = [1, 1, 1]} : vector<192x32x224xf32> to vector<192x1x224xf32>
    %squeeze3A_72 = vector.shape_cast %slice3A_71 : vector<192x1x224xf32> to vector<192x224xf32>
    %transpose3A_73 = tpu.transpose %squeeze3A_72, [1, 0] : vector<192x224xf32> -> vector<224x192xf32>
    %swap3A_74 = arith.constant 0 : index
    %swap3A_75 = arith.constant 7 : index
    %swap3A_76 = arith.constant 0 : index
    %swap3A_77 = arith.constant 0 : index
    %swap3A_78 = vector.load %arg3[%swap3A_74, %swap3A_75, %swap3A_76, %swap3A_77] : memref<1x32x224x256xf32, #tpu.memory_space<vmem>>, vector<1x1x224x192xf32>
    %swap3A_79 = vector.shape_cast %swap3A_78 : vector<1x1x224x192xf32> to vector<224x192xf32>
    %swap3A_80 = vector.shape_cast %transpose3A_73 : vector<224x192xf32> to vector<1x1x224x192xf32>
    tpu.vector_store %arg3[%swap3A_74, %swap3A_75, %swap3A_76, %swap3A_77], %swap3A_80 {strides = array<i32>} : memref<1x32x224x256xf32, #tpu.memory_space<vmem>>, vector<1x1x224x192xf32>,
    %slice3A_81 = vector.extract_strided_slice %get3A_4 {offsets = [0, 8, 0], sizes = [192, 1, 224], strides = [1, 1, 1]} : vector<192x32x224xf32> to vector<192x1x224xf32>
    %squeeze3A_82 = vector.shape_cast %slice3A_81 : vector<192x1x224xf32> to vector<192x224xf32>
    %transpose3A_83 = tpu.transpose %squeeze3A_82, [1, 0] : vector<192x224xf32> -> vector<224x192xf32>
    %swap3A_84 = arith.constant 0 : index
    %swap3A_85 = arith.constant 8 : index
    %swap3A_86 = arith.constant 0 : index
    %swap3A_87 = arith.constant 0 : index
    %swap3A_88 = vector.load %arg3[%swap3A_84, %swap3A_85, %swap3A_86, %swap3A_87] : memref<1x32x224x256xf32, #tpu.memory_space<vmem>>, vector<1x1x224x192xf32>
    %swap3A_89 = vector.shape_cast %swap3A_88 : vector<1x1x224x192xf32> to vector<224x192xf32>
    %swap3A_90 = vector.shape_cast %transpose3A_83 : vector<224x192xf32> to vector<1x1x224x192xf32>
    tpu.vector_store %arg3[%swap3A_84, %swap3A_85, %swap3A_86, %swap3A_87], %swap3A_90 {strides = array<i32>} : memref<1x32x224x256xf32, #tpu.memory_space<vmem>>, vector<1x1x224x192xf32>,
    %slice3A_91 = vector.extract_strided_slice %get3A_4 {offsets = [0, 9, 0], sizes = [192, 1, 224], strides = [1, 1, 1]} : vector<192x32x224xf32> to vector<192x1x224xf32>
    %squeeze3A_92 = vector.shape_cast %slice3A_91 : vector<192x1x224xf32> to vector<192x224xf32>
    %transpose3A_93 = tpu.transpose %squeeze3A_92, [1, 0] : vector<192x224xf32> -> vector<224x192xf32>
    %swap3A_94 = arith.constant 0 : index
    %swap3A_95 = arith.constant 9 : index
    %swap3A_96 = arith.constant 0 : index
    %swap3A_97 = arith.constant 0 : index
    %swap3A_98 = vector.load %arg3[%swap3A_94, %swap3A_95, %swap3A_96, %swap3A_97] : memref<1x32x224x256xf32, #tpu.memory_space<vmem>>, vector<1x1x224x192xf32>
    %swap3A_99 = vector.shape_cast %swap3A_98 : vector<1x1x224x192xf32> to vector<224x192xf32>
    %swap3A_100 = vector.shape_cast %transpose3A_93 : vector<224x192xf32> to vector<1x1x224x192xf32>
    tpu.vector_store %arg3[%swap3A_94, %swap3A_95, %swap3A_96, %swap3A_97], %swap3A_100 {strides = array<i32>} : memref<1x32x224x256xf32, #tpu.memory_space<vmem>>, vector<1x1x224x192xf32>,
    %slice3A_101 = vector.extract_strided_slice %get3A_4 {offsets = [0, 10, 0], sizes = [192, 1, 224], strides = [1, 1, 1]} : vector<192x32x224xf32> to vector<192x1x224xf32>
    %squeeze3A_102 = vector.shape_cast %slice3A_101 : vector<192x1x224xf32> to vector<192x224xf32>
    %transpose3A_103 = tpu.transpose %squeeze3A_102, [1, 0] : vector<192x224xf32> -> vector<224x192xf32>
    %swap3A_104 = arith.constant 0 : index
    %swap3A_105 = arith.constant 10 : index
    %swap3A_106 = arith.constant 0 : index
    %swap3A_107 = arith.constant 0 : index
    %swap3A_108 = vector.load %arg3[%swap3A_104, %swap3A_105, %swap3A_106, %swap3A_107] : memref<1x32x224x256xf32, #tpu.memory_space<vmem>>, vector<1x1x224x192xf32>
    %swap3A_109 = vector.shape_cast %swap3A_108 : vector<1x1x224x192xf32> to vector<224x192xf32>
    %swap3A_110 = vector.shape_cast %transpose3A_103 : vector<224x192xf32> to vector<1x1x224x192xf32>
    tpu.vector_store %arg3[%swap3A_104, %swap3A_105, %swap3A_106, %swap3A_107], %swap3A_110 {strides = array<i32>} : memref<1x32x224x256xf32, #tpu.memory_space<vmem>>, vector<1x1x224x192xf32>,
    %slice3A_111 = vector.extract_strided_slice %get3A_4 {offsets = [0, 11, 0], sizes = [192, 1, 224], strides = [1, 1, 1]} : vector<192x32x224xf32> to vector<192x1x224xf32>
    %squeeze3A_112 = vector.shape_cast %slice3A_111 : vector<192x1x224xf32> to vector<192x224xf32>
    %transpose3A_113 = tpu.transpose %squeeze3A_112, [1, 0] : vector<192x224xf32> -> vector<224x192xf32>
    %swap3A_114 = arith.constant 0 : index
    %swap3A_115 = arith.constant 11 : index
    %swap3A_116 = arith.constant 0 : index
    %swap3A_117 = arith.constant 0 : index
    %swap3A_118 = vector.load %arg3[%swap3A_114, %swap3A_115, %swap3A_116, %swap3A_117] : memref<1x32x224x256xf32, #tpu.memory_space<vmem>>, vector<1x1x224x192xf32>
    %swap3A_119 = vector.shape_cast %swap3A_118 : vector<1x1x224x192xf32> to vector<224x192xf32>
    %swap3A_120 = vector.shape_cast %transpose3A_113 : vector<224x192xf32> to vector<1x1x224x192xf32>
    tpu.vector_store %arg3[%swap3A_114, %swap3A_115, %swap3A_116, %swap3A_117], %swap3A_120 {strides = array<i32>} : memref<1x32x224x256xf32, #tpu.memory_space<vmem>>, vector<1x1x224x192xf32>,
    %slice3A_121 = vector.extract_strided_slice %get3A_4 {offsets = [0, 12, 0], sizes = [192, 1, 224], strides = [1, 1, 1]} : vector<192x32x224xf32> to vector<192x1x224xf32>
    %squeeze3A_122 = vector.shape_cast %slice3A_121 : vector<192x1x224xf32> to vector<192x224xf32>
    %transpose3A_123 = tpu.transpose %squeeze3A_122, [1, 0] : vector<192x224xf32> -> vector<224x192xf32>
    %swap3A_124 = arith.constant 0 : index
    %swap3A_125 = arith.constant 12 : index
    %swap3A_126 = arith.constant 0 : index
    %swap3A_127 = arith.constant 0 : index
    %swap3A_128 = vector.load %arg3[%swap3A_124, %swap3A_125, %swap3A_126, %swap3A_127] : memref<1x32x224x256xf32, #tpu.memory_space<vmem>>, vector<1x1x224x192xf32>
    %swap3A_129 = vector.shape_cast %swap3A_128 : vector<1x1x224x192xf32> to vector<224x192xf32>
    %swap3A_130 = vector.shape_cast %transpose3A_123 : vector<224x192xf32> to vector<1x1x224x192xf32>
    tpu.vector_store %arg3[%swap3A_124, %swap3A_125, %swap3A_126, %swap3A_127], %swap3A_130 {strides = array<i32>} : memref<1x32x224x256xf32, #tpu.memory_space<vmem>>, vector<1x1x224x192xf32>,
    %slice3A_131 = vector.extract_strided_slice %get3A_4 {offsets = [0, 13, 0], sizes = [192, 1, 224], strides = [1, 1, 1]} : vector<192x32x224xf32> to vector<192x1x224xf32>
    %squeeze3A_132 = vector.shape_cast %slice3A_131 : vector<192x1x224xf32> to vector<192x224xf32>
    %transpose3A_133 = tpu.transpose %squeeze3A_132, [1, 0] : vector<192x224xf32> -> vector<224x192xf32>
    %swap3A_134 = arith.constant 0 : index
    %swap3A_135 = arith.constant 13 : index
    %swap3A_136 = arith.constant 0 : index
    %swap3A_137 = arith.constant 0 : index
    %swap3A_138 = vector.load %arg3[%swap3A_134, %swap3A_135, %swap3A_136, %swap3A_137] : memref<1x32x224x256xf32, #tpu.memory_space<vmem>>, vector<1x1x224x192xf32>
    %swap3A_139 = vector.shape_cast %swap3A_138 : vector<1x1x224x192xf32> to vector<224x192xf32>
    %swap3A_140 = vector.shape_cast %transpose3A_133 : vector<224x192xf32> to vector<1x1x224x192xf32>
    tpu.vector_store %arg3[%swap3A_134, %swap3A_135, %swap3A_136, %swap3A_137], %swap3A_140 {strides = array<i32>} : memref<1x32x224x256xf32, #tpu.memory_space<vmem>>, vector<1x1x224x192xf32>,
    %slice3A_141 = vector.extract_strided_slice %get3A_4 {offsets = [0, 14, 0], sizes = [192, 1, 224], strides = [1, 1, 1]} : vector<192x32x224xf32> to vector<192x1x224xf32>
    %squeeze3A_142 = vector.shape_cast %slice3A_141 : vector<192x1x224xf32> to vector<192x224xf32>
    %transpose3A_143 = tpu.transpose %squeeze3A_142, [1, 0] : vector<192x224xf32> -> vector<224x192xf32>
    %swap3A_144 = arith.constant 0 : index
    %swap3A_145 = arith.constant 14 : index
    %swap3A_146 = arith.constant 0 : index
    %swap3A_147 = arith.constant 0 : index
    %swap3A_148 = vector.load %arg3[%swap3A_144, %swap3A_145, %swap3A_146, %swap3A_147] : memref<1x32x224x256xf32, #tpu.memory_space<vmem>>, vector<1x1x224x192xf32>
    %swap3A_149 = vector.shape_cast %swap3A_148 : vector<1x1x224x192xf32> to vector<224x192xf32>
    %swap3A_150 = vector.shape_cast %transpose3A_143 : vector<224x192xf32> to vector<1x1x224x192xf32>
    tpu.vector_store %arg3[%swap3A_144, %swap3A_145, %swap3A_146, %swap3A_147], %swap3A_150 {strides = array<i32>} : memref<1x32x224x256xf32, #tpu.memory_space<vmem>>, vector<1x1x224x192xf32>,
    %slice3A_151 = vector.extract_strided_slice %get3A_4 {offsets = [0, 15, 0], sizes = [192, 1, 224], strides = [1, 1, 1]} : vector<192x32x224xf32> to vector<192x1x224xf32>
    %squeeze3A_152 = vector.shape_cast %slice3A_151 : vector<192x1x224xf32> to vector<192x224xf32>
    %transpose3A_153 = tpu.transpose %squeeze3A_152, [1, 0] : vector<192x224xf32> -> vector<224x192xf32>
    %swap3A_154 = arith.constant 0 : index
    %swap3A_155 = arith.constant 15 : index
    %swap3A_156 = arith.constant 0 : index
    %swap3A_157 = arith.constant 0 : index
    %swap3A_158 = vector.load %arg3[%swap3A_154, %swap3A_155, %swap3A_156, %swap3A_157] : memref<1x32x224x256xf32, #tpu.memory_space<vmem>>, vector<1x1x224x192xf32>
    %swap3A_159 = vector.shape_cast %swap3A_158 : vector<1x1x224x192xf32> to vector<224x192xf32>
    %swap3A_160 = vector.shape_cast %transpose3A_153 : vector<224x192xf32> to vector<1x1x224x192xf32>
    tpu.vector_store %arg3[%swap3A_154, %swap3A_155, %swap3A_156, %swap3A_157], %swap3A_160 {strides = array<i32>} : memref<1x32x224x256xf32, #tpu.memory_space<vmem>>, vector<1x1x224x192xf32>,
    %slice3A_161 = vector.extract_strided_slice %get3A_4 {offsets = [0, 16, 0], sizes = [192, 1, 224], strides = [1, 1, 1]} : vector<192x32x224xf32> to vector<192x1x224xf32>
    %squeeze3A_162 = vector.shape_cast %slice3A_161 : vector<192x1x224xf32> to vector<192x224xf32>
    %transpose3A_163 = tpu.transpose %squeeze3A_162, [1, 0] : vector<192x224xf32> -> vector<224x192xf32>
    %swap3A_164 = arith.constant 0 : index
    %swap3A_165 = arith.constant 16 : index
    %swap3A_166 = arith.constant 0 : index
    %swap3A_167 = arith.constant 0 : index
    %swap3A_168 = vector.load %arg3[%swap3A_164, %swap3A_165, %swap3A_166, %swap3A_167] : memref<1x32x224x256xf32, #tpu.memory_space<vmem>>, vector<1x1x224x192xf32>
    %swap3A_169 = vector.shape_cast %swap3A_168 : vector<1x1x224x192xf32> to vector<224x192xf32>
    %swap3A_170 = vector.shape_cast %transpose3A_163 : vector<224x192xf32> to vector<1x1x224x192xf32>
    tpu.vector_store %arg3[%swap3A_164, %swap3A_165, %swap3A_166, %swap3A_167], %swap3A_170 {strides = array<i32>} : memref<1x32x224x256xf32, #tpu.memory_space<vmem>>, vector<1x1x224x192xf32>,
    %slice3A_171 = vector.extract_strided_slice %get3A_4 {offsets = [0, 17, 0], sizes = [192, 1, 224], strides = [1, 1, 1]} : vector<192x32x224xf32> to vector<192x1x224xf32>
    %squeeze3A_172 = vector.shape_cast %slice3A_171 : vector<192x1x224xf32> to vector<192x224xf32>
    %transpose3A_173 = tpu.transpose %squeeze3A_172, [1, 0] : vector<192x224xf32> -> vector<224x192xf32>
    %swap3A_174 = arith.constant 0 : index
    %swap3A_175 = arith.constant 17 : index
    %swap3A_176 = arith.constant 0 : index
    %swap3A_177 = arith.constant 0 : index
    %swap3A_178 = vector.load %arg3[%swap3A_174, %swap3A_175, %swap3A_176, %swap3A_177] : memref<1x32x224x256xf32, #tpu.memory_space<vmem>>, vector<1x1x224x192xf32>
    %swap3A_179 = vector.shape_cast %swap3A_178 : vector<1x1x224x192xf32> to vector<224x192xf32>
    %swap3A_180 = vector.shape_cast %transpose3A_173 : vector<224x192xf32> to vector<1x1x224x192xf32>
    tpu.vector_store %arg3[%swap3A_174, %swap3A_175, %swap3A_176, %swap3A_177], %swap3A_180 {strides = array<i32>} : memref<1x32x224x256xf32, #tpu.memory_space<vmem>>, vector<1x1x224x192xf32>,
    %slice3A_181 = vector.extract_strided_slice %get3A_4 {offsets = [0, 18, 0], sizes = [192, 1, 224], strides = [1, 1, 1]} : vector<192x32x224xf32> to vector<192x1x224xf32>
    %squeeze3A_182 = vector.shape_cast %slice3A_181 : vector<192x1x224xf32> to vector<192x224xf32>
    %transpose3A_183 = tpu.transpose %squeeze3A_182, [1, 0] : vector<192x224xf32> -> vector<224x192xf32>
    %swap3A_184 = arith.constant 0 : index
    %swap3A_185 = arith.constant 18 : index
    %swap3A_186 = arith.constant 0 : index
    %swap3A_187 = arith.constant 0 : index
    %swap3A_188 = vector.load %arg3[%swap3A_184, %swap3A_185, %swap3A_186, %swap3A_187] : memref<1x32x224x256xf32, #tpu.memory_space<vmem>>, vector<1x1x224x192xf32>
    %swap3A_189 = vector.shape_cast %swap3A_188 : vector<1x1x224x192xf32> to vector<224x192xf32>
    %swap3A_190 = vector.shape_cast %transpose3A_183 : vector<224x192xf32> to vector<1x1x224x192xf32>
    tpu.vector_store %arg3[%swap3A_184, %swap3A_185, %swap3A_186, %swap3A_187], %swap3A_190 {strides = array<i32>} : memref<1x32x224x256xf32, #tpu.memory_space<vmem>>, vector<1x1x224x192xf32>,
    %slice3A_191 = vector.extract_strided_slice %get3A_4 {offsets = [0, 19, 0], sizes = [192, 1, 224], strides = [1, 1, 1]} : vector<192x32x224xf32> to vector<192x1x224xf32>
    %squeeze3A_192 = vector.shape_cast %slice3A_191 : vector<192x1x224xf32> to vector<192x224xf32>
    %transpose3A_193 = tpu.transpose %squeeze3A_192, [1, 0] : vector<192x224xf32> -> vector<224x192xf32>
    %swap3A_194 = arith.constant 0 : index
    %swap3A_195 = arith.constant 19 : index
    %swap3A_196 = arith.constant 0 : index
    %swap3A_197 = arith.constant 0 : index
    %swap3A_198 = vector.load %arg3[%swap3A_194, %swap3A_195, %swap3A_196, %swap3A_197] : memref<1x32x224x256xf32, #tpu.memory_space<vmem>>, vector<1x1x224x192xf32>
    %swap3A_199 = vector.shape_cast %swap3A_198 : vector<1x1x224x192xf32> to vector<224x192xf32>
    %swap3A_200 = vector.shape_cast %transpose3A_193 : vector<224x192xf32> to vector<1x1x224x192xf32>
    tpu.vector_store %arg3[%swap3A_194, %swap3A_195, %swap3A_196, %swap3A_197], %swap3A_200 {strides = array<i32>} : memref<1x32x224x256xf32, #tpu.memory_space<vmem>>, vector<1x1x224x192xf32>,
    %slice3A_201 = vector.extract_strided_slice %get3A_4 {offsets = [0, 20, 0], sizes = [192, 1, 224], strides = [1, 1, 1]} : vector<192x32x224xf32> to vector<192x1x224xf32>
    %squeeze3A_202 = vector.shape_cast %slice3A_201 : vector<192x1x224xf32> to vector<192x224xf32>
    %transpose3A_203 = tpu.transpose %squeeze3A_202, [1, 0] : vector<192x224xf32> -> vector<224x192xf32>
    %swap3A_204 = arith.constant 0 : index
    %swap3A_205 = arith.constant 20 : index
    %swap3A_206 = arith.constant 0 : index
    %swap3A_207 = arith.constant 0 : index
    %swap3A_208 = vector.load %arg3[%swap3A_204, %swap3A_205, %swap3A_206, %swap3A_207] : memref<1x32x224x256xf32, #tpu.memory_space<vmem>>, vector<1x1x224x192xf32>
    %swap3A_209 = vector.shape_cast %swap3A_208 : vector<1x1x224x192xf32> to vector<224x192xf32>
    %swap3A_210 = vector.shape_cast %transpose3A_203 : vector<224x192xf32> to vector<1x1x224x192xf32>
    tpu.vector_store %arg3[%swap3A_204, %swap3A_205, %swap3A_206, %swap3A_207], %swap3A_210 {strides = array<i32>} : memref<1x32x224x256xf32, #tpu.memory_space<vmem>>, vector<1x1x224x192xf32>,
    %slice3A_211 = vector.extract_strided_slice %get3A_4 {offsets = [0, 21, 0], sizes = [192, 1, 224], strides = [1, 1, 1]} : vector<192x32x224xf32> to vector<192x1x224xf32>
    %squeeze3A_212 = vector.shape_cast %slice3A_211 : vector<192x1x224xf32> to vector<192x224xf32>
    %transpose3A_213 = tpu.transpose %squeeze3A_212, [1, 0] : vector<192x224xf32> -> vector<224x192xf32>
    %swap3A_214 = arith.constant 0 : index
    %swap3A_215 = arith.constant 21 : index
    %swap3A_216 = arith.constant 0 : index
    %swap3A_217 = arith.constant 0 : index
    %swap3A_218 = vector.load %arg3[%swap3A_214, %swap3A_215, %swap3A_216, %swap3A_217] : memref<1x32x224x256xf32, #tpu.memory_space<vmem>>, vector<1x1x224x192xf32>
    %swap3A_219 = vector.shape_cast %swap3A_218 : vector<1x1x224x192xf32> to vector<224x192xf32>
    %swap3A_220 = vector.shape_cast %transpose3A_213 : vector<224x192xf32> to vector<1x1x224x192xf32>
    tpu.vector_store %arg3[%swap3A_214, %swap3A_215, %swap3A_216, %swap3A_217], %swap3A_220 {strides = array<i32>} : memref<1x32x224x256xf32, #tpu.memory_space<vmem>>, vector<1x1x224x192xf32>,
    %slice3A_221 = vector.extract_strided_slice %get3A_4 {offsets = [0, 22, 0], sizes = [192, 1, 224], strides = [1, 1, 1]} : vector<192x32x224xf32> to vector<192x1x224xf32>
    %squeeze3A_222 = vector.shape_cast %slice3A_221 : vector<192x1x224xf32> to vector<192x224xf32>
    %transpose3A_223 = tpu.transpose %squeeze3A_222, [1, 0] : vector<192x224xf32> -> vector<224x192xf32>
    %swap3A_224 = arith.constant 0 : index
    %swap3A_225 = arith.constant 22 : index
    %swap3A_226 = arith.constant 0 : index
    %swap3A_227 = arith.constant 0 : index
    %swap3A_228 = vector.load %arg3[%swap3A_224, %swap3A_225, %swap3A_226, %swap3A_227] : memref<1x32x224x256xf32, #tpu.memory_space<vmem>>, vector<1x1x224x192xf32>
    %swap3A_229 = vector.shape_cast %swap3A_228 : vector<1x1x224x192xf32> to vector<224x192xf32>
    %swap3A_230 = vector.shape_cast %transpose3A_223 : vector<224x192xf32> to vector<1x1x224x192xf32>
    tpu.vector_store %arg3[%swap3A_224, %swap3A_225, %swap3A_226, %swap3A_227], %swap3A_230 {strides = array<i32>} : memref<1x32x224x256xf32, #tpu.memory_space<vmem>>, vector<1x1x224x192xf32>,
    %slice3A_231 = vector.extract_strided_slice %get3A_4 {offsets = [0, 23, 0], sizes = [192, 1, 224], strides = [1, 1, 1]} : vector<192x32x224xf32> to vector<192x1x224xf32>
    %squeeze3A_232 = vector.shape_cast %slice3A_231 : vector<192x1x224xf32> to vector<192x224xf32>
    %transpose3A_233 = tpu.transpose %squeeze3A_232, [1, 0] : vector<192x224xf32> -> vector<224x192xf32>
    %swap3A_234 = arith.constant 0 : index
    %swap3A_235 = arith.constant 23 : index
    %swap3A_236 = arith.constant 0 : index
    %swap3A_237 = arith.constant 0 : index
    %swap3A_238 = vector.load %arg3[%swap3A_234, %swap3A_235, %swap3A_236, %swap3A_237] : memref<1x32x224x256xf32, #tpu.memory_space<vmem>>, vector<1x1x224x192xf32>
    %swap3A_239 = vector.shape_cast %swap3A_238 : vector<1x1x224x192xf32> to vector<224x192xf32>
    %swap3A_240 = vector.shape_cast %transpose3A_233 : vector<224x192xf32> to vector<1x1x224x192xf32>
    tpu.vector_store %arg3[%swap3A_234, %swap3A_235, %swap3A_236, %swap3A_237], %swap3A_240 {strides = array<i32>} : memref<1x32x224x256xf32, #tpu.memory_space<vmem>>, vector<1x1x224x192xf32>,
    %slice3A_241 = vector.extract_strided_slice %get3A_4 {offsets = [0, 24, 0], sizes = [192, 1, 224], strides = [1, 1, 1]} : vector<192x32x224xf32> to vector<192x1x224xf32>
    %squeeze3A_242 = vector.shape_cast %slice3A_241 : vector<192x1x224xf32> to vector<192x224xf32>
    %transpose3A_243 = tpu.transpose %squeeze3A_242, [1, 0] : vector<192x224xf32> -> vector<224x192xf32>
    %swap3A_244 = arith.constant 0 : index
    %swap3A_245 = arith.constant 24 : index
    %swap3A_246 = arith.constant 0 : index
    %swap3A_247 = arith.constant 0 : index
    %swap3A_248 = vector.load %arg3[%swap3A_244, %swap3A_245, %swap3A_246, %swap3A_247] : memref<1x32x224x256xf32, #tpu.memory_space<vmem>>, vector<1x1x224x192xf32>
    %swap3A_249 = vector.shape_cast %swap3A_248 : vector<1x1x224x192xf32> to vector<224x192xf32>
    %swap3A_250 = vector.shape_cast %transpose3A_243 : vector<224x192xf32> to vector<1x1x224x192xf32>
    tpu.vector_store %arg3[%swap3A_244, %swap3A_245, %swap3A_246, %swap3A_247], %swap3A_250 {strides = array<i32>} : memref<1x32x224x256xf32, #tpu.memory_space<vmem>>, vector<1x1x224x192xf32>,
    %slice3A_251 = vector.extract_strided_slice %get3A_4 {offsets = [0, 25, 0], sizes = [192, 1, 224], strides = [1, 1, 1]} : vector<192x32x224xf32> to vector<192x1x224xf32>
    %squeeze3A_252 = vector.shape_cast %slice3A_251 : vector<192x1x224xf32> to vector<192x224xf32>
    %transpose3A_253 = tpu.transpose %squeeze3A_252, [1, 0] : vector<192x224xf32> -> vector<224x192xf32>
    %swap3A_254 = arith.constant 0 : index
    %swap3A_255 = arith.constant 25 : index
    %swap3A_256 = arith.constant 0 : index
    %swap3A_257 = arith.constant 0 : index
    %swap3A_258 = vector.load %arg3[%swap3A_254, %swap3A_255, %swap3A_256, %swap3A_257] : memref<1x32x224x256xf32, #tpu.memory_space<vmem>>, vector<1x1x224x192xf32>
    %swap3A_259 = vector.shape_cast %swap3A_258 : vector<1x1x224x192xf32> to vector<224x192xf32>
    %swap3A_260 = vector.shape_cast %transpose3A_253 : vector<224x192xf32> to vector<1x1x224x192xf32>
    tpu.vector_store %arg3[%swap3A_254, %swap3A_255, %swap3A_256, %swap3A_257], %swap3A_260 {strides = array<i32>} : memref<1x32x224x256xf32, #tpu.memory_space<vmem>>, vector<1x1x224x192xf32>,
    %slice3A_261 = vector.extract_strided_slice %get3A_4 {offsets = [0, 26, 0], sizes = [192, 1, 224], strides = [1, 1, 1]} : vector<192x32x224xf32> to vector<192x1x224xf32>
    %squeeze3A_262 = vector.shape_cast %slice3A_261 : vector<192x1x224xf32> to vector<192x224xf32>
    %transpose3A_263 = tpu.transpose %squeeze3A_262, [1, 0] : vector<192x224xf32> -> vector<224x192xf32>
    %swap3A_264 = arith.constant 0 : index
    %swap3A_265 = arith.constant 26 : index
    %swap3A_266 = arith.constant 0 : index
    %swap3A_267 = arith.constant 0 : index
    %swap3A_268 = vector.load %arg3[%swap3A_264, %swap3A_265, %swap3A_266, %swap3A_267] : memref<1x32x224x256xf32, #tpu.memory_space<vmem>>, vector<1x1x224x192xf32>
    %swap3A_269 = vector.shape_cast %swap3A_268 : vector<1x1x224x192xf32> to vector<224x192xf32>
    %swap3A_270 = vector.shape_cast %transpose3A_263 : vector<224x192xf32> to vector<1x1x224x192xf32>
    tpu.vector_store %arg3[%swap3A_264, %swap3A_265, %swap3A_266, %swap3A_267], %swap3A_270 {strides = array<i32>} : memref<1x32x224x256xf32, #tpu.memory_space<vmem>>, vector<1x1x224x192xf32>,
    %slice3A_271 = vector.extract_strided_slice %get3A_4 {offsets = [0, 27, 0], sizes = [192, 1, 224], strides = [1, 1, 1]} : vector<192x32x224xf32> to vector<192x1x224xf32>
    %squeeze3A_272 = vector.shape_cast %slice3A_271 : vector<192x1x224xf32> to vector<192x224xf32>
    %transpose3A_273 = tpu.transpose %squeeze3A_272, [1, 0] : vector<192x224xf32> -> vector<224x192xf32>
    %swap3A_274 = arith.constant 0 : index
    %swap3A_275 = arith.constant 27 : index
    %swap3A_276 = arith.constant 0 : index
    %swap3A_277 = arith.constant 0 : index
    %swap3A_278 = vector.load %arg3[%swap3A_274, %swap3A_275, %swap3A_276, %swap3A_277] : memref<1x32x224x256xf32, #tpu.memory_space<vmem>>, vector<1x1x224x192xf32>
    %swap3A_279 = vector.shape_cast %swap3A_278 : vector<1x1x224x192xf32> to vector<224x192xf32>
    %swap3A_280 = vector.shape_cast %transpose3A_273 : vector<224x192xf32> to vector<1x1x224x192xf32>
    tpu.vector_store %arg3[%swap3A_274, %swap3A_275, %swap3A_276, %swap3A_277], %swap3A_280 {strides = array<i32>} : memref<1x32x224x256xf32, #tpu.memory_space<vmem>>, vector<1x1x224x192xf32>,
    %slice3A_281 = vector.extract_strided_slice %get3A_4 {offsets = [0, 28, 0], sizes = [192, 1, 224], strides = [1, 1, 1]} : vector<192x32x224xf32> to vector<192x1x224xf32>
    %squeeze3A_282 = vector.shape_cast %slice3A_281 : vector<192x1x224xf32> to vector<192x224xf32>
    %transpose3A_283 = tpu.transpose %squeeze3A_282, [1, 0] : vector<192x224xf32> -> vector<224x192xf32>
    %swap3A_284 = arith.constant 0 : index
    %swap3A_285 = arith.constant 28 : index
    %swap3A_286 = arith.constant 0 : index
    %swap3A_287 = arith.constant 0 : index
    %swap3A_288 = vector.load %arg3[%swap3A_284, %swap3A_285, %swap3A_286, %swap3A_287] : memref<1x32x224x256xf32, #tpu.memory_space<vmem>>, vector<1x1x224x192xf32>
    %swap3A_289 = vector.shape_cast %swap3A_288 : vector<1x1x224x192xf32> to vector<224x192xf32>
    %swap3A_290 = vector.shape_cast %transpose3A_283 : vector<224x192xf32> to vector<1x1x224x192xf32>
    tpu.vector_store %arg3[%swap3A_284, %swap3A_285, %swap3A_286, %swap3A_287], %swap3A_290 {strides = array<i32>} : memref<1x32x224x256xf32, #tpu.memory_space<vmem>>, vector<1x1x224x192xf32>,
    %slice3A_291 = vector.extract_strided_slice %get3A_4 {offsets = [0, 29, 0], sizes = [192, 1, 224], strides = [1, 1, 1]} : vector<192x32x224xf32> to vector<192x1x224xf32>
    %squeeze3A_292 = vector.shape_cast %slice3A_291 : vector<192x1x224xf32> to vector<192x224xf32>
    %transpose3A_293 = tpu.transpose %squeeze3A_292, [1, 0] : vector<192x224xf32> -> vector<224x192xf32>
    %swap3A_294 = arith.constant 0 : index
    %swap3A_295 = arith.constant 29 : index
    %swap3A_296 = arith.constant 0 : index
    %swap3A_297 = arith.constant 0 : index
    %swap3A_298 = vector.load %arg3[%swap3A_294, %swap3A_295, %swap3A_296, %swap3A_297] : memref<1x32x224x256xf32, #tpu.memory_space<vmem>>, vector<1x1x224x192xf32>
    %swap3A_299 = vector.shape_cast %swap3A_298 : vector<1x1x224x192xf32> to vector<224x192xf32>
    %swap3A_300 = vector.shape_cast %transpose3A_293 : vector<224x192xf32> to vector<1x1x224x192xf32>
    tpu.vector_store %arg3[%swap3A_294, %swap3A_295, %swap3A_296, %swap3A_297], %swap3A_300 {strides = array<i32>} : memref<1x32x224x256xf32, #tpu.memory_space<vmem>>, vector<1x1x224x192xf32>,
    %slice3A_301 = vector.extract_strided_slice %get3A_4 {offsets = [0, 30, 0], sizes = [192, 1, 224], strides = [1, 1, 1]} : vector<192x32x224xf32> to vector<192x1x224xf32>
    %squeeze3A_302 = vector.shape_cast %slice3A_301 : vector<192x1x224xf32> to vector<192x224xf32>
    %transpose3A_303 = tpu.transpose %squeeze3A_302, [1, 0] : vector<192x224xf32> -> vector<224x192xf32>
    %swap3A_304 = arith.constant 0 : index
    %swap3A_305 = arith.constant 30 : index
    %swap3A_306 = arith.constant 0 : index
    %swap3A_307 = arith.constant 0 : index
    %swap3A_308 = vector.load %arg3[%swap3A_304, %swap3A_305, %swap3A_306, %swap3A_307] : memref<1x32x224x256xf32, #tpu.memory_space<vmem>>, vector<1x1x224x192xf32>
    %swap3A_309 = vector.shape_cast %swap3A_308 : vector<1x1x224x192xf32> to vector<224x192xf32>
    %swap3A_310 = vector.shape_cast %transpose3A_303 : vector<224x192xf32> to vector<1x1x224x192xf32>
    tpu.vector_store %arg3[%swap3A_304, %swap3A_305, %swap3A_306, %swap3A_307], %swap3A_310 {strides = array<i32>} : memref<1x32x224x256xf32, #tpu.memory_space<vmem>>, vector<1x1x224x192xf32>,
    %slice3A_311 = vector.extract_strided_slice %get3A_4 {offsets = [0, 31, 0], sizes = [192, 1, 224], strides = [1, 1, 1]} : vector<192x32x224xf32> to vector<192x1x224xf32>
    %squeeze3A_312 = vector.shape_cast %slice3A_311 : vector<192x1x224xf32> to vector<192x224xf32>
    %transpose3A_313 = tpu.transpose %squeeze3A_312, [1, 0] : vector<192x224xf32> -> vector<224x192xf32>
    %swap3A_314 = arith.constant 0 : index
    %swap3A_315 = arith.constant 31 : index
    %swap3A_316 = arith.constant 0 : index
    %swap3A_317 = arith.constant 0 : index
    %swap3A_318 = vector.load %arg3[%swap3A_314, %swap3A_315, %swap3A_316, %swap3A_317] : memref<1x32x224x256xf32, #tpu.memory_space<vmem>>, vector<1x1x224x192xf32>
    %swap3A_319 = vector.shape_cast %swap3A_318 : vector<1x1x224x192xf32> to vector<224x192xf32>
    %swap3A_320 = vector.shape_cast %transpose3A_313 : vector<224x192xf32> to vector<1x1x224x192xf32>
    tpu.vector_store %arg3[%swap3A_314, %swap3A_315, %swap3A_316, %swap3A_317], %swap3A_320 {strides = array<i32>} : memref<1x32x224x256xf32, #tpu.memory_space<vmem>>, vector<1x1x224x192xf32>,
    return
  }
  func.func @transform_0(%arg0: i32, %arg1: i32) -> (i32, i32, i32, i32) {
    %c0_i32 = arith.constant 0 : i32
    %c0_i32_0 = arith.constant 0 : i32
    %c0_i32_1 = arith.constant 0 : i32
    return %arg0, %c0_i32, %arg1, %c0_i32_0 : i32, i32, i32, i32
  }
  func.func @transform_1(%arg0: i32, %arg1: i32) -> (i32, i32, i32, i32) {
    %c0_i32 = arith.constant 0 : i32
    %c0_i32_0 = arith.constant 0 : i32
    %c0_i32_1 = arith.constant 0 : i32
    return %arg0, %arg1, %c0_i32, %c0_i32_0 : i32, i32, i32, i32
  }
}

</mosaic_0001>

<sc_bundles>
// kernel: kernel.4.cloned.1.call-start
scs
__scs_entry_jumppad:
0x0: {  	(pc) =	sbr.rel $0x88, $3  }
0x1: {  	(tag) =	ssettag $0x0;
	lr =	simm.s32 $0x1  }
0x2: {  	[smem:$0x3F9F] =	sst lr;
	_ =	strace $0xD0000000  }
0x3: {  	_ = 	snop  }
0x4: {  	_ = 	snop  }
0x5: {  	_ = 	snop  }
0x6: {  	_ = 	snop  }
0x7: {  	_ = 	snop  }
__scs_overlays_trampoline_lowered:
0x8: {  	[smem:$0x3FAE] =	sst s0  }
0x9: {  	[smem:$0x3FAF] =	sst s1  }
0xa: {  	[smem:$0x3FB0] =	sst s2  }
0xb: {  	[smem:$0x3FB1] =	sst s3  }
0xc: {  	[smem:$0x3FB2] =	sst s4  }
0xd: {  	[smem:$0x3FB3] =	sst s5  }
0xe: {  	[smem:$0x3FB4] =	sst s6  }
0xf: {  	[smem:$0x3FB5] =	sst s7  }
0x10: {  	[smem:$0x3FB6] =	sst s8  }
0x11: {  	[smem:$0x3FB7] =	sst s9;
	s0 =	simm.s32 @!p0 $0x0  }
0x12: {  	s1 =	sld [smem:$0x3F9D];
	s0 =	simm.s32 @p0 $0x1  }
0x13: {  	[smem:$0x3FB8] =	sst s0;
	s0 =	simm.s32 @!p1 $0x0  }
0x14: {  	s2 =	sld [smem:$0x3F9C];
	s0 =	simm.s32 @p1 $0x1  }
0x15: {  	[smem:$0x3FB9] =	sst s0;
	s0 =	simm.s32 @!p2 $0x0  }
0x16: {  	s3 =	sld [smem:$0x3FDB];
	s0 =	simm.s32 @p2 $0x1  }
0x17: {  	s4 =	simm.s32 $0x1BF5;
	[smem:$0x3FBB] =	sst s0  }
0x18: {  	s0 =	sld [smem:$0x3F9E];
	_ =	swait.ge [sflag:s4], $0x0  }
0x19: {  	s7 =	sld [smem:$0x3F9F]  }
0x1a: {  	s8 =	sadd.s32 $0xFFFFE003, lr  }
0x1b: {  	s9 =	sadd.s32 $0xFFFFFEF7, lr;
	s5 =	simm.s32 $0xFFFFFFFF;
	p2 =	slt.u32 s8, $0xFFFFF086  }
0x1c: {  	p1 =	slt.u32 s9, $0xF7A;
	s5 =	simm.s32 @!p2 $0x0  }
0x1d: {  	s5 =	simm.s32 @p1 $0x1;
	p0 =	seq.s32 s7, s2  }
0x1e: {  	s7 =	smul.u32 @!p0 $0xF7A, s2;
	p2 =	seq.s32 @!p0 s5, $0x0  }
0x1f: {  	s9 =	smul.u32 $0xF7A, s1;
	s8 =	simm.s32 @!p0 $0x1BF5;
	p2 =	por !p2, p0  }
0x20: {  	[sflag:s8] =	ssyncset.s32 @!p0 $0xFFFFF086;
	s6 =	sadd.s32 @!p0 s3, s7;
	s7 =	simm.s32 @!p0 $0x108  }
0x21: {  	s3 =	sadd.s32 s3, s9;
	s6 =	sadd.s32 @!p0 $0x88, s6;
	s7 =	simm.s32 @p2 $0x1082  }
0x22: {  	[simem:s7], [sflag:s8] =	dma.local @!p0 [hbm:s6], $0xF7A  }
0x23: {  	s9 =	sor.u32 $0xD0000000, s2;
	s6 =	simm.s32 $0x108;
	_ =	swait.ge @!p0 [sflag:s8], $0x0  }
0x24: {  	s3 =	sadd.s32 $0x88, s3;
	s6 =	simm.s32 @!p1 $0x1082;
	[sflag:s4] =	ssyncset.s32 $0xFFFFF086  }
0x25: {  	[simem:s6], [sflag:s4] =	dma.local [hbm:s3], $0xF7A  }
0x26: {  	[smem:$0x3F9F] =	sst s1;
	(tag) =	ssettag s2;
	_ =	strace s9  }
0x27: {  	s1 =	sld [smem:$0x3FAF]  }
0x28: {  	s2 =	sld [smem:$0x3FB0]  }
0x29: {  	s4 =	sld [smem:$0x3FB2]  }
0x2a: {  	p0 =	seq.s32 s5, $0x0;
	s5 =	sld [smem:$0x3FB3]  }
0x2b: {  	s6 =	sld [smem:$0x3FB4]  }
0x2c: {  	s7 =	sld [smem:$0x3FB5]  }
0x2d: {  	s3 =	simm.s32 $0x108;
	s8 =	sld [smem:$0x3FB6]  }
0x2e: {  	s3 =	simm.s32 @!p0 $0x1082;
	s9 =	sld [smem:$0x3FB7]  }
0x2f: {  	lr =	sadd.s32 s0, s3;
	s0 =	sld [smem:$0x3FAE]  }
0x30: {  	s3 =	sld [smem:$0x3FB1]  }
0x31: {  	[smem:$0x3FBA] =	sst s10  }
0x32: {  	s10 =	sld [smem:$0x3FB8];
	_ =	sdelay $0x3  }
0x33: {  	p0 =	seq.s32 s10, $0x1;
	s10 =	sld [smem:$0x3FBA];
	_ =	sdelay $0x3  }
0x34: {  	[smem:$0x3FBA] =	sst s10  }
0x35: {  	s10 =	sld [smem:$0x3FB9];
	_ =	sdelay $0x3  }
0x36: {  	p1 =	seq.s32 s10, $0x1;
	s10 =	sld [smem:$0x3FBA];
	_ =	sdelay $0x3  }
0x37: {  	[smem:$0x3FBA] =	sst s10  }
0x38: {  	s10 =	sld [smem:$0x3FBB]  }
0x39: {  	_ = 	snop;
	(pc) =	sbr.ind lr, $3  }
0x3a: {  	_ = 	snop  }
0x3b: {  	_ = 	snop  }
0x3c: {  	p2 =	seq.s32 s10, $0x1;
	s10 =	sld [smem:$0x3FBA]  }
0x3d: {  	_ =	shalt  }
0x3e: {  	_ =	shalt  }
0x3f: {  	_ =	shalt  }
0x40: {  	_ =	shalt  }
0x41: {  	_ =	shalt  }
0x42: {  	_ =	shalt  }
0x43: {  	_ =	shalt  }
0x44: {  	_ =	shalt  }
0x45: {  	_ =	shalt  }
0x46: {  	_ =	shalt  }
0x47: {  	_ =	shalt  }
0x48: {  	_ =	shalt  }
0x49: {  	_ =	shalt  }
0x4a: {  	_ =	shalt  }
0x4b: {  	_ =	shalt  }
0x4c: {  	_ =	shalt  }
0x4d: {  	_ =	shalt  }
0x4e: {  	_ =	shalt  }
0x4f: {  	_ =	shalt  }
0x50: {  	_ =	shalt  }
0x51: {  	_ =	shalt  }
0x52: {  	_ =	shalt  }
0x53: {  	_ =	shalt  }
0x54: {  	_ =	shalt  }
0x55: {  	_ =	shalt  }
0x56: {  	_ =	shalt  }
0x57: {  	_ =	shalt  }
0x58: {  	_ =	shalt  }
0x59: {  	_ =	shalt  }
0x5a: {  	_ =	shalt  }
0x5b: {  	_ =	shalt  }
0x5c: {  	_ =	shalt  }
0x5d: {  	_ =	shalt  }
0x5e: {  	_ =	shalt  }
0x5f: {  	_ =	shalt  }
0x60: {  	_ =	shalt  }
0x61: {  	_ =	shalt  }
0x62: {  	_ =	shalt  }
0x63: {  	_ =	shalt  }
0x64: {  	_ =	shalt  }
0x65: {  	_ =	shalt  }
0x66: {  	_ =	shalt  }
0x67: {  	_ =	shalt  }
0x68: {  	_ =	shalt  }
0x69: {  	_ =	shalt  }
0x6a: {  	_ =	shalt  }
0x6b: {  	_ =	shalt  }
0x6c: {  	_ =	shalt  }
0x6d: {  	_ =	shalt  }
0x6e: {  	_ =	shalt  }
0x6f: {  	_ =	shalt  }
0x70: {  	_ =	shalt  }
0x71: {  	_ =	shalt  }
0x72: {  	_ =	shalt  }
0x73: {  	_ =	shalt  }
0x74: {  	_ =	shalt  }
0x75: {  	_ =	shalt  }
0x76: {  	_ =	shalt  }
0x77: {  	_ =	shalt  }
0x78: {  	_ =	shalt  }
0x79: {  	_ =	shalt  }
0x7a: {  	_ =	shalt  }
0x7b: {  	_ =	shalt  }
0x7c: {  	_ =	shalt  }
0x7d: {  	_ =	shalt  }
0x7e: {  	_ =	shalt  }
0x7f: {  	_ =	shalt  }
0x80: {  	_ =	shalt  }
0x81: {  	_ =	shalt  }
0x82: {  	_ =	shalt  }
0x83: {  	_ =	shalt  }
0x84: {  	_ =	shalt  }
0x85: {  	_ =	shalt  }
0x86: {  	_ =	shalt  }
0x87: {  	_ =	shalt  }
.Lfunc_end0:
.L_simem_size_0:
called_computation_lowered:
.L_overlay_start_0:
0x88: {  	s2 =	sld [smem:$0x3FD9]  }
0x89: {  	s3 =	sld [smem:$0x3FFE];
	_ =	sdelay $0x1  }
0x8a: {  	s1 =	srdreg.scid  }
0x8b: {  	s0 =	sand.u32 $0x1, s1  }
0x8c: {  	s17 =	sshll.u32 s0, $0xA;
	s2 =	sadd.s32 s3, s2  }
0x8d: {  	s2 =	sadd.s32 s2, s17  }
0x8e: {  	[smem:$0x3FC6] =	sst s2  }
0x8f: {  	_ = 	snop  }
0x90: {  	s2 =	sld [smem:$0x3FD0];
	(tm) =	ssettm $0x1  }
0x91: {  	s18 =	sld [smem:$0x3FFB];
	_ =	sdelay $0x3  }
0x92: {  	_ =	strace s18  }
0x93: {  	s3 =	sld [smem:$0x3FFC];
	_ =	sdelay $0x3  }
0x94: {  	_ =	strace s3  }
0x95: {  	s3 =	sld [smem:$0x3FFD];
	_ =	sdelay $0x3  }
0x96: {  	_ =	strace s3  }
0x97: {  	_ =	strace $0x8FFFFFFF  }
0x98: {  	s19 =	sld [smem:$0x3FDB];
	_ =	sdelay $0x1  }
0x99: {  	s4 =	simm.s32 $_scs_section_size  }
0x9a: {  	s5 =	simm.s32 $_size__tile_overlayer_lowered;
	s6 =	simm.s32 $_tile_overlayer_lowered  }
0x9b: {  	s22 =	simm.s32 $0x1BFF;
	s21 =	sshll.u32 s6, $0x1;
	s3 =	sadd.s32 s4, s19  }
0x9c: {  	s7 =	simm.s32 $0x0;
	s20 =	sshll.u32 s5, $0x1;
	s5 =	sadd.s32 s21, s3  }
0x9d: {  	[timem:s7], [sflag:s22] =	dma.local [hbm:s5], s20  }
0x9e: {  	_ =	swait.ge [sflag:s22], s20  }
0x9f: {  	s4 =	ssub.s32 $0x0, s20;
	[sflag:s22] =	ssyncset.done $0x0  }
0xa0: {  	[sflag:s22] =	ssyncadd.s32 s4;
	_ =	sdelay $0x1  }
0xa1: {  	s23 =	simm.s32 $0x1B8B  }
0xa2: {  	_ =	swait.ge [sflag:s23], $0x1  }
0xa3: {  	[sflag:s23] =	ssyncset.done $0x0  }
0xa4: {  	s25 =	simm.s32 $0x1B8E;
	s24 =	sld [smem:$0x3FFE];
	[sflag:s23] =	ssyncadd.s32 $0xFFFFFFFF  }
0xa5: {  	s26 =	simm.s32 $execute0_lowered;
	[smem:$0x3FD2] =	sst s25  }
0xa6: {  	s5 =	sshll.u32 s26, $0x1;
	_ =	strace $0x80000046;
	[dreg:$0x1] =	wrdreg $0xFFFFFFFF  }
0xa7: {  	s28 =	simm.s32 $_size_execute0_lowered;
	s3 =	sadd.s32 s3, s5;
	[dreg:$0x0] =	wrdreg $0x0  }
0xa8: {  	s5 =	sshll.u32 s28, $0x1;
	[dreg:$0x2] =	wrdreg s3  }
0xa9: {  	[dreg:$0x3] =	wrdreg s5  }
0xaa: {  	[dreg:$0x4] =	wrdreg $0xC0  }
0xab: {  	_ =	task [dreg:s7], $0x5FFFF  }
0xac: {  	[dreg:$0x1] =	wrdreg $0xFFFFFFFF  }
0xad: {  	[dreg:$0x0] =	wrdreg $0x60  }
0xae: {  	[dreg:$0x2] =	wrdreg s2  }
0xaf: {  	[dreg:$0x3] =	wrdreg s24  }
0xb0: {  	[dreg:$0x4] =	wrdreg $0x9  }
0xb1: {  	_ =	task.clear_ibuf [dreg:s7], $0x5FFFF;
	_ =	strace $0x90000046  }
0xb2: {  	s29 =	simm.s32 $0x9;
	_ =	strace $0x80000048  }
0xb3: {  	_ =	swait.ge [sflag:s29], $0x1  }
0xb4: {  	[sflag:s29] =	ssyncadd.s32 $0xFFFFFFFF  }
0xb5: {  	_ =	strace $0x90000048  }
0xb6: {  	_ =	sfence  }
0xb7: {  	s30 =	sld [smem:$0x0];
	_ =	sdelay $0x2  }
0xb8: {  	s31 =	sshll.u32 s1, $0xD;
	s1 =	sshrl.u32 s1, $0x2  }
0xb9: {  	s3 =	sand.u32 $0x4000, s31;
	s1 =	sadd.s32 s1, s30  }
0xba: {  	s0 =	sor.u32 s3, s0;
	s1 =	sshll.u32 s1, $0x11  }
0xbb: {  	s0 =	sor.u32 s1, s0  }
0xbc: {  	s0 =	sadd.s32 $0x8F2B, s0  }
0xbd: {  	[sflag:s0] =	ssyncadd.remote.s32 $0x1  }
0xbe: {  	_ =	sfence.sel $0xFFFF  }
0xbf: {  	[dreg:$0x0] =	wrdreg $0xFFFFFFFF;
	(pc) =	sbr.abs _section_cstart, $3  }
0xc0: {  	[dreg:$0x1] =	wrdreg $0xFFFFFFFF  }
0xc1: {  	_ =	task.clear_ibuf [dreg:s7], $0x2FFFF;
	_ =	strace $0x9FFFFFFF  }
0xc2: {  	(tm) =	ssettm $0x7FFFFFFF  }
0xc3: {  	_ =	shalt  }
tec
execute0_lowered:
.L_overlay_start_1:
0x0: {  	(tag) =	ssettag $0x1  }
0x1: {  	v0 =	vlaneseq.u32  }
0x2: {  	v1 =	vmul.u32 $0x2, v0;
	_ =	sdelay $0x1  }
0x3: {  	vm0 =	vmmov $0xffff;
	v3 =	vor.u32 $0x1, v1;
	v10 =	vor.u32 $0x61, v1  }
0x4: {  	v11 =	vor.u32 $0x80, v1;
	v12 =	vor.u32 $0x81, v1;
	v13 =	vor.u32 $0xA0, v1  }
0x5: {  	s3 =	stileid.u32;
	s1 =	rddreg [dreg:$0x0];
	v14 =	vor.u32 $0xA1, v1;
	v15 =	vor.u32 $0xC0, v1;
	v16 =	vor.u32 $0xC1, v1  }
0x6: {  	s2 =	srdreg.scid;
	s14 =	simm.s32 $0xE00;
	s15 =	simm.s32 $0x1600;
	v17 =	vor.u32 $0xE0, v1;
	v18 =	vor.u32 $0xE1, v1;
	v19 =	vor.u32 $0x100, v1  }
0x7: {  	s16 =	simm.s32 $0x1E00;
	s17 =	simm.s32 $0x2600;
	s18 =	simm.s32 $0x2E00;
	v20 =	vor.u32 $0x101, v1;
	v21 =	vor.u32 $0x120, v1;
	v22 =	vor.u32 $0x121, v1  }
0x8: {  	s19 =	simm.s32 $0x3600;
	s20 =	simm.s32 $0x3E00;
	s28 =	simm.s32 $0x6E00;
	v23 =	vor.u32 $0x140, v1;
	v24 =	vor.u32 $0x141, v1;
	v25 =	vor.u32 $0x160, v1  }
0x9: {  	s29 =	simm.s32 $0x7600;
	s30 =	simm.s32 $0x7E00;
	s12 =	simm.s32 $0x8600;
	v26 =	vor.u32 $0x161, v1;
	v27 =	vor.u32 $0x180, v1;
	v28 =	vor.u32 $0x181, v1  }
0xa: {  	s31 =	simm.s32 $0x8E00;
	s7 =	simm.s32 $0xA600;
	s8 =	simm.s32 $0xAE00;
	v29 =	vor.u32 $0x1A0, v1;
	v30 =	vor.u32 $0x1A1, v1;
	v31 =	vor.u32 $0x1C0, v1  }
0xb: {  	s21 =	rddreg [dreg:$0x1];
	s9 =	simm.s32 $0xB600;
	s10 =	simm.s32 $0xBE00;
	v32 =	vor.u32 $0x1C1, v1;
	v33 =	vor.u32 $0x1E0, v1;
	[tilespmem:$0x1FFA0] =	vst v3;
	v3 =	vor.u32 $0x20, v1  }
0xc: {  	s11 =	simm.s32 $0xC600;
	s6 =	simm.s32 $0xCE00;
	s0 =	sshrl.u32 s3, $0x1;
	v34 =	vor.u32 $0x1E1, v1;
	v35 =	vor.u32 $0x200, v1;
	[tilespmem:$0x1FFB0] =	vst v3;
	v3 =	vor.u32 $0x21, v1  }
0xd: {  	s4 =	sand.u32 $0x1, s2;
	s3 =	sshll.u32 s3, $0x1;
	s2 =	simm.s32 $0x0;
	v36 =	vor.u32 $0x201, v1;
	v37 =	vor.u32 $0x220, v1;
	[tilespmem:$0x1FFC0] =	vst v3;
	v3 =	vor.u32 $0x40, v1  }
0xe: {  	s0 =	smul.u32 $0xC400, s0;
	s3 =	sor.u32 s4, s3;
	[smem:$0x7FF] =	sst s2;
	v38 =	vor.u32 $0x221, v1;
	v39 =	vor.u32 $0x240, v1;
	[tilespmem:$0x1FFD0] =	vst v3;
	v3 =	vor.u32 $0x41, v1  }
0xf: {  	s23 =	ssub.s32 $0x2, s4;
	s5 =	sshll.u32 s3, $0xE;
	s3 =	sshll.u32 s3, $0x7;
	v40 =	vor.u32 $0x241, v1;
	v41 =	vor.u32 $0x260, v1;
	[tilespmem:$0x1FFE0] =	vst v3;
	v3 =	vor.u32 $0x60, v1  }
0x10: {  	s4 =	sshrl.u32 s23, $0x1;
	v42 =	vor.u32 $0x261, v1;
	v43 =	vor.u32 $0x280, v1;
	v44 =	vor.u32 $0x281, v1;
	s5 =	sadd.s32 s5, s21;
	s1 =	sadd.s32 s1, s3;
	[tilespmem:$0x1FFF0] =	vst v3  }
0x11: {  	v4 =	vimm.s32 $0x0;
	v45 =	vor.u32 $0x2A0, v1;
	v46 =	vor.u32 $0x2A1, v1;
	s22 =	sadd.s32 $0xC40400, s5;
	_ =	strace $0x80000047;
	[dreg:$0x3] =	wrdreg s1  }
0x12: {  	v47 =	vor.u32 $0x2C0, v1;
	v48 =	vor.u32 $0x2C1, v1;
	v49 =	vor.u32 $0x2E0, v1;
	s3 =	sadd.s32 $0x400, s21;
	s24 =	sadd.s32 $0xC41400, s5;
	[dreg:$0x4] =	wrdreg s22  }
0x13: {  	v50 =	vor.u32 $0x2E1, v1;
	v51 =	vor.u32 $0x300, v1;
	v52 =	vor.u32 $0x301, v1;
	s21 =	simm.s32 $0x4600;
	s25 =	sadd.s32 $0xC42400, s5;
	[dreg:$0x5] =	wrdreg s24  }
0x14: {  	v53 =	vor.u32 $0x320, v1;
	v54 =	vor.u32 $0x321, v1;
	v55 =	vor.u32 $0x340, v1;
	s26 =	sadd.s32 $0xC43400, s5;
	s1 =	ssub.s32 s23, s4;
	[dreg:$0x6] =	wrdreg s25  }
0x15: {  	v56 =	vor.u32 $0x341, v1;
	v57 =	vor.u32 $0x360, v1;
	v58 =	vor.u32 $0x361, v1;
	[dreg:$0x7] =	wrdreg s26;
	s4 =	simm.s32 $0x2;
	s23 =	simm.s32 $0x4E00  }
0x16: {  	v59 =	vor.u32 $0x380, v1;
	v60 =	vor.u32 $0x381, v1;
	v61 =	vor.u32 $0x3A0, v1;
	s24 =	simm.s32 $0x5600;
	s25 =	simm.s32 $0x5E00;
	s26 =	simm.s32 $0x6600  }
0x17: {  	v62 =	vor.u32 $0x3A1, v1;
	v63 =	vor.u32 $0x3C0, v1;
	v2 =	vmov s0;
	s22 =	simm.s32 $0xDE00;
	s5 =	smax.u32 s1, $0x1;
	s1 =	simm.s32 $0x1  }
.LBB2_1:
0x18: {  	s13 =	rddreg [dreg:$0x3]  }
0x19: {  	[tilespmem:s2], [sflag:$0x2] =	stream.linear.gather [hbm4b:s13+s2], $0x400, $0x38;
	[tilespmem:$0x10600] =	vst v63  }
0x1a: {  	_ =	swait.ge [sflag:s4], $0x400  }
0x1b: {  	v5 =	vld [tilespmem:$0x1FFA0];
	_ =	sdelay $0x3  }
0x1c: {  	[sflag:s4] =	ssyncset.done $0x0  }
0x1d: {  	[sflag:s4] =	ssyncadd.s32 $0xFFFFFC00  }
0x1e: {  	v3 =	vld.idx.msk [tilespmem:v1+s2+$0x0], $0xffff;
	_ =	sdelay $0x1  }
0x1f: {  	v5 =	vld.idx.msk [tilespmem:v5+s2+$0x0], $0xffff;
	_ =	sdelay $0x2  }
0x20: {  	v3 =	vmul.f32 $2.240000000e+02, v3;
	_ =	sdelay $0x1  }
0x21: {  	v6 =	vtrunc.f32 v3;
	v5 =	vmul.f32 $2.240000000e+02, v5  }
0x22: {  	v7 =	vcvt.f32.s32 v6;
	vm1 =	vlt.f32 v3, v6  }
0x23: {  	v3 =	vsel vm1, $0xFFFFFFFF, v4;
	v6 =	vtrunc.f32 v5  }
0x24: {  	v3 =	vadd.s32 v7, v3;
	v7 =	vcvt.f32.s32 v6;
	vm1 =	vlt.f32 v5, v6  }
0x25: {  	v3 =	vmul.u32 $0xE0, v3;
	v6 =	vld [tilespmem:$0x1FFB0];
	v5 =	vsel vm1, $0xFFFFFFFF, v4  }
0x26: {  	v5 =	vadd.s32 v7, v5  }
0x27: {  	v7 =	vld [tilespmem:$0x1FFC0];
	v3 =	vadd.s32 v3, v5  }
0x28: {  	vm1 =	vgt.s32 v3, $0x0  }
0x29: {  	v3 =	vnsel vm1, $0x0, v3  }
0x2a: {  	v3 =	vmin.u32 v3, $0xC3FF  }
0x2b: {  	v5 =	vadd.s32 v2, v3  }
0x2c: {  	[tilespmem:$0x400] =	vst v5  }
0x2d: {  	v6 =	vld.idx.msk [tilespmem:v6+s2+$0x0], $0xffff;
	_ =	sdelay $0x1  }
0x2e: {  	v7 =	vld.idx.msk [tilespmem:v7+s2+$0x0], $0xffff;
	_ =	sdelay $0x2  }
0x2f: {  	v6 =	vmul.f32 $2.240000000e+02, v6;
	_ =	sdelay $0x1  }
0x30: {  	v7 =	vmul.f32 $2.240000000e+02, v7;
	v8 =	vtrunc.f32 v6  }
0x31: {  	v9 =	vcvt.f32.s32 v8;
	vm1 =	vlt.f32 v6, v8  }
0x32: {  	v8 =	vtrunc.f32 v7;
	v6 =	vsel vm1, $0xFFFFFFFF, v4  }
0x33: {  	vm1 =	vlt.f32 v7, v8;
	v6 =	vadd.s32 v9, v6;
	v9 =	vcvt.f32.s32 v8  }
0x34: {  	v7 =	vsel vm1, $0xFFFFFFFF, v4;
	v6 =	vmul.u32 $0xE0, v6  }
0x35: {  	v7 =	vadd.s32 v9, v7  }
0x36: {  	v6 =	vadd.s32 v6, v7  }
0x37: {  	vm1 =	vgt.s32 v6, $0x0  }
0x38: {  	v6 =	vnsel vm1, $0x0, v6  }
0x39: {  	v6 =	vmin.u32 v6, $0xC3FF  }
0x3a: {  	v6 =	vadd.s32 v2, v6  }
0x3b: {  	[tilespmem:$0x410] =	vst v6;
	v6 =	vld [tilespmem:$0x1FFD0];
	_ =	sdelay $0x1  }
0x3c: {  	v7 =	vld [tilespmem:$0x1FFE0];
	_ =	sdelay $0x5  }
0x3d: {  	v6 =	vld.idx.msk [tilespmem:v6+s2+$0x0], $0xffff;
	_ =	sdelay $0x1  }
0x3e: {  	v7 =	vld.idx.msk [tilespmem:v7+s2+$0x0], $0xffff;
	_ =	sdelay $0x2  }
0x3f: {  	v6 =	vmul.f32 $2.240000000e+02, v6;
	_ =	sdelay $0x1  }
0x40: {  	v7 =	vmul.f32 $2.240000000e+02, v7;
	v8 =	vtrunc.f32 v6  }
0x41: {  	v9 =	vcvt.f32.s32 v8;
	vm1 =	vlt.f32 v6, v8  }
0x42: {  	v8 =	vtrunc.f32 v7;
	v6 =	vsel vm1, $0xFFFFFFFF, v4  }
0x43: {  	vm1 =	vlt.f32 v7, v8;
	v6 =	vadd.s32 v9, v6;
	v9 =	vcvt.f32.s32 v8  }
0x44: {  	v7 =	vsel vm1, $0xFFFFFFFF, v4;
	v6 =	vmul.u32 $0xE0, v6  }
0x45: {  	v7 =	vadd.s32 v9, v7  }
0x46: {  	v6 =	vadd.s32 v6, v7  }
0x47: {  	vm1 =	vgt.s32 v6, $0x0  }
0x48: {  	v6 =	vnsel vm1, $0x0, v6  }
0x49: {  	v6 =	vmin.u32 v6, $0xC3FF  }
0x4a: {  	v6 =	vadd.s32 v2, v6  }
0x4b: {  	[tilespmem:$0x420] =	vst v6;
	v6 =	vld [tilespmem:$0x1FFF0];
	_ =	sdelay $0x7  }
0x4c: {  	v6 =	vld.idx.msk [tilespmem:v6+s2+$0x0], $0xffff;
	_ =	sdelay $0x1  }
0x4d: {  	v7 =	vld.idx.msk [tilespmem:v10+s2+$0x0], $0xffff;
	_ =	sdelay $0x2  }
0x4e: {  	v6 =	vmul.f32 $2.240000000e+02, v6;
	_ =	sdelay $0x1  }
0x4f: {  	v7 =	vmul.f32 $2.240000000e+02, v7;
	v8 =	vtrunc.f32 v6  }
0x50: {  	v9 =	vcvt.f32.s32 v8;
	vm1 =	vlt.f32 v6, v8  }
0x51: {  	v8 =	vtrunc.f32 v7;
	v6 =	vsel vm1, $0xFFFFFFFF, v4  }
0x52: {  	vm1 =	vlt.f32 v7, v8;
	v6 =	vadd.s32 v9, v6;
	v9 =	vcvt.f32.s32 v8  }
0x53: {  	v7 =	vsel vm1, $0xFFFFFFFF, v4;
	v6 =	vmul.u32 $0xE0, v6  }
0x54: {  	v7 =	vadd.s32 v9, v7  }
0x55: {  	v6 =	vadd.s32 v6, v7  }
0x56: {  	vm1 =	vgt.s32 v6, $0x0  }
0x57: {  	v6 =	vnsel vm1, $0x0, v6  }
0x58: {  	v6 =	vmin.u32 v6, $0xC3FF  }
0x59: {  	v6 =	vadd.s32 v2, v6  }
0x5a: {  	[tilespmem:$0x430] =	vst v6  }
0x5b: {  	v6 =	vld.idx.msk [tilespmem:v11+s2+$0x0], $0xffff;
	_ =	sdelay $0x1  }
0x5c: {  	v7 =	vld.idx.msk [tilespmem:v12+s2+$0x0], $0xffff;
	_ =	sdelay $0x2  }
0x5d: {  	v6 =	vmul.f32 $2.240000000e+02, v6;
	_ =	sdelay $0x1  }
0x5e: {  	v7 =	vmul.f32 $2.240000000e+02, v7;
	v8 =	vtrunc.f32 v6  }
0x5f: {  	v9 =	vcvt.f32.s32 v8;
	vm1 =	vlt.f32 v6, v8  }
0x60: {  	v8 =	vtrunc.f32 v7;
	v6 =	vsel vm1, $0xFFFFFFFF, v4  }
0x61: {  	vm1 =	vlt.f32 v7, v8;
	v6 =	vadd.s32 v9, v6;
	v9 =	vcvt.f32.s32 v8  }
0x62: {  	v7 =	vsel vm1, $0xFFFFFFFF, v4;
	v6 =	vmul.u32 $0xE0, v6  }
0x63: {  	v7 =	vadd.s32 v9, v7  }
0x64: {  	v6 =	vadd.s32 v6, v7  }
0x65: {  	vm1 =	vgt.s32 v6, $0x0  }
0x66: {  	v6 =	vnsel vm1, $0x0, v6  }
0x67: {  	v6 =	vmin.u32 v6, $0xC3FF  }
0x68: {  	v6 =	vadd.s32 v2, v6  }
0x69: {  	[tilespmem:$0x440] =	vst v6  }
0x6a: {  	v6 =	vld.idx.msk [tilespmem:v13+s2+$0x0], $0xffff;
	_ =	sdelay $0x1  }
0x6b: {  	v7 =	vld.idx.msk [tilespmem:v14+s2+$0x0], $0xffff;
	_ =	sdelay $0x2  }
0x6c: {  	v6 =	vmul.f32 $2.240000000e+02, v6;
	_ =	sdelay $0x1  }
0x6d: {  	v7 =	vmul.f32 $2.240000000e+02, v7;
	v8 =	vtrunc.f32 v6  }
0x6e: {  	v9 =	vcvt.f32.s32 v8;
	vm1 =	vlt.f32 v6, v8  }
0x6f: {  	v8 =	vtrunc.f32 v7;
	v6 =	vsel vm1, $0xFFFFFFFF, v4  }
0x70: {  	vm1 =	vlt.f32 v7, v8;
	v6 =	vadd.s32 v9, v6;
	v9 =	vcvt.f32.s32 v8  }
0x71: {  	v7 =	vsel vm1, $0xFFFFFFFF, v4;
	v6 =	vmul.u32 $0xE0, v6  }
0x72: {  	v7 =	vadd.s32 v9, v7  }
0x73: {  	v6 =	vadd.s32 v6, v7  }
0x74: {  	vm1 =	vgt.s32 v6, $0x0  }
0x75: {  	v6 =	vnsel vm1, $0x0, v6  }
0x76: {  	v6 =	vmin.u32 v6, $0xC3FF  }
0x77: {  	v6 =	vadd.s32 v2, v6  }
0x78: {  	[tilespmem:$0x450] =	vst v6  }
0x79: {  	v6 =	vld.idx.msk [tilespmem:v15+s2+$0x0], $0xffff;
	_ =	sdelay $0x1  }
0x7a: {  	v7 =	vld.idx.msk [tilespmem:v16+s2+$0x0], $0xffff;
	_ =	sdelay $0x2  }
0x7b: {  	v6 =	vmul.f32 $2.240000000e+02, v6;
	_ =	sdelay $0x1  }
0x7c: {  	v7 =	vmul.f32 $2.240000000e+02, v7;
	v8 =	vtrunc.f32 v6  }
0x7d: {  	v9 =	vcvt.f32.s32 v8;
	vm1 =	vlt.f32 v6, v8  }
0x7e: {  	v8 =	vtrunc.f32 v7;
	v6 =	vsel vm1, $0xFFFFFFFF, v4  }
0x7f: {  	vm1 =	vlt.f32 v7, v8;
	v6 =	vadd.s32 v9, v6;
	v9 =	vcvt.f32.s32 v8  }
0x80: {  	v7 =	vsel vm1, $0xFFFFFFFF, v4;
	v6 =	vmul.u32 $0xE0, v6  }
0x81: {  	v7 =	vadd.s32 v9, v7  }
0x82: {  	v6 =	vadd.s32 v6, v7  }
0x83: {  	vm1 =	vgt.s32 v6, $0x0  }
0x84: {  	v6 =	vnsel vm1, $0x0, v6  }
0x85: {  	v6 =	vmin.u32 v6, $0xC3FF  }
0x86: {  	v6 =	vadd.s32 v2, v6  }
0x87: {  	[tilespmem:$0x460] =	vst v6  }
0x88: {  	v6 =	vld.idx.msk [tilespmem:v17+s2+$0x0], $0xffff;
	_ =	sdelay $0x1  }
0x89: {  	v7 =	vld.idx.msk [tilespmem:v18+s2+$0x0], $0xffff;
	_ =	sdelay $0x2  }
0x8a: {  	v6 =	vmul.f32 $2.240000000e+02, v6;
	_ =	sdelay $0x1  }
0x8b: {  	v7 =	vmul.f32 $2.240000000e+02, v7;
	v8 =	vtrunc.f32 v6  }
0x8c: {  	v9 =	vcvt.f32.s32 v8;
	vm1 =	vlt.f32 v6, v8  }
0x8d: {  	v8 =	vtrunc.f32 v7;
	v6 =	vsel vm1, $0xFFFFFFFF, v4  }
0x8e: {  	vm1 =	vlt.f32 v7, v8;
	v6 =	vadd.s32 v9, v6;
	v9 =	vcvt.f32.s32 v8  }
0x8f: {  	v7 =	vsel vm1, $0xFFFFFFFF, v4;
	v6 =	vmul.u32 $0xE0, v6  }
0x90: {  	v7 =	vadd.s32 v9, v7  }
0x91: {  	v6 =	vadd.s32 v6, v7  }
0x92: {  	vm1 =	vgt.s32 v6, $0x0  }
0x93: {  	v6 =	vnsel vm1, $0x0, v6  }
0x94: {  	v6 =	vmin.u32 v6, $0xC3FF  }
0x95: {  	v6 =	vadd.s32 v2, v6  }
0x96: {  	[tilespmem:$0x470] =	vst v6  }
0x97: {  	v6 =	vld.idx.msk [tilespmem:v19+s2+$0x0], $0xffff;
	_ =	sdelay $0x1  }
0x98: {  	v7 =	vld.idx.msk [tilespmem:v20+s2+$0x0], $0xffff;
	_ =	sdelay $0x2  }
0x99: {  	v6 =	vmul.f32 $2.240000000e+02, v6;
	_ =	sdelay $0x1  }
0x9a: {  	v7 =	vmul.f32 $2.240000000e+02, v7;
	v8 =	vtrunc.f32 v6  }
0x9b: {  	v9 =	vcvt.f32.s32 v8;
	vm1 =	vlt.f32 v6, v8  }
0x9c: {  	v8 =	vtrunc.f32 v7;
	v6 =	vsel vm1, $0xFFFFFFFF, v4  }
0x9d: {  	vm1 =	vlt.f32 v7, v8;
	v6 =	vadd.s32 v9, v6;
	v9 =	vcvt.f32.s32 v8  }
0x9e: {  	v7 =	vsel vm1, $0xFFFFFFFF, v4;
	v6 =	vmul.u32 $0xE0, v6  }
0x9f: {  	v7 =	vadd.s32 v9, v7  }
0xa0: {  	v6 =	vadd.s32 v6, v7  }
0xa1: {  	vm1 =	vgt.s32 v6, $0x0  }
0xa2: {  	v6 =	vnsel vm1, $0x0, v6  }
0xa3: {  	v6 =	vmin.u32 v6, $0xC3FF  }
0xa4: {  	v6 =	vadd.s32 v2, v6  }
0xa5: {  	[tilespmem:$0x480] =	vst v6  }
0xa6: {  	v6 =	vld.idx.msk [tilespmem:v21+s2+$0x0], $0xffff;
	_ =	sdelay $0x1  }
0xa7: {  	v7 =	vld.idx.msk [tilespmem:v22+s2+$0x0], $0xffff;
	_ =	sdelay $0x2  }
0xa8: {  	v6 =	vmul.f32 $2.240000000e+02, v6;
	_ =	sdelay $0x1  }
0xa9: {  	v7 =	vmul.f32 $2.240000000e+02, v7;
	v8 =	vtrunc.f32 v6  }
0xaa: {  	v9 =	vcvt.f32.s32 v8;
	vm1 =	vlt.f32 v6, v8  }
0xab: {  	v8 =	vtrunc.f32 v7;
	v6 =	vsel vm1, $0xFFFFFFFF, v4  }
0xac: {  	vm1 =	vlt.f32 v7, v8;
	v6 =	vadd.s32 v9, v6;
	v9 =	vcvt.f32.s32 v8  }
0xad: {  	v7 =	vsel vm1, $0xFFFFFFFF, v4;
	v6 =	vmul.u32 $0xE0, v6  }
0xae: {  	v7 =	vadd.s32 v9, v7  }
0xaf: {  	v6 =	vadd.s32 v6, v7  }
0xb0: {  	vm1 =	vgt.s32 v6, $0x0  }
0xb1: {  	v6 =	vnsel vm1, $0x0, v6  }
0xb2: {  	v6 =	vmin.u32 v6, $0xC3FF  }
0xb3: {  	v6 =	vadd.s32 v2, v6  }
0xb4: {  	[tilespmem:$0x490] =	vst v6  }
0xb5: {  	v6 =	vld.idx.msk [tilespmem:v23+s2+$0x0], $0xffff;
	_ =	sdelay $0x1  }
0xb6: {  	v7 =	vld.idx.msk [tilespmem:v24+s2+$0x0], $0xffff;
	_ =	sdelay $0x2  }
0xb7: {  	v6 =	vmul.f32 $2.240000000e+02, v6;
	_ =	sdelay $0x1  }
0xb8: {  	v7 =	vmul.f32 $2.240000000e+02, v7;
	v8 =	vtrunc.f32 v6  }
0xb9: {  	v9 =	vcvt.f32.s32 v8;
	vm1 =	vlt.f32 v6, v8  }
0xba: {  	v8 =	vtrunc.f32 v7;
	v6 =	vsel vm1, $0xFFFFFFFF, v4  }
0xbb: {  	vm1 =	vlt.f32 v7, v8;
	v6 =	vadd.s32 v9, v6;
	v9 =	vcvt.f32.s32 v8  }
0xbc: {  	v7 =	vsel vm1, $0xFFFFFFFF, v4;
	v6 =	vmul.u32 $0xE0, v6  }
0xbd: {  	v7 =	vadd.s32 v9, v7  }
0xbe: {  	v6 =	vadd.s32 v6, v7  }
0xbf: {  	vm1 =	vgt.s32 v6, $0x0  }
0xc0: {  	v6 =	vnsel vm1, $0x0, v6  }
0xc1: {  	v6 =	vmin.u32 v6, $0xC3FF  }
0xc2: {  	v6 =	vadd.s32 v2, v6  }
0xc3: {  	[tilespmem:$0x4A0] =	vst v6  }
0xc4: {  	v6 =	vld.idx.msk [tilespmem:v25+s2+$0x0], $0xffff;
	_ =	sdelay $0x1  }
0xc5: {  	v7 =	vld.idx.msk [tilespmem:v26+s2+$0x0], $0xffff;
	_ =	sdelay $0x2  }
0xc6: {  	v6 =	vmul.f32 $2.240000000e+02, v6;
	_ =	sdelay $0x1  }
0xc7: {  	v7 =	vmul.f32 $2.240000000e+02, v7;
	v8 =	vtrunc.f32 v6  }
0xc8: {  	v9 =	vcvt.f32.s32 v8;
	vm1 =	vlt.f32 v6, v8  }
0xc9: {  	v8 =	vtrunc.f32 v7;
	v6 =	vsel vm1, $0xFFFFFFFF, v4  }
0xca: {  	vm1 =	vlt.f32 v7, v8;
	v6 =	vadd.s32 v9, v6;
	v9 =	vcvt.f32.s32 v8  }
0xcb: {  	v7 =	vsel vm1, $0xFFFFFFFF, v4;
	v6 =	vmul.u32 $0xE0, v6  }
0xcc: {  	v7 =	vadd.s32 v9, v7  }
0xcd: {  	v6 =	vadd.s32 v6, v7  }
0xce: {  	vm1 =	vgt.s32 v6, $0x0  }
0xcf: {  	v6 =	vnsel vm1, $0x0, v6  }
0xd0: {  	v6 =	vmin.u32 v6, $0xC3FF  }
0xd1: {  	v6 =	vadd.s32 v2, v6  }
0xd2: {  	[tilespmem:$0x4B0] =	vst v6  }
0xd3: {  	v6 =	vld.idx.msk [tilespmem:v27+s2+$0x0], $0xffff;
	_ =	sdelay $0x1  }
0xd4: {  	v7 =	vld.idx.msk [tilespmem:v28+s2+$0x0], $0xffff;
	_ =	sdelay $0x2  }
0xd5: {  	v6 =	vmul.f32 $2.240000000e+02, v6;
	_ =	sdelay $0x1  }
0xd6: {  	v7 =	vmul.f32 $2.240000000e+02, v7;
	v8 =	vtrunc.f32 v6  }
0xd7: {  	v9 =	vcvt.f32.s32 v8;
	vm1 =	vlt.f32 v6, v8  }
0xd8: {  	v8 =	vtrunc.f32 v7;
	v6 =	vsel vm1, $0xFFFFFFFF, v4  }
0xd9: {  	vm1 =	vlt.f32 v7, v8;
	v6 =	vadd.s32 v9, v6;
	v9 =	vcvt.f32.s32 v8  }
0xda: {  	v7 =	vsel vm1, $0xFFFFFFFF, v4;
	v6 =	vmul.u32 $0xE0, v6  }
0xdb: {  	v7 =	vadd.s32 v9, v7  }
0xdc: {  	v6 =	vadd.s32 v6, v7  }
0xdd: {  	vm1 =	vgt.s32 v6, $0x0  }
0xde: {  	v6 =	vnsel vm1, $0x0, v6  }
0xdf: {  	v6 =	vmin.u32 v6, $0xC3FF  }
0xe0: {  	v6 =	vadd.s32 v2, v6  }
0xe1: {  	[tilespmem:$0x4C0] =	vst v6  }
0xe2: {  	v6 =	vld.idx.msk [tilespmem:v29+s2+$0x0], $0xffff;
	_ =	sdelay $0x1  }
0xe3: {  	v7 =	vld.idx.msk [tilespmem:v30+s2+$0x0], $0xffff;
	_ =	sdelay $0x2  }
0xe4: {  	v6 =	vmul.f32 $2.240000000e+02, v6;
	_ =	sdelay $0x1  }
0xe5: {  	v7 =	vmul.f32 $2.240000000e+02, v7;
	v8 =	vtrunc.f32 v6  }
0xe6: {  	v9 =	vcvt.f32.s32 v8;
	vm1 =	vlt.f32 v6, v8  }
0xe7: {  	v8 =	vtrunc.f32 v7;
	v6 =	vsel vm1, $0xFFFFFFFF, v4  }
0xe8: {  	vm1 =	vlt.f32 v7, v8;
	v6 =	vadd.s32 v9, v6;
	v9 =	vcvt.f32.s32 v8  }
0xe9: {  	v7 =	vsel vm1, $0xFFFFFFFF, v4;
	v6 =	vmul.u32 $0xE0, v6  }
0xea: {  	v7 =	vadd.s32 v9, v7  }
0xeb: {  	v6 =	vadd.s32 v6, v7  }
0xec: {  	vm1 =	vgt.s32 v6, $0x0  }
0xed: {  	v6 =	vnsel vm1, $0x0, v6  }
0xee: {  	v6 =	vmin.u32 v6, $0xC3FF  }
0xef: {  	v6 =	vadd.s32 v2, v6  }
0xf0: {  	[tilespmem:$0x4D0] =	vst v6  }
0xf1: {  	v6 =	vld.idx.msk [tilespmem:v31+s2+$0x0], $0xffff;
	_ =	sdelay $0x1  }
0xf2: {  	v7 =	vld.idx.msk [tilespmem:v32+s2+$0x0], $0xffff;
	_ =	sdelay $0x2  }
0xf3: {  	v6 =	vmul.f32 $2.240000000e+02, v6;
	_ =	sdelay $0x1  }
0xf4: {  	v7 =	vmul.f32 $2.240000000e+02, v7;
	v8 =	vtrunc.f32 v6  }
0xf5: {  	v9 =	vcvt.f32.s32 v8;
	vm1 =	vlt.f32 v6, v8  }
0xf6: {  	v8 =	vtrunc.f32 v7;
	v6 =	vsel vm1, $0xFFFFFFFF, v4  }
0xf7: {  	vm1 =	vlt.f32 v7, v8;
	v6 =	vadd.s32 v9, v6;
	v9 =	vcvt.f32.s32 v8  }
0xf8: {  	v7 =	vsel vm1, $0xFFFFFFFF, v4;
	v6 =	vmul.u32 $0xE0, v6  }
0xf9: {  	v7 =	vadd.s32 v9, v7  }
0xfa: {  	v6 =	vadd.s32 v6, v7  }
0xfb: {  	vm1 =	vgt.s32 v6, $0x0  }
0xfc: {  	v6 =	vnsel vm1, $0x0, v6  }
0xfd: {  	v6 =	vmin.u32 v6, $0xC3FF  }
0xfe: {  	v6 =	vadd.s32 v2, v6  }
0xff: {  	[tilespmem:$0x4E0] =	vst v6  }
0x100: {  	v6 =	vld.idx.msk [tilespmem:v33+s2+$0x0], $0xffff;
	_ =	sdelay $0x1  }
0x101: {  	v7 =	vld.idx.msk [tilespmem:v34+s2+$0x0], $0xffff;
	_ =	sdelay $0x2  }
0x102: {  	v6 =	vmul.f32 $2.240000000e+02, v6;
	_ =	sdelay $0x1  }
0x103: {  	v7 =	vmul.f32 $2.240000000e+02, v7;
	v8 =	vtrunc.f32 v6  }
0x104: {  	v9 =	vcvt.f32.s32 v8;
	vm1 =	vlt.f32 v6, v8  }
0x105: {  	v8 =	vtrunc.f32 v7;
	v6 =	vsel vm1, $0xFFFFFFFF, v4  }
0x106: {  	vm1 =	vlt.f32 v7, v8;
	v6 =	vadd.s32 v9, v6;
	v9 =	vcvt.f32.s32 v8  }
0x107: {  	v7 =	vsel vm1, $0xFFFFFFFF, v4;
	v6 =	vmul.u32 $0xE0, v6  }
0x108: {  	v7 =	vadd.s32 v9, v7  }
0x109: {  	v6 =	vadd.s32 v6, v7  }
0x10a: {  	vm1 =	vgt.s32 v6, $0x0  }
0x10b: {  	v6 =	vnsel vm1, $0x0, v6  }
0x10c: {  	v6 =	vmin.u32 v6, $0xC3FF  }
0x10d: {  	v6 =	vadd.s32 v2, v6  }
0x10e: {  	[tilespmem:$0x4F0] =	vst v6  }
0x10f: {  	v6 =	vld.idx.msk [tilespmem:v35+s2+$0x0], $0xffff;
	_ =	sdelay $0x1  }
0x110: {  	v7 =	vld.idx.msk [tilespmem:v36+s2+$0x0], $0xffff;
	_ =	sdelay $0x2  }
0x111: {  	v6 =	vmul.f32 $2.240000000e+02, v6;
	_ =	sdelay $0x1  }
0x112: {  	v7 =	vmul.f32 $2.240000000e+02, v7;
	v8 =	vtrunc.f32 v6  }
0x113: {  	v9 =	vcvt.f32.s32 v8;
	vm1 =	vlt.f32 v6, v8  }
0x114: {  	v8 =	vtrunc.f32 v7;
	v6 =	vsel vm1, $0xFFFFFFFF, v4  }
0x115: {  	vm1 =	vlt.f32 v7, v8;
	v6 =	vadd.s32 v9, v6;
	v9 =	vcvt.f32.s32 v8  }
0x116: {  	v7 =	vsel vm1, $0xFFFFFFFF, v4;
	v6 =	vmul.u32 $0xE0, v6  }
0x117: {  	v7 =	vadd.s32 v9, v7  }
0x118: {  	v6 =	vadd.s32 v6, v7  }
0x119: {  	vm1 =	vgt.s32 v6, $0x0  }
0x11a: {  	v6 =	vnsel vm1, $0x0, v6  }
0x11b: {  	v6 =	vmin.u32 v6, $0xC3FF  }
0x11c: {  	v6 =	vadd.s32 v2, v6  }
0x11d: {  	[tilespmem:$0x500] =	vst v6  }
0x11e: {  	v6 =	vld.idx.msk [tilespmem:v37+s2+$0x0], $0xffff;
	_ =	sdelay $0x1  }
0x11f: {  	v7 =	vld.idx.msk [tilespmem:v38+s2+$0x0], $0xffff;
	_ =	sdelay $0x2  }
0x120: {  	v6 =	vmul.f32 $2.240000000e+02, v6;
	_ =	sdelay $0x1  }
0x121: {  	v7 =	vmul.f32 $2.240000000e+02, v7;
	v8 =	vtrunc.f32 v6  }
0x122: {  	v9 =	vcvt.f32.s32 v8;
	vm1 =	vlt.f32 v6, v8  }
0x123: {  	v8 =	vtrunc.f32 v7;
	v6 =	vsel vm1, $0xFFFFFFFF, v4  }
0x124: {  	vm1 =	vlt.f32 v7, v8;
	v6 =	vadd.s32 v9, v6;
	v9 =	vcvt.f32.s32 v8  }
0x125: {  	v7 =	vsel vm1, $0xFFFFFFFF, v4;
	v6 =	vmul.u32 $0xE0, v6  }
0x126: {  	v7 =	vadd.s32 v9, v7  }
0x127: {  	v6 =	vadd.s32 v6, v7  }
0x128: {  	vm1 =	vgt.s32 v6, $0x0  }
0x129: {  	v6 =	vnsel vm1, $0x0, v6  }
0x12a: {  	v6 =	vmin.u32 v6, $0xC3FF  }
0x12b: {  	v6 =	vadd.s32 v2, v6  }
0x12c: {  	[tilespmem:$0x510] =	vst v6  }
0x12d: {  	v6 =	vld.idx.msk [tilespmem:v39+s2+$0x0], $0xffff;
	_ =	sdelay $0x1  }
0x12e: {  	v7 =	vld.idx.msk [tilespmem:v40+s2+$0x0], $0xffff;
	_ =	sdelay $0x2  }
0x12f: {  	v6 =	vmul.f32 $2.240000000e+02, v6;
	_ =	sdelay $0x1  }
0x130: {  	v7 =	vmul.f32 $2.240000000e+02, v7;
	v8 =	vtrunc.f32 v6  }
0x131: {  	v9 =	vcvt.f32.s32 v8;
	vm1 =	vlt.f32 v6, v8  }
0x132: {  	v8 =	vtrunc.f32 v7;
	v6 =	vsel vm1, $0xFFFFFFFF, v4  }
0x133: {  	vm1 =	vlt.f32 v7, v8;
	v6 =	vadd.s32 v9, v6;
	v9 =	vcvt.f32.s32 v8  }
0x134: {  	v7 =	vsel vm1, $0xFFFFFFFF, v4;
	v6 =	vmul.u32 $0xE0, v6  }
0x135: {  	v7 =	vadd.s32 v9, v7  }
0x136: {  	v6 =	vadd.s32 v6, v7  }
0x137: {  	vm1 =	vgt.s32 v6, $0x0  }
0x138: {  	v6 =	vnsel vm1, $0x0, v6  }
0x139: {  	v6 =	vmin.u32 v6, $0xC3FF  }
0x13a: {  	v6 =	vadd.s32 v2, v6  }
0x13b: {  	[tilespmem:$0x520] =	vst v6  }
0x13c: {  	v6 =	vld.idx.msk [tilespmem:v41+s2+$0x0], $0xffff;
	_ =	sdelay $0x1  }
0x13d: {  	v7 =	vld.idx.msk [tilespmem:v42+s2+$0x0], $0xffff;
	_ =	sdelay $0x2  }
0x13e: {  	v6 =	vmul.f32 $2.240000000e+02, v6;
	_ =	sdelay $0x1  }
0x13f: {  	v7 =	vmul.f32 $2.240000000e+02, v7;
	v8 =	vtrunc.f32 v6  }
0x140: {  	v9 =	vcvt.f32.s32 v8;
	vm1 =	vlt.f32 v6, v8  }
0x141: {  	v8 =	vtrunc.f32 v7;
	v6 =	vsel vm1, $0xFFFFFFFF, v4  }
0x142: {  	vm1 =	vlt.f32 v7, v8;
	v6 =	vadd.s32 v9, v6;
	v9 =	vcvt.f32.s32 v8  }
0x143: {  	v7 =	vsel vm1, $0xFFFFFFFF, v4;
	v6 =	vmul.u32 $0xE0, v6  }
0x144: {  	v7 =	vadd.s32 v9, v7  }
0x145: {  	v6 =	vadd.s32 v6, v7  }
0x146: {  	vm1 =	vgt.s32 v6, $0x0  }
0x147: {  	v6 =	vnsel vm1, $0x0, v6  }
0x148: {  	v6 =	vmin.u32 v6, $0xC3FF  }
0x149: {  	v6 =	vadd.s32 v2, v6  }
0x14a: {  	[tilespmem:$0x530] =	vst v6  }
0x14b: {  	v6 =	vld.idx.msk [tilespmem:v43+s2+$0x0], $0xffff;
	_ =	sdelay $0x1  }
0x14c: {  	v7 =	vld.idx.msk [tilespmem:v44+s2+$0x0], $0xffff;
	_ =	sdelay $0x2  }
0x14d: {  	v6 =	vmul.f32 $2.240000000e+02, v6;
	_ =	sdelay $0x1  }
0x14e: {  	v7 =	vmul.f32 $2.240000000e+02, v7;
	v8 =	vtrunc.f32 v6  }
0x14f: {  	v9 =	vcvt.f32.s32 v8;
	vm1 =	vlt.f32 v6, v8  }
0x150: {  	v8 =	vtrunc.f32 v7;
	v6 =	vsel vm1, $0xFFFFFFFF, v4  }
0x151: {  	vm1 =	vlt.f32 v7, v8;
	v6 =	vadd.s32 v9, v6;
	v9 =	vcvt.f32.s32 v8  }
0x152: {  	v7 =	vsel vm1, $0xFFFFFFFF, v4;
	v6 =	vmul.u32 $0xE0, v6  }
0x153: {  	v7 =	vadd.s32 v9, v7  }
0x154: {  	v6 =	vadd.s32 v6, v7  }
0x155: {  	vm1 =	vgt.s32 v6, $0x0  }
0x156: {  	v6 =	vnsel vm1, $0x0, v6  }
0x157: {  	v6 =	vmin.u32 v6, $0xC3FF  }
0x158: {  	v6 =	vadd.s32 v2, v6  }
0x159: {  	[tilespmem:$0x540] =	vst v6  }
0x15a: {  	v6 =	vld.idx.msk [tilespmem:v45+s2+$0x0], $0xffff;
	_ =	sdelay $0x1  }
0x15b: {  	v7 =	vld.idx.msk [tilespmem:v46+s2+$0x0], $0xffff;
	_ =	sdelay $0x2  }
0x15c: {  	v6 =	vmul.f32 $2.240000000e+02, v6;
	_ =	sdelay $0x1  }
0x15d: {  	v7 =	vmul.f32 $2.240000000e+02, v7;
	v8 =	vtrunc.f32 v6  }
0x15e: {  	v9 =	vcvt.f32.s32 v8;
	vm1 =	vlt.f32 v6, v8  }
0x15f: {  	v8 =	vtrunc.f32 v7;
	v6 =	vsel vm1, $0xFFFFFFFF, v4  }
0x160: {  	vm1 =	vlt.f32 v7, v8;
	v6 =	vadd.s32 v9, v6;
	v9 =	vcvt.f32.s32 v8  }
0x161: {  	v7 =	vsel vm1, $0xFFFFFFFF, v4;
	v6 =	vmul.u32 $0xE0, v6  }
0x162: {  	v7 =	vadd.s32 v9, v7  }
0x163: {  	v6 =	vadd.s32 v6, v7  }
0x164: {  	vm1 =	vgt.s32 v6, $0x0  }
0x165: {  	v6 =	vnsel vm1, $0x0, v6  }
0x166: {  	v6 =	vmin.u32 v6, $0xC3FF  }
0x167: {  	v6 =	vadd.s32 v2, v6  }
0x168: {  	[tilespmem:$0x550] =	vst v6  }
0x169: {  	v6 =	vld.idx.msk [tilespmem:v47+s2+$0x0], $0xffff;
	_ =	sdelay $0x1  }
0x16a: {  	v7 =	vld.idx.msk [tilespmem:v48+s2+$0x0], $0xffff;
	_ =	sdelay $0x2  }
0x16b: {  	v6 =	vmul.f32 $2.240000000e+02, v6;
	_ =	sdelay $0x1  }
0x16c: {  	v7 =	vmul.f32 $2.240000000e+02, v7;
	v8 =	vtrunc.f32 v6  }
0x16d: {  	v9 =	vcvt.f32.s32 v8;
	vm1 =	vlt.f32 v6, v8  }
0x16e: {  	v8 =	vtrunc.f32 v7;
	v6 =	vsel vm1, $0xFFFFFFFF, v4  }
0x16f: {  	vm1 =	vlt.f32 v7, v8;
	v6 =	vadd.s32 v9, v6;
	v9 =	vcvt.f32.s32 v8  }
0x170: {  	v7 =	vsel vm1, $0xFFFFFFFF, v4;
	v6 =	vmul.u32 $0xE0, v6  }
0x171: {  	v7 =	vadd.s32 v9, v7  }
0x172: {  	v6 =	vadd.s32 v6, v7  }
0x173: {  	vm1 =	vgt.s32 v6, $0x0  }
0x174: {  	v6 =	vnsel vm1, $0x0, v6  }
0x175: {  	v6 =	vmin.u32 v6, $0xC3FF  }
0x176: {  	v6 =	vadd.s32 v2, v6  }
0x177: {  	[tilespmem:$0x560] =	vst v6  }
0x178: {  	v6 =	vld.idx.msk [tilespmem:v49+s2+$0x0], $0xffff;
	_ =	sdelay $0x1  }
0x179: {  	v7 =	vld.idx.msk [tilespmem:v50+s2+$0x0], $0xffff;
	_ =	sdelay $0x2  }
0x17a: {  	v6 =	vmul.f32 $2.240000000e+02, v6;
	_ =	sdelay $0x1  }
0x17b: {  	v7 =	vmul.f32 $2.240000000e+02, v7;
	v8 =	vtrunc.f32 v6  }
0x17c: {  	v9 =	vcvt.f32.s32 v8;
	vm1 =	vlt.f32 v6, v8  }
0x17d: {  	v8 =	vtrunc.f32 v7;
	v6 =	vsel vm1, $0xFFFFFFFF, v4  }
0x17e: {  	vm1 =	vlt.f32 v7, v8;
	v6 =	vadd.s32 v9, v6;
	v9 =	vcvt.f32.s32 v8  }
0x17f: {  	v7 =	vsel vm1, $0xFFFFFFFF, v4;
	v6 =	vmul.u32 $0xE0, v6  }
0x180: {  	v7 =	vadd.s32 v9, v7  }
0x181: {  	v6 =	vadd.s32 v6, v7  }
0x182: {  	vm1 =	vgt.s32 v6, $0x0  }
0x183: {  	v6 =	vnsel vm1, $0x0, v6  }
0x184: {  	v6 =	vmin.u32 v6, $0xC3FF  }
0x185: {  	v6 =	vadd.s32 v2, v6  }
0x186: {  	[tilespmem:$0x570] =	vst v6  }
0x187: {  	v6 =	vld.idx.msk [tilespmem:v51+s2+$0x0], $0xffff;
	_ =	sdelay $0x1  }
0x188: {  	v7 =	vld.idx.msk [tilespmem:v52+s2+$0x0], $0xffff;
	_ =	sdelay $0x2  }
0x189: {  	v6 =	vmul.f32 $2.240000000e+02, v6;
	_ =	sdelay $0x1  }
0x18a: {  	v7 =	vmul.f32 $2.240000000e+02, v7;
	v8 =	vtrunc.f32 v6  }
0x18b: {  	v9 =	vcvt.f32.s32 v8;
	vm1 =	vlt.f32 v6, v8  }
0x18c: {  	v8 =	vtrunc.f32 v7;
	v6 =	vsel vm1, $0xFFFFFFFF, v4  }
0x18d: {  	vm1 =	vlt.f32 v7, v8;
	v6 =	vadd.s32 v9, v6;
	v9 =	vcvt.f32.s32 v8  }
0x18e: {  	v7 =	vsel vm1, $0xFFFFFFFF, v4;
	v6 =	vmul.u32 $0xE0, v6  }
0x18f: {  	v7 =	vadd.s32 v9, v7  }
0x190: {  	v6 =	vadd.s32 v6, v7  }
0x191: {  	vm1 =	vgt.s32 v6, $0x0  }
0x192: {  	v6 =	vnsel vm1, $0x0, v6  }
0x193: {  	v6 =	vmin.u32 v6, $0xC3FF  }
0x194: {  	v6 =	vadd.s32 v2, v6  }
0x195: {  	[tilespmem:$0x580] =	vst v6  }
0x196: {  	v6 =	vld.idx.msk [tilespmem:v53+s2+$0x0], $0xffff;
	_ =	sdelay $0x1  }
0x197: {  	v7 =	vld.idx.msk [tilespmem:v54+s2+$0x0], $0xffff;
	_ =	sdelay $0x2  }
0x198: {  	v6 =	vmul.f32 $2.240000000e+02, v6;
	_ =	sdelay $0x1  }
0x199: {  	v7 =	vmul.f32 $2.240000000e+02, v7;
	v8 =	vtrunc.f32 v6  }
0x19a: {  	v9 =	vcvt.f32.s32 v8;
	vm1 =	vlt.f32 v6, v8  }
0x19b: {  	v8 =	vtrunc.f32 v7;
	v6 =	vsel vm1, $0xFFFFFFFF, v4  }
0x19c: {  	vm1 =	vlt.f32 v7, v8;
	v6 =	vadd.s32 v9, v6;
	v9 =	vcvt.f32.s32 v8  }
0x19d: {  	v7 =	vsel vm1, $0xFFFFFFFF, v4;
	v6 =	vmul.u32 $0xE0, v6  }
0x19e: {  	v7 =	vadd.s32 v9, v7  }
0x19f: {  	v6 =	vadd.s32 v6, v7  }
0x1a0: {  	vm1 =	vgt.s32 v6, $0x0  }
0x1a1: {  	v6 =	vnsel vm1, $0x0, v6  }
0x1a2: {  	v6 =	vmin.u32 v6, $0xC3FF  }
0x1a3: {  	v6 =	vadd.s32 v2, v6  }
0x1a4: {  	[tilespmem:$0x590] =	vst v6  }
0x1a5: {  	v6 =	vld.idx.msk [tilespmem:v55+s2+$0x0], $0xffff;
	_ =	sdelay $0x1  }
0x1a6: {  	v7 =	vld.idx.msk [tilespmem:v56+s2+$0x0], $0xffff;
	_ =	sdelay $0x2  }
0x1a7: {  	v6 =	vmul.f32 $2.240000000e+02, v6;
	_ =	sdelay $0x1  }
0x1a8: {  	v7 =	vmul.f32 $2.240000000e+02, v7;
	v8 =	vtrunc.f32 v6  }
0x1a9: {  	v9 =	vcvt.f32.s32 v8;
	vm1 =	vlt.f32 v6, v8  }
0x1aa: {  	v8 =	vtrunc.f32 v7;
	v6 =	vsel vm1, $0xFFFFFFFF, v4  }
0x1ab: {  	vm1 =	vlt.f32 v7, v8;
	v6 =	vadd.s32 v9, v6;
	v9 =	vcvt.f32.s32 v8  }
0x1ac: {  	v7 =	vsel vm1, $0xFFFFFFFF, v4;
	v6 =	vmul.u32 $0xE0, v6  }
0x1ad: {  	v7 =	vadd.s32 v9, v7  }
0x1ae: {  	v6 =	vadd.s32 v6, v7  }
0x1af: {  	vm1 =	vgt.s32 v6, $0x0  }
0x1b0: {  	v6 =	vnsel vm1, $0x0, v6  }
0x1b1: {  	v6 =	vmin.u32 v6, $0xC3FF  }
0x1b2: {  	v6 =	vadd.s32 v2, v6  }
0x1b3: {  	[tilespmem:$0x5A0] =	vst v6  }
0x1b4: {  	v6 =	vld.idx.msk [tilespmem:v57+s2+$0x0], $0xffff;
	_ =	sdelay $0x1  }
0x1b5: {  	v7 =	vld.idx.msk [tilespmem:v58+s2+$0x0], $0xffff;
	_ =	sdelay $0x2  }
0x1b6: {  	v6 =	vmul.f32 $2.240000000e+02, v6;
	_ =	sdelay $0x1  }
0x1b7: {  	v7 =	vmul.f32 $2.240000000e+02, v7;
	v8 =	vtrunc.f32 v6  }
0x1b8: {  	v9 =	vcvt.f32.s32 v8;
	vm1 =	vlt.f32 v6, v8  }
0x1b9: {  	v8 =	vtrunc.f32 v7;
	v6 =	vsel vm1, $0xFFFFFFFF, v4  }
0x1ba: {  	vm1 =	vlt.f32 v7, v8;
	v6 =	vadd.s32 v9, v6;
	v9 =	vcvt.f32.s32 v8  }
0x1bb: {  	v7 =	vsel vm1, $0xFFFFFFFF, v4;
	v6 =	vmul.u32 $0xE0, v6  }
0x1bc: {  	v7 =	vadd.s32 v9, v7  }
0x1bd: {  	v6 =	vadd.s32 v6, v7  }
0x1be: {  	vm1 =	vgt.s32 v6, $0x0  }
0x1bf: {  	v6 =	vnsel vm1, $0x0, v6  }
0x1c0: {  	v6 =	vmin.u32 v6, $0xC3FF  }
0x1c1: {  	v6 =	vadd.s32 v2, v6  }
0x1c2: {  	[tilespmem:$0x5B0] =	vst v6  }
0x1c3: {  	v6 =	vld.idx.msk [tilespmem:v59+s2+$0x0], $0xffff;
	_ =	sdelay $0x1  }
0x1c4: {  	v7 =	vld.idx.msk [tilespmem:v60+s2+$0x0], $0xffff;
	_ =	sdelay $0x2  }
0x1c5: {  	v6 =	vmul.f32 $2.240000000e+02, v6;
	_ =	sdelay $0x1  }
0x1c6: {  	v7 =	vmul.f32 $2.240000000e+02, v7;
	v8 =	vtrunc.f32 v6  }
0x1c7: {  	v9 =	vcvt.f32.s32 v8;
	vm1 =	vlt.f32 v6, v8  }
0x1c8: {  	v8 =	vtrunc.f32 v7;
	v6 =	vsel vm1, $0xFFFFFFFF, v4  }
0x1c9: {  	vm1 =	vlt.f32 v7, v8;
	v6 =	vadd.s32 v9, v6;
	v9 =	vcvt.f32.s32 v8  }
0x1ca: {  	v7 =	vsel vm1, $0xFFFFFFFF, v4;
	v6 =	vmul.u32 $0xE0, v6  }
0x1cb: {  	v7 =	vadd.s32 v9, v7  }
0x1cc: {  	v6 =	vadd.s32 v6, v7  }
0x1cd: {  	vm1 =	vgt.s32 v6, $0x0  }
0x1ce: {  	v6 =	vnsel vm1, $0x0, v6  }
0x1cf: {  	v6 =	vmin.u32 v6, $0xC3FF  }
0x1d0: {  	v6 =	vadd.s32 v2, v6  }
0x1d1: {  	[tilespmem:$0x5C0] =	vst v6  }
0x1d2: {  	v6 =	vld.idx.msk [tilespmem:v61+s2+$0x0], $0xffff;
	_ =	sdelay $0x1  }
0x1d3: {  	v7 =	vld.idx.msk [tilespmem:v62+s2+$0x0], $0xffff;
	_ =	sdelay $0x2  }
0x1d4: {  	v6 =	vmul.f32 $2.240000000e+02, v6;
	_ =	sdelay $0x1  }
0x1d5: {  	v7 =	vmul.f32 $2.240000000e+02, v7;
	v8 =	vtrunc.f32 v6  }
0x1d6: {  	v9 =	vcvt.f32.s32 v8;
	vm1 =	vlt.f32 v6, v8  }
0x1d7: {  	v8 =	vtrunc.f32 v7;
	v6 =	vsel vm1, $0xFFFFFFFF, v4  }
0x1d8: {  	vm1 =	vlt.f32 v7, v8;
	v6 =	vadd.s32 v9, v6;
	v9 =	vcvt.f32.s32 v8  }
0x1d9: {  	v7 =	vsel vm1, $0xFFFFFFFF, v4;
	v6 =	vmul.u32 $0xE0, v6  }
0x1da: {  	v7 =	vadd.s32 v9, v7  }
0x1db: {  	v6 =	vadd.s32 v6, v7  }
0x1dc: {  	vm1 =	vgt.s32 v6, $0x0  }
0x1dd: {  	v6 =	vnsel vm1, $0x0, v6  }
0x1de: {  	v7 =	vor.u32 $0x3C1, v1;
	v6 =	vmin.u32 v6, $0xC3FF  }
0x1df: {  	v6 =	vadd.s32 v2, v6  }
0x1e0: {  	[tilespmem:$0x5D0] =	vst v6  }
0x1e1: {  	v6 =	vld.idx.msk [tilespmem:v63+s2+$0x0], $0xffff;
	_ =	sdelay $0x1  }
0x1e2: {  	v7 =	vld.idx.msk [tilespmem:v7+s2+$0x0], $0xffff;
	_ =	sdelay $0x2  }
0x1e3: {  	v6 =	vmul.f32 $2.240000000e+02, v6;
	_ =	sdelay $0x1  }
0x1e4: {  	v7 =	vmul.f32 $2.240000000e+02, v7;
	v8 =	vtrunc.f32 v6  }
0x1e5: {  	v9 =	vcvt.f32.s32 v8;
	vm1 =	vlt.f32 v6, v8  }
0x1e6: {  	v8 =	vtrunc.f32 v7;
	v6 =	vsel vm1, $0xFFFFFFFF, v4  }
0x1e7: {  	vm1 =	vlt.f32 v7, v8;
	v6 =	vadd.s32 v9, v6;
	v9 =	vcvt.f32.s32 v8  }
0x1e8: {  	v7 =	vsel vm1, $0xFFFFFFFF, v4;
	v6 =	vmul.u32 $0xE0, v6  }
0x1e9: {  	v7 =	vadd.s32 v9, v7  }
0x1ea: {  	v6 =	vadd.s32 v6, v7  }
0x1eb: {  	v7 =	vor.u32 $0x3E0, v1;
	vm1 =	vgt.s32 v6, $0x0  }
0x1ec: {  	v8 =	vor.u32 $0x3E1, v1;
	v6 =	vnsel vm1, $0x0, v6  }
0x1ed: {  	v6 =	vmin.u32 v6, $0xC3FF  }
0x1ee: {  	v6 =	vadd.s32 v2, v6  }
0x1ef: {  	[tilespmem:$0x5E0] =	vst v6  }
0x1f0: {  	v6 =	vld.idx.msk [tilespmem:v7+s2+$0x0], $0xffff  }
0x1f1: {  	v7 =	vld.idx.msk [tilespmem:v8+s2+$0x0], $0xffff;
	_ =	sdelay $0x3  }
0x1f2: {  	v6 =	vmul.f32 $2.240000000e+02, v6  }
0x1f3: {  	v5 =	vshll.u32 v5, $0x1;
	v7 =	vmul.f32 $2.240000000e+02, v7  }
0x1f4: {  	v3 =	vand.u32 $0x7, v3;
	v5 =	vand.u32 $0x7FFFFFF0, v5;
	v8 =	vtrunc.f32 v6  }
0x1f5: {  	v9 =	vcvt.f32.s32 v8;
	vm1 =	vlt.f32 v6, v8;
	v8 =	vtrunc.f32 v7  }
0x1f6: {  	v6 =	vsel vm1, $0xFFFFFFFF, v4;
	vm1 =	vlt.f32 v7, v8;
	v7 =	vcvt.f32.s32 v8  }
0x1f7: {  	v6 =	vadd.s32 v9, v6;
	v8 =	vsel vm1, $0xFFFFFFFF, v4;
	v9 =	vor.u32 v3, v5  }
0x1f8: {  	v3 =	vand.u32 $0x7, v0;
	v5 =	vshrl.u32 v0, $0x3;
	v6 =	vmul.u32 $0xE0, v6  }
0x1f9: {  	v7 =	vadd.s32 v7, v8;
	v8 =	vperm.xlane v9, v3;
	v5 =	vmul.u32 $0x8, v5  }
0x1fa: {  	v7 =	vadd.s32 v6, v7;
	v6 =	vor.u32 $0x8, v0  }
0x1fb: {  	v8 =	vadd.s32 v5, v8;
	vm1 =	vgt.s32 v7, $0x0;
	v9 =	vperm.xlane v9, v6  }
0x1fc: {  	v7 =	vnsel vm1, $0x0, v7  }
0x1fd: {  	v7 =	vmin.u32 v7, $0xC3FF;
	v9 =	vadd.s32 v5, v9  }
0x1fe: {  	v7 =	vadd.s32 v2, v7  }
0x1ff: {  	s0 =	simm.s32 $0x600;
	[tilespmem:$0x5F0] =	vst v7  }
0x200: {  	[tilespmem:s0], [sflag:$0x1] =	stream.indirect_vreg.gather [hbm4b:s3+s2], $0x80, v8, vm0, $0xb8;
	[tilespmem:$0x10600] =	vst v63  }
0x201: {  	_ = 	snop  }
0x202: {  	[tilespmem:s14], [sflag:$0x1] =	stream.indirect_vreg.gather [hbm4b:s3+s2], $0x80, v9, vm0, $0xb8;
	[tilespmem:$0x10600] =	vst v63  }
0x203: {  	v7 =	vld [tilespmem:$0x410];
	_ =	sdelay $0x4  }
0x204: {  	v8 =	vshll.u32 v7, $0x1  }
0x205: {  	v7 =	vand.u32 $0x7, v7;
	v8 =	vand.u32 $0xFFFFFFF0, v8  }
0x206: {  	v7 =	vor.u32 v7, v8  }
0x207: {  	v8 =	vperm.xlane v7, v3;
	_ =	sdelay $0x1  }
0x208: {  	v7 =	vperm.xlane v7, v6;
	v8 =	vadd.s32 v5, v8;
	_ =	sdelay $0x1  }
0x209: {  	v7 =	vadd.s32 v5, v7;
	_ =	sdelay $0x2  }
0x20a: {  	[tilespmem:s15], [sflag:$0x1] =	stream.indirect_vreg.gather [hbm4b:s3+s2], $0x80, v8, vm0, $0xb8;
	[tilespmem:$0x10600] =	vst v63  }
0x20b: {  	_ = 	snop  }
0x20c: {  	[tilespmem:s16], [sflag:$0x1] =	stream.indirect_vreg.gather [hbm4b:s3+s2], $0x80, v7, vm0, $0xb8;
	[tilespmem:$0x10600] =	vst v63  }
0x20d: {  	v7 =	vld [tilespmem:$0x420];
	_ =	sdelay $0x4  }
0x20e: {  	v8 =	vshll.u32 v7, $0x1  }
0x20f: {  	v7 =	vand.u32 $0x7, v7;
	v8 =	vand.u32 $0xFFFFFFF0, v8  }
0x210: {  	v7 =	vor.u32 v7, v8  }
0x211: {  	v8 =	vperm.xlane v7, v3;
	_ =	sdelay $0x1  }
0x212: {  	v7 =	vperm.xlane v7, v6;
	v8 =	vadd.s32 v5, v8;
	_ =	sdelay $0x1  }
0x213: {  	v7 =	vadd.s32 v5, v7;
	_ =	sdelay $0x2  }
0x214: {  	[tilespmem:s17], [sflag:$0x1] =	stream.indirect_vreg.gather [hbm4b:s3+s2], $0x80, v8, vm0, $0xb8;
	[tilespmem:$0x10600] =	vst v63  }
0x215: {  	_ = 	snop  }
0x216: {  	[tilespmem:s18], [sflag:$0x1] =	stream.indirect_vreg.gather [hbm4b:s3+s2], $0x80, v7, vm0, $0xb8;
	[tilespmem:$0x10600] =	vst v63  }
0x217: {  	v7 =	vld [tilespmem:$0x430];
	_ =	sdelay $0x4  }
0x218: {  	v8 =	vshll.u32 v7, $0x1  }
0x219: {  	v7 =	vand.u32 $0x7, v7;
	v8 =	vand.u32 $0xFFFFFFF0, v8  }
0x21a: {  	v7 =	vor.u32 v7, v8  }
0x21b: {  	v8 =	vperm.xlane v7, v3;
	_ =	sdelay $0x1  }
0x21c: {  	v7 =	vperm.xlane v7, v6;
	v8 =	vadd.s32 v5, v8;
	_ =	sdelay $0x1  }
0x21d: {  	v7 =	vadd.s32 v5, v7;
	_ =	sdelay $0x2  }
0x21e: {  	[tilespmem:s19], [sflag:$0x1] =	stream.indirect_vreg.gather [hbm4b:s3+s2], $0x80, v8, vm0, $0xb8;
	[tilespmem:$0x10600] =	vst v63  }
0x21f: {  	_ = 	snop  }
0x220: {  	[tilespmem:s20], [sflag:$0x1] =	stream.indirect_vreg.gather [hbm4b:s3+s2], $0x80, v7, vm0, $0xb8;
	[tilespmem:$0x10600] =	vst v63  }
0x221: {  	v7 =	vld [tilespmem:$0x440];
	_ =	sdelay $0x4  }
0x222: {  	v8 =	vshll.u32 v7, $0x1  }
0x223: {  	v7 =	vand.u32 $0x7, v7;
	v8 =	vand.u32 $0xFFFFFFF0, v8  }
0x224: {  	v7 =	vor.u32 v7, v8  }
0x225: {  	v8 =	vperm.xlane v7, v3;
	_ =	sdelay $0x1  }
0x226: {  	v7 =	vperm.xlane v7, v6;
	v8 =	vadd.s32 v5, v8;
	_ =	sdelay $0x1  }
0x227: {  	v7 =	vadd.s32 v5, v7;
	_ =	sdelay $0x2  }
0x228: {  	[tilespmem:s21], [sflag:$0x1] =	stream.indirect_vreg.gather [hbm4b:s3+s2], $0x80, v8, vm0, $0xb8;
	[tilespmem:$0x10600] =	vst v63  }
0x229: {  	_ = 	snop  }
0x22a: {  	[tilespmem:s23], [sflag:$0x1] =	stream.indirect_vreg.gather [hbm4b:s3+s2], $0x80, v7, vm0, $0xb8;
	[tilespmem:$0x10600] =	vst v63  }
0x22b: {  	v7 =	vld [tilespmem:$0x450];
	_ =	sdelay $0x4  }
0x22c: {  	v8 =	vshll.u32 v7, $0x1  }
0x22d: {  	v7 =	vand.u32 $0x7, v7;
	v8 =	vand.u32 $0xFFFFFFF0, v8  }
0x22e: {  	v7 =	vor.u32 v7, v8  }
0x22f: {  	v8 =	vperm.xlane v7, v3;
	_ =	sdelay $0x1  }
0x230: {  	v7 =	vperm.xlane v7, v6;
	v8 =	vadd.s32 v5, v8;
	_ =	sdelay $0x1  }
0x231: {  	v7 =	vadd.s32 v5, v7;
	_ =	sdelay $0x2  }
0x232: {  	[tilespmem:s24], [sflag:$0x1] =	stream.indirect_vreg.gather [hbm4b:s3+s2], $0x80, v8, vm0, $0xb8;
	[tilespmem:$0x10600] =	vst v63  }
0x233: {  	_ = 	snop  }
0x234: {  	[tilespmem:s25], [sflag:$0x1] =	stream.indirect_vreg.gather [hbm4b:s3+s2], $0x80, v7, vm0, $0xb8;
	[tilespmem:$0x10600] =	vst v63  }
0x235: {  	v7 =	vld [tilespmem:$0x460];
	_ =	sdelay $0x4  }
0x236: {  	v8 =	vshll.u32 v7, $0x1  }
0x237: {  	v7 =	vand.u32 $0x7, v7;
	v8 =	vand.u32 $0xFFFFFFF0, v8  }
0x238: {  	v7 =	vor.u32 v7, v8  }
0x239: {  	v8 =	vperm.xlane v7, v3;
	_ =	sdelay $0x1  }
0x23a: {  	v7 =	vperm.xlane v7, v6;
	v8 =	vadd.s32 v5, v8;
	_ =	sdelay $0x1  }
0x23b: {  	v7 =	vadd.s32 v5, v7;
	_ =	sdelay $0x2  }
0x23c: {  	[tilespmem:s26], [sflag:$0x1] =	stream.indirect_vreg.gather [hbm4b:s3+s2], $0x80, v8, vm0, $0xb8;
	[tilespmem:$0x10600] =	vst v63  }
0x23d: {  	_ = 	snop  }
0x23e: {  	[tilespmem:s28], [sflag:$0x1] =	stream.indirect_vreg.gather [hbm4b:s3+s2], $0x80, v7, vm0, $0xb8;
	[tilespmem:$0x10600] =	vst v63  }
0x23f: {  	v7 =	vld [tilespmem:$0x470];
	_ =	sdelay $0x4  }
0x240: {  	v8 =	vshll.u32 v7, $0x1  }
0x241: {  	v7 =	vand.u32 $0x7, v7;
	v8 =	vand.u32 $0xFFFFFFF0, v8  }
0x242: {  	v7 =	vor.u32 v7, v8  }
0x243: {  	v8 =	vperm.xlane v7, v3;
	_ =	sdelay $0x1  }
0x244: {  	v7 =	vperm.xlane v7, v6;
	v8 =	vadd.s32 v5, v8;
	_ =	sdelay $0x1  }
0x245: {  	v7 =	vadd.s32 v5, v7;
	_ =	sdelay $0x2  }
0x246: {  	[tilespmem:s29], [sflag:$0x1] =	stream.indirect_vreg.gather [hbm4b:s3+s2], $0x80, v8, vm0, $0xb8;
	[tilespmem:$0x10600] =	vst v63  }
0x247: {  	_ = 	snop  }
0x248: {  	[tilespmem:s30], [sflag:$0x1] =	stream.indirect_vreg.gather [hbm4b:s3+s2], $0x80, v7, vm0, $0xb8;
	[tilespmem:$0x10600] =	vst v63  }
0x249: {  	v7 =	vld [tilespmem:$0x480];
	_ =	sdelay $0x4  }
0x24a: {  	v8 =	vshll.u32 v7, $0x1  }
0x24b: {  	v7 =	vand.u32 $0x7, v7;
	v8 =	vand.u32 $0xFFFFFFF0, v8  }
0x24c: {  	v7 =	vor.u32 v7, v8  }
0x24d: {  	v8 =	vperm.xlane v7, v3;
	_ =	sdelay $0x1  }
0x24e: {  	v7 =	vperm.xlane v7, v6;
	v8 =	vadd.s32 v5, v8;
	_ =	sdelay $0x1  }
0x24f: {  	v7 =	vadd.s32 v5, v7;
	_ =	sdelay $0x2  }
0x250: {  	[tilespmem:s12], [sflag:$0x1] =	stream.indirect_vreg.gather [hbm4b:s3+s2], $0x80, v8, vm0, $0xb8;
	[tilespmem:$0x10600] =	vst v63  }
0x251: {  	_ = 	snop  }
0x252: {  	[tilespmem:s31], [sflag:$0x1] =	stream.indirect_vreg.gather [hbm4b:s3+s2], $0x80, v7, vm0, $0xb8;
	[tilespmem:$0x10600] =	vst v63  }
0x253: {  	v7 =	vld [tilespmem:$0x490];
	_ =	sdelay $0x4  }
0x254: {  	v8 =	vshll.u32 v7, $0x1  }
0x255: {  	v7 =	vand.u32 $0x7, v7;
	v8 =	vand.u32 $0xFFFFFFF0, v8  }
0x256: {  	v7 =	vor.u32 v7, v8  }
0x257: {  	v8 =	vperm.xlane v7, v3;
	_ =	sdelay $0x1  }
0x258: {  	v7 =	vperm.xlane v7, v6;
	v8 =	vadd.s32 v5, v8;
	_ =	sdelay $0x1  }
0x259: {  	v7 =	vadd.s32 v5, v7;
	_ =	sdelay $0x1  }
0x25a: {  	s13 =	simm.s32 $0x9600  }
0x25b: {  	[tilespmem:s13], [sflag:$0x1] =	stream.indirect_vreg.gather [hbm4b:s3+s2], $0x80, v8, vm0, $0xb8;
	[tilespmem:$0x10600] =	vst v63  }
0x25c: {  	s13 =	simm.s32 $0x9E00  }
0x25d: {  	[tilespmem:s13], [sflag:$0x1] =	stream.indirect_vreg.gather [hbm4b:s3+s2], $0x80, v7, vm0, $0xb8;
	[tilespmem:$0x10600] =	vst v63  }
0x25e: {  	v7 =	vld [tilespmem:$0x4A0];
	_ =	sdelay $0x4  }
0x25f: {  	v8 =	vshll.u32 v7, $0x1  }
0x260: {  	v7 =	vand.u32 $0x7, v7;
	v8 =	vand.u32 $0xFFFFFFF0, v8  }
0x261: {  	v7 =	vor.u32 v7, v8  }
0x262: {  	v8 =	vperm.xlane v7, v3;
	_ =	sdelay $0x1  }
0x263: {  	v7 =	vperm.xlane v7, v6;
	v8 =	vadd.s32 v5, v8;
	_ =	sdelay $0x1  }
0x264: {  	v7 =	vadd.s32 v5, v7;
	_ =	sdelay $0x2  }
0x265: {  	[tilespmem:s7], [sflag:$0x1] =	stream.indirect_vreg.gather [hbm4b:s3+s2], $0x80, v8, vm0, $0xb8;
	[tilespmem:$0x10600] =	vst v63  }
0x266: {  	_ = 	snop  }
0x267: {  	[tilespmem:s8], [sflag:$0x1] =	stream.indirect_vreg.gather [hbm4b:s3+s2], $0x80, v7, vm0, $0xb8;
	[tilespmem:$0x10600] =	vst v63  }
0x268: {  	v7 =	vld [tilespmem:$0x4B0];
	_ =	sdelay $0x4  }
0x269: {  	v8 =	vshll.u32 v7, $0x1  }
0x26a: {  	v7 =	vand.u32 $0x7, v7;
	v8 =	vand.u32 $0xFFFFFFF0, v8  }
0x26b: {  	v7 =	vor.u32 v7, v8  }
0x26c: {  	v8 =	vperm.xlane v7, v3;
	_ =	sdelay $0x1  }
0x26d: {  	v7 =	vperm.xlane v7, v6;
	v8 =	vadd.s32 v5, v8;
	_ =	sdelay $0x1  }
0x26e: {  	v7 =	vadd.s32 v5, v7;
	_ =	sdelay $0x2  }
0x26f: {  	[tilespmem:s9], [sflag:$0x1] =	stream.indirect_vreg.gather [hbm4b:s3+s2], $0x80, v8, vm0, $0xb8;
	[tilespmem:$0x10600] =	vst v63  }
0x270: {  	_ = 	snop  }
0x271: {  	[tilespmem:s10], [sflag:$0x1] =	stream.indirect_vreg.gather [hbm4b:s3+s2], $0x80, v7, vm0, $0xb8;
	[tilespmem:$0x10600] =	vst v63  }
0x272: {  	v7 =	vld [tilespmem:$0x4C0];
	_ =	sdelay $0x4  }
0x273: {  	v8 =	vshll.u32 v7, $0x1  }
0x274: {  	v7 =	vand.u32 $0x7, v7;
	v8 =	vand.u32 $0xFFFFFFF0, v8  }
0x275: {  	v7 =	vor.u32 v7, v8  }
0x276: {  	v8 =	vperm.xlane v7, v3;
	_ =	sdelay $0x1  }
0x277: {  	v7 =	vperm.xlane v7, v6;
	v8 =	vadd.s32 v5, v8;
	_ =	sdelay $0x1  }
0x278: {  	v7 =	vadd.s32 v5, v7;
	_ =	sdelay $0x2  }
0x279: {  	[tilespmem:s11], [sflag:$0x1] =	stream.indirect_vreg.gather [hbm4b:s3+s2], $0x80, v8, vm0, $0xb8;
	[tilespmem:$0x10600] =	vst v63  }
0x27a: {  	_ = 	snop  }
0x27b: {  	[tilespmem:s6], [sflag:$0x1] =	stream.indirect_vreg.gather [hbm4b:s3+s2], $0x80, v7, vm0, $0xb8;
	[tilespmem:$0x10600] =	vst v63  }
0x27c: {  	v7 =	vld [tilespmem:$0x4D0];
	_ =	sdelay $0x4  }
0x27d: {  	v8 =	vshll.u32 v7, $0x1  }
0x27e: {  	v7 =	vand.u32 $0x7, v7;
	v8 =	vand.u32 $0xFFFFFFF0, v8  }
0x27f: {  	v7 =	vor.u32 v7, v8  }
0x280: {  	v8 =	vperm.xlane v7, v3;
	_ =	sdelay $0x1  }
0x281: {  	v7 =	vperm.xlane v7, v6;
	v8 =	vadd.s32 v5, v8;
	_ =	sdelay $0x1  }
0x282: {  	v7 =	vadd.s32 v5, v7;
	_ =	sdelay $0x1  }
0x283: {  	s13 =	simm.s32 $0xD600  }
0x284: {  	[tilespmem:s13], [sflag:$0x1] =	stream.indirect_vreg.gather [hbm4b:s3+s2], $0x80, v8, vm0, $0xb8;
	[tilespmem:$0x10600] =	vst v63  }
0x285: {  	_ = 	snop  }
0x286: {  	[tilespmem:s22], [sflag:$0x1] =	stream.indirect_vreg.gather [hbm4b:s3+s2], $0x80, v7, vm0, $0xb8;
	[tilespmem:$0x10600] =	vst v63  }
0x287: {  	v7 =	vld [tilespmem:$0x4E0];
	_ =	sdelay $0x4  }
0x288: {  	v8 =	vshll.u32 v7, $0x1  }
0x289: {  	v7 =	vand.u32 $0x7, v7;
	v8 =	vand.u32 $0xFFFFFFF0, v8  }
0x28a: {  	v7 =	vor.u32 v7, v8  }
0x28b: {  	v8 =	vperm.xlane v7, v3;
	_ =	sdelay $0x1  }
0x28c: {  	v7 =	vperm.xlane v7, v6;
	v8 =	vadd.s32 v5, v8;
	_ =	sdelay $0x1  }
0x28d: {  	v7 =	vadd.s32 v5, v7;
	_ =	sdelay $0x1  }
0x28e: {  	s13 =	simm.s32 $0xE600  }
0x28f: {  	[tilespmem:s13], [sflag:$0x1] =	stream.indirect_vreg.gather [hbm4b:s3+s2], $0x80, v8, vm0, $0xb8;
	[tilespmem:$0x10600] =	vst v63  }
0x290: {  	s13 =	simm.s32 $0xEE00  }
0x291: {  	[tilespmem:s13], [sflag:$0x1] =	stream.indirect_vreg.gather [hbm4b:s3+s2], $0x80, v7, vm0, $0xb8;
	[tilespmem:$0x10600] =	vst v63  }
0x292: {  	v7 =	vld [tilespmem:$0x4F0];
	_ =	sdelay $0x4  }
0x293: {  	v8 =	vshll.u32 v7, $0x1  }
0x294: {  	v7 =	vand.u32 $0x7, v7;
	v8 =	vand.u32 $0xFFFFFFF0, v8  }
0x295: {  	v7 =	vor.u32 v7, v8  }
0x296: {  	v8 =	vperm.xlane v7, v3;
	_ =	sdelay $0x1  }
0x297: {  	v7 =	vperm.xlane v7, v6;
	v8 =	vadd.s32 v5, v8;
	_ =	sdelay $0x1  }
0x298: {  	v7 =	vadd.s32 v5, v7;
	_ =	sdelay $0x1  }
0x299: {  	s13 =	simm.s32 $0xF600  }
0x29a: {  	[tilespmem:s13], [sflag:$0x1] =	stream.indirect_vreg.gather [hbm4b:s3+s2], $0x80, v8, vm0, $0xb8;
	[tilespmem:$0x10600] =	vst v63  }
0x29b: {  	s13 =	simm.s32 $0xFE00  }
0x29c: {  	[tilespmem:s13], [sflag:$0x1] =	stream.indirect_vreg.gather [hbm4b:s3+s2], $0x80, v7, vm0, $0xb8;
	[tilespmem:$0x10600] =	vst v63  }
0x29d: {  	_ =	swait.ge [sflag:s1], $0x8000  }
0x29e: {  	[sflag:s1] =	ssyncset.done $0x0  }
0x29f: {  	s0 =	simm.s32 $0x600;
	s13 =	rddreg [dreg:$0x4];
	[sflag:s1] =	ssyncadd.s32 $0xFFFF8000  }
0x2a0: {  	[hbm4b:s13+s2] =	stream.linear.scatter [tilespmem:s0], [sflag:$0x2], $0x8000, $0x38;
	[tilespmem:$0x10600] =	vst v63  }
0x2a1: {  	_ =	swait.ge [sflag:s4], $0x8000  }
0x2a2: {  	[sflag:s4] =	ssyncset.done $0x0  }
0x2a3: {  	[sflag:s4] =	ssyncadd.s32 $0xFFFF8000  }
0x2a4: {  	v7 =	vld [tilespmem:$0x500];
	_ =	sdelay $0x4  }
0x2a5: {  	v8 =	vshll.u32 v7, $0x1  }
0x2a6: {  	v7 =	vand.u32 $0x7, v7;
	v8 =	vand.u32 $0xFFFFFFF0, v8  }
0x2a7: {  	v7 =	vor.u32 v7, v8  }
0x2a8: {  	v8 =	vperm.xlane v7, v3;
	_ =	sdelay $0x1  }
0x2a9: {  	v7 =	vperm.xlane v7, v6;
	v8 =	vadd.s32 v5, v8;
	_ =	sdelay $0x1  }
0x2aa: {  	v7 =	vadd.s32 v5, v7;
	_ =	sdelay $0x2  }
0x2ab: {  	[tilespmem:s0], [sflag:$0x1] =	stream.indirect_vreg.gather [hbm4b:s3+s2], $0x80, v8, vm0, $0xb8;
	[tilespmem:$0x10600] =	vst v63  }
0x2ac: {  	_ = 	snop  }
0x2ad: {  	[tilespmem:s14], [sflag:$0x1] =	stream.indirect_vreg.gather [hbm4b:s3+s2], $0x80, v7, vm0, $0xb8;
	[tilespmem:$0x10600] =	vst v63  }
0x2ae: {  	v7 =	vld [tilespmem:$0x510];
	_ =	sdelay $0x4  }
0x2af: {  	v8 =	vshll.u32 v7, $0x1  }
0x2b0: {  	v7 =	vand.u32 $0x7, v7;
	v8 =	vand.u32 $0xFFFFFFF0, v8  }
0x2b1: {  	v7 =	vor.u32 v7, v8  }
0x2b2: {  	v8 =	vperm.xlane v7, v3;
	_ =	sdelay $0x1  }
0x2b3: {  	v7 =	vperm.xlane v7, v6;
	v8 =	vadd.s32 v5, v8;
	_ =	sdelay $0x1  }
0x2b4: {  	v7 =	vadd.s32 v5, v7;
	_ =	sdelay $0x2  }
0x2b5: {  	[tilespmem:s15], [sflag:$0x1] =	stream.indirect_vreg.gather [hbm4b:s3+s2], $0x80, v8, vm0, $0xb8;
	[tilespmem:$0x10600] =	vst v63  }
0x2b6: {  	_ = 	snop  }
0x2b7: {  	[tilespmem:s16], [sflag:$0x1] =	stream.indirect_vreg.gather [hbm4b:s3+s2], $0x80, v7, vm0, $0xb8;
	[tilespmem:$0x10600] =	vst v63  }
0x2b8: {  	v7 =	vld [tilespmem:$0x520];
	_ =	sdelay $0x4  }
0x2b9: {  	v8 =	vshll.u32 v7, $0x1  }
0x2ba: {  	v7 =	vand.u32 $0x7, v7;
	v8 =	vand.u32 $0xFFFFFFF0, v8  }
0x2bb: {  	v7 =	vor.u32 v7, v8  }
0x2bc: {  	v8 =	vperm.xlane v7, v3;
	_ =	sdelay $0x1  }
0x2bd: {  	v7 =	vperm.xlane v7, v6;
	v8 =	vadd.s32 v5, v8;
	_ =	sdelay $0x1  }
0x2be: {  	v7 =	vadd.s32 v5, v7;
	_ =	sdelay $0x2  }
0x2bf: {  	[tilespmem:s17], [sflag:$0x1] =	stream.indirect_vreg.gather [hbm4b:s3+s2], $0x80, v8, vm0, $0xb8;
	[tilespmem:$0x10600] =	vst v63  }
0x2c0: {  	_ = 	snop  }
0x2c1: {  	[tilespmem:s18], [sflag:$0x1] =	stream.indirect_vreg.gather [hbm4b:s3+s2], $0x80, v7, vm0, $0xb8;
	[tilespmem:$0x10600] =	vst v63  }
0x2c2: {  	v7 =	vld [tilespmem:$0x530];
	_ =	sdelay $0x4  }
0x2c3: {  	v8 =	vshll.u32 v7, $0x1  }
0x2c4: {  	v7 =	vand.u32 $0x7, v7;
	v8 =	vand.u32 $0xFFFFFFF0, v8  }
0x2c5: {  	v7 =	vor.u32 v7, v8  }
0x2c6: {  	v8 =	vperm.xlane v7, v3;
	_ =	sdelay $0x1  }
0x2c7: {  	v7 =	vperm.xlane v7, v6;
	v8 =	vadd.s32 v5, v8;
	_ =	sdelay $0x1  }
0x2c8: {  	v7 =	vadd.s32 v5, v7;
	_ =	sdelay $0x2  }
0x2c9: {  	[tilespmem:s19], [sflag:$0x1] =	stream.indirect_vreg.gather [hbm4b:s3+s2], $0x80, v8, vm0, $0xb8;
	[tilespmem:$0x10600] =	vst v63  }
0x2ca: {  	_ = 	snop  }
0x2cb: {  	[tilespmem:s20], [sflag:$0x1] =	stream.indirect_vreg.gather [hbm4b:s3+s2], $0x80, v7, vm0, $0xb8;
	[tilespmem:$0x10600] =	vst v63  }
0x2cc: {  	v7 =	vld [tilespmem:$0x540];
	_ =	sdelay $0x4  }
0x2cd: {  	v8 =	vshll.u32 v7, $0x1  }
0x2ce: {  	v7 =	vand.u32 $0x7, v7;
	v8 =	vand.u32 $0xFFFFFFF0, v8  }
0x2cf: {  	v7 =	vor.u32 v7, v8  }
0x2d0: {  	v8 =	vperm.xlane v7, v3;
	_ =	sdelay $0x1  }
0x2d1: {  	v7 =	vperm.xlane v7, v6;
	v8 =	vadd.s32 v5, v8;
	_ =	sdelay $0x1  }
0x2d2: {  	v7 =	vadd.s32 v5, v7;
	_ =	sdelay $0x2  }
0x2d3: {  	[tilespmem:s21], [sflag:$0x1] =	stream.indirect_vreg.gather [hbm4b:s3+s2], $0x80, v8, vm0, $0xb8;
	[tilespmem:$0x10600] =	vst v63  }
0x2d4: {  	_ = 	snop  }
0x2d5: {  	[tilespmem:s23], [sflag:$0x1] =	stream.indirect_vreg.gather [hbm4b:s3+s2], $0x80, v7, vm0, $0xb8;
	[tilespmem:$0x10600] =	vst v63  }
0x2d6: {  	v7 =	vld [tilespmem:$0x550];
	_ =	sdelay $0x4  }
0x2d7: {  	v8 =	vshll.u32 v7, $0x1  }
0x2d8: {  	v7 =	vand.u32 $0x7, v7;
	v8 =	vand.u32 $0xFFFFFFF0, v8  }
0x2d9: {  	v7 =	vor.u32 v7, v8  }
0x2da: {  	v8 =	vperm.xlane v7, v3;
	_ =	sdelay $0x1  }
0x2db: {  	v7 =	vperm.xlane v7, v6;
	v8 =	vadd.s32 v5, v8;
	_ =	sdelay $0x1  }
0x2dc: {  	v7 =	vadd.s32 v5, v7;
	_ =	sdelay $0x2  }
0x2dd: {  	[tilespmem:s24], [sflag:$0x1] =	stream.indirect_vreg.gather [hbm4b:s3+s2], $0x80, v8, vm0, $0xb8;
	[tilespmem:$0x10600] =	vst v63  }
0x2de: {  	_ = 	snop  }
0x2df: {  	[tilespmem:s25], [sflag:$0x1] =	stream.indirect_vreg.gather [hbm4b:s3+s2], $0x80, v7, vm0, $0xb8;
	[tilespmem:$0x10600] =	vst v63  }
0x2e0: {  	v7 =	vld [tilespmem:$0x560];
	_ =	sdelay $0x4  }
0x2e1: {  	v8 =	vshll.u32 v7, $0x1  }
0x2e2: {  	v7 =	vand.u32 $0x7, v7;
	v8 =	vand.u32 $0xFFFFFFF0, v8  }
0x2e3: {  	v7 =	vor.u32 v7, v8  }
0x2e4: {  	v8 =	vperm.xlane v7, v3;
	_ =	sdelay $0x1  }
0x2e5: {  	v7 =	vperm.xlane v7, v6;
	v8 =	vadd.s32 v5, v8;
	_ =	sdelay $0x1  }
0x2e6: {  	v7 =	vadd.s32 v5, v7;
	_ =	sdelay $0x2  }
0x2e7: {  	[tilespmem:s26], [sflag:$0x1] =	stream.indirect_vreg.gather [hbm4b:s3+s2], $0x80, v8, vm0, $0xb8;
	[tilespmem:$0x10600] =	vst v63  }
0x2e8: {  	_ = 	snop  }
0x2e9: {  	[tilespmem:s28], [sflag:$0x1] =	stream.indirect_vreg.gather [hbm4b:s3+s2], $0x80, v7, vm0, $0xb8;
	[tilespmem:$0x10600] =	vst v63  }
0x2ea: {  	v7 =	vld [tilespmem:$0x570];
	_ =	sdelay $0x4  }
0x2eb: {  	v8 =	vshll.u32 v7, $0x1  }
0x2ec: {  	v7 =	vand.u32 $0x7, v7;
	v8 =	vand.u32 $0xFFFFFFF0, v8  }
0x2ed: {  	v7 =	vor.u32 v7, v8  }
0x2ee: {  	v8 =	vperm.xlane v7, v3;
	_ =	sdelay $0x1  }
0x2ef: {  	v7 =	vperm.xlane v7, v6;
	v8 =	vadd.s32 v5, v8;
	_ =	sdelay $0x1  }
0x2f0: {  	v7 =	vadd.s32 v5, v7;
	_ =	sdelay $0x2  }
0x2f1: {  	[tilespmem:s29], [sflag:$0x1] =	stream.indirect_vreg.gather [hbm4b:s3+s2], $0x80, v8, vm0, $0xb8;
	[tilespmem:$0x10600] =	vst v63  }
0x2f2: {  	_ = 	snop  }
0x2f3: {  	[tilespmem:s30], [sflag:$0x1] =	stream.indirect_vreg.gather [hbm4b:s3+s2], $0x80, v7, vm0, $0xb8;
	[tilespmem:$0x10600] =	vst v63  }
0x2f4: {  	_ =	swait.ge [sflag:s1], $0x8000  }
0x2f5: {  	[sflag:s1] =	ssyncset.done $0x0  }
0x2f6: {  	s0 =	rddreg [dreg:$0x5];
	[sflag:s1] =	ssyncadd.s32 $0xFFFF8000  }
0x2f7: {  	[hbm4b:s0+s2] =	stream.linear.scatter [tilespmem:s12], [sflag:$0x2], $0x8000, $0x38;
	[tilespmem:$0x10600] =	vst v63  }
0x2f8: {  	_ =	swait.ge [sflag:s4], $0x8000  }
0x2f9: {  	[sflag:s4] =	ssyncset.done $0x0  }
0x2fa: {  	[sflag:s4] =	ssyncadd.s32 $0xFFFF8000  }
0x2fb: {  	v7 =	vld [tilespmem:$0x580];
	_ =	sdelay $0x4  }
0x2fc: {  	v8 =	vshll.u32 v7, $0x1  }
0x2fd: {  	v7 =	vand.u32 $0x7, v7;
	v8 =	vand.u32 $0xFFFFFFF0, v8  }
0x2fe: {  	v7 =	vor.u32 v7, v8  }
0x2ff: {  	v8 =	vperm.xlane v7, v3;
	_ =	sdelay $0x1  }
0x300: {  	v7 =	vperm.xlane v7, v6;
	v8 =	vadd.s32 v5, v8;
	_ =	sdelay $0x1  }
0x301: {  	v7 =	vadd.s32 v5, v7;
	_ =	sdelay $0x2  }
0x302: {  	[tilespmem:s12], [sflag:$0x1] =	stream.indirect_vreg.gather [hbm4b:s3+s2], $0x80, v8, vm0, $0xb8;
	[tilespmem:$0x10600] =	vst v63  }
0x303: {  	_ = 	snop  }
0x304: {  	[tilespmem:s31], [sflag:$0x1] =	stream.indirect_vreg.gather [hbm4b:s3+s2], $0x80, v7, vm0, $0xb8;
	[tilespmem:$0x10600] =	vst v63  }
0x305: {  	v7 =	vld [tilespmem:$0x590];
	_ =	sdelay $0x4  }
0x306: {  	v8 =	vshll.u32 v7, $0x1  }
0x307: {  	v7 =	vand.u32 $0x7, v7;
	v8 =	vand.u32 $0xFFFFFFF0, v8  }
0x308: {  	v7 =	vor.u32 v7, v8  }
0x309: {  	v8 =	vperm.xlane v7, v3;
	_ =	sdelay $0x1  }
0x30a: {  	v7 =	vperm.xlane v7, v6;
	v8 =	vadd.s32 v5, v8;
	_ =	sdelay $0x1  }
0x30b: {  	v7 =	vadd.s32 v5, v7;
	_ =	sdelay $0x1  }
0x30c: {  	s13 =	simm.s32 $0x9600  }
0x30d: {  	[tilespmem:s13], [sflag:$0x1] =	stream.indirect_vreg.gather [hbm4b:s3+s2], $0x80, v8, vm0, $0xb8;
	[tilespmem:$0x10600] =	vst v63  }
0x30e: {  	s13 =	simm.s32 $0x9E00  }
0x30f: {  	[tilespmem:s13], [sflag:$0x1] =	stream.indirect_vreg.gather [hbm4b:s3+s2], $0x80, v7, vm0, $0xb8;
	[tilespmem:$0x10600] =	vst v63  }
0x310: {  	v7 =	vld [tilespmem:$0x5A0];
	_ =	sdelay $0x4  }
0x311: {  	v8 =	vshll.u32 v7, $0x1  }
0x312: {  	v7 =	vand.u32 $0x7, v7;
	v8 =	vand.u32 $0xFFFFFFF0, v8  }
0x313: {  	v7 =	vor.u32 v7, v8  }
0x314: {  	v8 =	vperm.xlane v7, v3;
	_ =	sdelay $0x1  }
0x315: {  	v7 =	vperm.xlane v7, v6;
	v8 =	vadd.s32 v5, v8;
	_ =	sdelay $0x1  }
0x316: {  	v7 =	vadd.s32 v5, v7;
	_ =	sdelay $0x2  }
0x317: {  	[tilespmem:s7], [sflag:$0x1] =	stream.indirect_vreg.gather [hbm4b:s3+s2], $0x80, v8, vm0, $0xb8;
	[tilespmem:$0x10600] =	vst v63  }
0x318: {  	_ = 	snop  }
0x319: {  	[tilespmem:s8], [sflag:$0x1] =	stream.indirect_vreg.gather [hbm4b:s3+s2], $0x80, v7, vm0, $0xb8;
	[tilespmem:$0x10600] =	vst v63  }
0x31a: {  	v7 =	vld [tilespmem:$0x5B0];
	_ =	sdelay $0x4  }
0x31b: {  	v8 =	vshll.u32 v7, $0x1  }
0x31c: {  	v7 =	vand.u32 $0x7, v7;
	v8 =	vand.u32 $0xFFFFFFF0, v8  }
0x31d: {  	v7 =	vor.u32 v7, v8  }
0x31e: {  	v8 =	vperm.xlane v7, v3;
	_ =	sdelay $0x1  }
0x31f: {  	v7 =	vperm.xlane v7, v6;
	v8 =	vadd.s32 v5, v8;
	_ =	sdelay $0x1  }
0x320: {  	v7 =	vadd.s32 v5, v7;
	_ =	sdelay $0x2  }
0x321: {  	[tilespmem:s9], [sflag:$0x1] =	stream.indirect_vreg.gather [hbm4b:s3+s2], $0x80, v8, vm0, $0xb8;
	[tilespmem:$0x10600] =	vst v63  }
0x322: {  	_ = 	snop  }
0x323: {  	[tilespmem:s10], [sflag:$0x1] =	stream.indirect_vreg.gather [hbm4b:s3+s2], $0x80, v7, vm0, $0xb8;
	[tilespmem:$0x10600] =	vst v63  }
0x324: {  	v7 =	vld [tilespmem:$0x5C0];
	_ =	sdelay $0x4  }
0x325: {  	v8 =	vshll.u32 v7, $0x1  }
0x326: {  	v7 =	vand.u32 $0x7, v7;
	v8 =	vand.u32 $0xFFFFFFF0, v8  }
0x327: {  	v7 =	vor.u32 v7, v8  }
0x328: {  	v8 =	vperm.xlane v7, v3;
	_ =	sdelay $0x1  }
0x329: {  	v7 =	vperm.xlane v7, v6;
	v8 =	vadd.s32 v5, v8;
	_ =	sdelay $0x1  }
0x32a: {  	v7 =	vadd.s32 v5, v7;
	_ =	sdelay $0x2  }
0x32b: {  	[tilespmem:s11], [sflag:$0x1] =	stream.indirect_vreg.gather [hbm4b:s3+s2], $0x80, v8, vm0, $0xb8;
	[tilespmem:$0x10600] =	vst v63  }
0x32c: {  	_ = 	snop  }
0x32d: {  	[tilespmem:s6], [sflag:$0x1] =	stream.indirect_vreg.gather [hbm4b:s3+s2], $0x80, v7, vm0, $0xb8;
	[tilespmem:$0x10600] =	vst v63  }
0x32e: {  	v7 =	vld [tilespmem:$0x5D0];
	_ =	sdelay $0x4  }
0x32f: {  	v8 =	vshll.u32 v7, $0x1  }
0x330: {  	v7 =	vand.u32 $0x7, v7;
	v8 =	vand.u32 $0xFFFFFFF0, v8  }
0x331: {  	v7 =	vor.u32 v7, v8  }
0x332: {  	v8 =	vperm.xlane v7, v3;
	_ =	sdelay $0x1  }
0x333: {  	v7 =	vperm.xlane v7, v6;
	v8 =	vadd.s32 v5, v8;
	_ =	sdelay $0x1  }
0x334: {  	v7 =	vadd.s32 v5, v7;
	_ =	sdelay $0x1  }
0x335: {  	s13 =	simm.s32 $0xD600  }
0x336: {  	[tilespmem:s13], [sflag:$0x1] =	stream.indirect_vreg.gather [hbm4b:s3+s2], $0x80, v8, vm0, $0xb8;
	[tilespmem:$0x10600] =	vst v63  }
0x337: {  	_ = 	snop  }
0x338: {  	[tilespmem:s22], [sflag:$0x1] =	stream.indirect_vreg.gather [hbm4b:s3+s2], $0x80, v7, vm0, $0xb8;
	[tilespmem:$0x10600] =	vst v63  }
0x339: {  	v7 =	vld [tilespmem:$0x5E0];
	_ =	sdelay $0x4  }
0x33a: {  	v8 =	vshll.u32 v7, $0x1  }
0x33b: {  	v7 =	vand.u32 $0x7, v7;
	v8 =	vand.u32 $0xFFFFFFF0, v8  }
0x33c: {  	v7 =	vor.u32 v7, v8  }
0x33d: {  	v8 =	vperm.xlane v7, v3;
	_ =	sdelay $0x1  }
0x33e: {  	v7 =	vperm.xlane v7, v6;
	v8 =	vadd.s32 v5, v8;
	_ =	sdelay $0x1  }
0x33f: {  	v7 =	vadd.s32 v5, v7;
	_ =	sdelay $0x1  }
0x340: {  	s13 =	simm.s32 $0xE600  }
0x341: {  	[tilespmem:s13], [sflag:$0x1] =	stream.indirect_vreg.gather [hbm4b:s3+s2], $0x80, v8, vm0, $0xb8;
	[tilespmem:$0x10600] =	vst v63  }
0x342: {  	s13 =	simm.s32 $0xEE00  }
0x343: {  	[tilespmem:s13], [sflag:$0x1] =	stream.indirect_vreg.gather [hbm4b:s3+s2], $0x80, v7, vm0, $0xb8;
	[tilespmem:$0x10600] =	vst v63  }
0x344: {  	v7 =	vld [tilespmem:$0x5F0];
	_ =	sdelay $0x4  }
0x345: {  	v8 =	vshll.u32 v7, $0x1  }
0x346: {  	v7 =	vand.u32 $0x7, v7;
	v8 =	vand.u32 $0xFFFFFFF0, v8  }
0x347: {  	v7 =	vor.u32 v7, v8  }
0x348: {  	v3 =	vperm.xlane v7, v3;
	_ =	sdelay $0x1  }
0x349: {  	v6 =	vperm.xlane v7, v6;
	v3 =	vadd.s32 v5, v3;
	_ =	sdelay $0x1  }
0x34a: {  	v5 =	vadd.s32 v5, v6;
	_ =	sdelay $0x1  }
0x34b: {  	s13 =	simm.s32 $0xF600  }
0x34c: {  	[tilespmem:s13], [sflag:$0x1] =	stream.indirect_vreg.gather [hbm4b:s3+s2], $0x80, v3, vm0, $0xb8;
	[tilespmem:$0x10600] =	vst v63  }
0x34d: {  	s13 =	simm.s32 $0xFE00  }
0x34e: {  	[tilespmem:s13], [sflag:$0x1] =	stream.indirect_vreg.gather [hbm4b:s3+s2], $0x80, v5, vm0, $0xb8;
	[tilespmem:$0x10600] =	vst v63  }
0x34f: {  	_ =	swait.ge [sflag:s1], $0x8000  }
0x350: {  	[sflag:s1] =	ssyncset.done $0x0  }
0x351: {  	s0 =	simm.s32 $0x600;
	s13 =	rddreg [dreg:$0x6];
	[sflag:s1] =	ssyncadd.s32 $0xFFFF8000  }
0x352: {  	[hbm4b:s13+s2] =	stream.linear.scatter [tilespmem:s0], [sflag:$0x2], $0x8000, $0x38;
	[tilespmem:$0x10600] =	vst v63  }
0x353: {  	_ =	swait.ge [sflag:s4], $0x8000  }
0x354: {  	[sflag:s4] =	ssyncset.done $0x0  }
0x355: {  	[sflag:s4] =	ssyncadd.s32 $0xFFFF8000  }
0x356: {  	_ =	swait.ge [sflag:s1], $0x8000  }
0x357: {  	p0 =	sne.s32 s5, $0x1;
	[sflag:s1] =	ssyncset.done $0x0  }
.Ltmp0:
0x358: {  	s0 =	rddreg [dreg:$0x7];
	[sflag:s1] =	ssyncadd.s32 $0xFFFF8000;
	(pc) =	sbr.rel @p0 .LBB2_1-.Ltmp0, $4  }
0x359: {  	[hbm4b:s0+s2] =	stream.linear.scatter [tilespmem:s12], [sflag:$0x2], $0x8000, $0x38;
	[tilespmem:$0x10600] =	vst v63  }
0x35a: {  	_ =	swait.ge [sflag:s4], $0x8000  }
0x35b: {  	[sflag:s4] =	ssyncset.done $0x0  }
0x35c: {  	s5 =	sadd.s32 $0xFFFFFFFF, s5;
	[sflag:s4] =	ssyncadd.s32 $0xFFFF8000  }
0x35d: {  	_ =	sfence.sel $0x180000  }
0x35e: {  	[bflag:$0x0] =	sbarrier.arrive $0xFFFF  }
0x35f: {  	_ =	strace $0x90000047  }
0x360: {  	s0 =	stileid.u32;
	[bflag:$0x2] =	sbarrier.arrive $0xFFFF  }
0x361: {  	p0 =	sne.s32 s0, $0x0;
	s0 =	rddreg [dreg:$0x2]  }
0x362: {  	s0 =	sadd.s32 @!p0 $0x100000, s0  }
0x363: {  	[sflag:s0] =	ssyncadd.tile.s32 @!p0 $0x1;
	_ =	shalt  }
.Lfunc_end2:
_tile_overlayer_lowered:
.L_overlay_start_2:
0x364: {  	(tag) =	ssettag $0x2  }
0x365: {  	s0 =	rddreg [dreg:$0x0];
	s2 =	stileid.u32  }
0x366: {  	s1 =	rddreg [dreg:$0x1];
	p0 =	sne.s32 s2, $0x0  }
0x367: {  	s3 =	rddreg [dreg:$0x2];
	[bflag:$0x3] =	sbarrier.arrive $0xFFFF;
	s2 =	simm.s32 @!p0 $0x1C02  }
0x368: {  	[timem:s3], [sflag:s2] =	dma.local @!p0 [hbm:s0], s1  }
0x369: {  	s0 =	simm.s32 @!p0 $0x2  }
0x36a: {  	_ =	swait.ge @!p0 [sflag:s0], s1  }
0x36b: {  	s1 =	ssub.s32 @!p0 $0x0, s1;
	[sflag:s0] =	ssyncset.done @!p0 $0x0  }
0x36c: {  	[sflag:s0] =	ssyncadd.s32 @!p0 s1  }
0x36d: {  	[bflag:$0x3] =	sbarrier.arrive $0xFFFF  }
0x36e: {  	_ =	shalt  }

</sc_bundles>
